<compile_context>
chip_gen: v7x
topology: tpu7x:2x2x1
jax: 0.10.2.dev20260603
libtpu: 0.0.44.dev20260713+nightly
codegen_flags: <defaults>
</compile_context>

<pallas_src>
import jax
import jax.numpy as jnp
from jax import lax
from jax.experimental import pallas as pl
from jax.experimental.pallas import tpu as pltpu
from jax.experimental.pallas import tpu_sc as plsc

_K = 64
_M = 128
_N = 32768
_NC, _NS, _L = 2, 16, 16
_NW = _NC * _NS
_RPW = _M // _NW
_NV = _N // _L
_MIN32 = -2147483648


def _f2k(v):
    b = lax.bitcast_convert_type(v, jnp.int32)
    return b ^ (lax.shift_right_arithmetic(b, 31) & jnp.int32(0x7FFFFFFF))


def _k2f(kvec):
    b = jnp.where(kvec >= 0, kvec, kvec ^ jnp.int32(0x7FFFFFFF))
    return lax.bitcast_convert_type(b, jnp.float32)


def _process_row(x_v, buf_v):
    neg_inf = jnp.full((_L,), -jnp.inf, jnp.float32)

    def amax(j, accs):
        base = j * 16 * _L
        return tuple(
            jnp.maximum(
                jnp.maximum(a, x_v[pl.ds(base + g * _L, _L)]),
                x_v[pl.ds(base + (g + 8) * _L, _L)],
            )
            for g, a in enumerate(accs)
        )

    accs = lax.fori_loop(0, _NV // 16, amax, (neg_inf,) * 8)
    kaccs = [_f2k(a) for a in accs]

    def bstep(i, ub):
        bit = jnp.int32(31) - i
        cand = ub | lax.shift_left(jnp.int32(1), bit)
        cs = cand ^ _MIN32
        cntv = jnp.zeros((_L,), jnp.int32)
        for ka in kaccs:
            cntv = cntv + (ka >= cs).astype(jnp.int32)
        cnt = jnp.sum(cntv)
        return jnp.where(cnt >= _K, cand, ub)

    ub = lax.fori_loop(0, 32, bstep, jnp.int32(0))
    m2f_v = _k2f(jnp.full((_L,), ub ^ _MIN32, jnp.int32))

    lane = lax.iota(jnp.int32, _L)
    c16 = jnp.full((_L,), _L, jnp.int32)
    c0 = jnp.zeros((_L,), jnp.int32)

    def cstep(i, addr_v):
        base = i * 8 * _L
        for u in range(8):
            v = x_v[pl.ds(base + u * _L, _L)]
            msk = v >= m2f_v
            plsc.store_scatter(buf_v, [addr_v], v, mask=msk)
            addr_v = addr_v + jnp.where(msk, c16, c0)
        return addr_v

    addr_v = lax.fori_loop(0, _NV // 8, cstep, lane)
    cnt_v = lax.shift_right_logical(addr_v - lane, 4)
    mx = plsc.cummax(cnt_v)[15]
    mc4 = (mx + jnp.int32(3)) & jnp.int32(~3)

    ninf_key = _f2k(neg_inf)

    def clean(i, carry):
        iv = jnp.full((_L,), i, jnp.int32)
        sl = pl.ds(i * _L, _L)
        kv = jnp.where(iv < cnt_v, _f2k(buf_v[sl]), ninf_key)
        buf_v[sl] = lax.bitcast_convert_type(kv, jnp.float32)
        return carry

    lax.fori_loop(0, mc4, clean, jnp.int32(0))

    def bstep2(i, ub2):
        bit = jnp.int32(31) - i
        cand = ub2 | lax.shift_left(jnp.int32(1), bit)
        cs = cand ^ _MIN32

        def inner(j, acc):
            base = j * 4 * _L
            for u in range(4):
                kv = lax.bitcast_convert_type(
                    buf_v[pl.ds(base + u * _L, _L)], jnp.int32)
                acc = acc + (kv >= cs).astype(jnp.int32)
            return acc

        cntv = lax.fori_loop(0, mc4 // 4, inner, jnp.zeros((_L,), jnp.int32))
        cnt = jnp.sum(cntv)
        return jnp.where(cnt >= _K, cand, ub2)

    ub2 = lax.fori_loop(0, 32, bstep2, jnp.int32(0))
    t_v = _k2f(jnp.full((_L,), ub2 ^ _MIN32, jnp.int32))

    zero = jnp.zeros((_L,), jnp.float32)

    def mstep(i, carry):
        base = i * 8 * _L
        for u in range(8):
            sl = pl.ds(base + u * _L, _L)
            v = x_v[sl]
            x_v[sl] = jnp.where(v >= t_v, v, zero)
        return carry

    lax.fori_loop(0, _NV // 8, mstep, jnp.int32(0))


def _sc_body(in_hbm, out_hbm, xa_v, xb_v, buf_v,
             sin_a, sin_b, sout_a, sout_b):
    wid = lax.axis_index("s") * _NC + lax.axis_index("c")
    bufs = (xa_v, xb_v)
    sins = (sin_a, sin_b)
    souts = (sout_a, sout_b)
    in_h = {}
    out_h = [None, None]

    in_h[0] = pltpu.async_copy(in_hbm.at[wid * _RPW], bufs[0], sins[0])
    for rr in range(_RPW):
        b = rr % 2
        if rr + 1 < _RPW:
            nb = (rr + 1) % 2
            if out_h[nb] is not None:
                out_h[nb].wait()
            in_h[rr + 1] = pltpu.async_copy(
                in_hbm.at[wid * _RPW + rr + 1], bufs[nb], sins[nb])
        in_h[rr].wait()
        _process_row(bufs[b], buf_v)
        out_h[b] = pltpu.async_copy(bufs[b], out_hbm.at[wid * _RPW + rr],
                                    souts[b])
    for b in range(2):
        if out_h[b] is not None:
            out_h[b].wait()


@jax.jit
def kernel(input):
    mesh = plsc.VectorSubcoreMesh(
        core_axis_name="c", subcore_axis_name="s",
        num_cores=_NC, num_subcores=_NS,
    )
    run = pl.kernel(
        _sc_body,
        out_type=jax.ShapeDtypeStruct((_M, _N), jnp.float32),
        mesh=mesh,
        compiler_params=pltpu.CompilerParams(needs_layout_passes=False),
        scratch_types=[
            pltpu.VMEM((_N,), jnp.float32),
            pltpu.VMEM((_N,), jnp.float32),
            pltpu.VMEM((_N + 4 * _L,), jnp.float32),
            pltpu.SemaphoreType.DMA,
            pltpu.SemaphoreType.DMA,
            pltpu.SemaphoreType.DMA,
            pltpu.SemaphoreType.DMA,
        ],
    )
    return run(input)

# --- scband reference (transcript-rebuilt; emitter-appended) ---
"""Pipeline reference for scband-top-case-layer-87737591923050 (READ-ONLY COPY).

The authoritative reference and input builder live on the scoring server;
editing this copy changes nothing except your own understanding.
"""

import jax, jax.numpy as jnp
import numpy as np

K = 64

def setup_inputs(seed: int = 0) -> dict:
    key = jax.random.key(seed)
    inp = jax.random.normal(key, (128, 32768), dtype=jnp.float32)
    return {"input": inp}

def reference(input):
    # Faithful translation of TopCaseLayer in eval mode:
    # keep top-k activations per row, zero out the rest.
    vals, idx = jax.lax.top_k(input, K)
    rows = jnp.arange(input.shape[0])[:, None]
    output = jnp.zeros_like(input).at[rows, idx].set(vals)
    return output

if __name__ == "__main__":
    import jax
    _d = setup_inputs()
    print(jax.jit(kernel)(*tuple(_d.values())))

</pallas_src>

<mosaic_0001>
#map = affine_map<(d0, d1) -> (0, 0)>
module attributes {stable_mosaic.version = 14 : i64} {
  func.func @_sc_body(%arg0: i32, %arg1: i32, %arg2: memref<128x32768xf32, #tpu.memory_space<hbm>>, %arg3: memref<128x32768xf32, #tpu.memory_space<hbm>>, %arg4: memref<32768xf32, #tpu.memory_space<vmem>>, %arg5: memref<32768xf32, #tpu.memory_space<vmem>>, %arg6: memref<32832xf32, #tpu.memory_space<vmem>>, %arg7: memref<!tpu.dma_semaphore, #tpu.memory_space<semaphore_mem>>, %arg8: memref<!tpu.dma_semaphore, #tpu.memory_space<semaphore_mem>>, %arg9: memref<!tpu.dma_semaphore, #tpu.memory_space<semaphore_mem>>, %arg10: memref<!tpu.dma_semaphore, #tpu.memory_space<semaphore_mem>>) attributes {dimension_semantics = [#tpu.dimension_semantics<core_parallel>, #tpu.dimension_semantics<subcore_parallel>], iteration_bounds = array<i64: 2, 16>, scalar_prefetch = 0 : i64, scratch_operands = 7 : i64, tpu.core_type = #tpu.core_type<sc_vector_subcore>, window_params = [{transform_indices = #map}, {transform_indices = #map}]} {
    %mul3A = arith.constant 2 : i32
    %mul3A_0 = arith.muli %arg1, %mul3A : i32
    %add3A = arith.addi %mul3A_0, %arg0 : i32
    %mul3A_1 = arith.constant 4 : i32
    %mul3A_2 = arith.muli %add3A, %mul3A_1 : i32
    %dma_start3A = arith.constant 0 : i32
    %dma_start3A_3 = tpu.memref_slice %arg2[%mul3A_2, %dma_start3A] : memref<128x32768xf32, #tpu.memory_space<hbm>> -> memref<1x32768xf32, #tpu.memory_space<hbm>>
    %dma_start3A_4 = tpu.memref_squeeze %dma_start3A_3 : memref<1x32768xf32, #tpu.memory_space<hbm>> -> memref<32768xf32, #tpu.memory_space<hbm>>
    %dma_start3A_5 = arith.constant 0 : i32
    %dma_start3A_6 = tpu.memref_slice %arg2[%mul3A_2, %dma_start3A_5] : memref<128x32768xf32, #tpu.memory_space<hbm>> -> memref<1x32768xf32, #tpu.memory_space<hbm>>
    %dma_start3A_7 = tpu.memref_squeeze %dma_start3A_6 : memref<1x32768xf32, #tpu.memory_space<hbm>> -> memref<32768xf32, #tpu.memory_space<hbm>>
    tpu.enqueue_dma source(%dma_start3A_7 : memref<32768xf32, #tpu.memory_space<hbm>>) target(%arg4 : memref<32768xf32, #tpu.memory_space<vmem>>) target_semaphore(%arg7 : memref<!tpu.dma_semaphore, #tpu.memory_space<semaphore_mem>>)
    %mul3A_8 = arith.constant 4 : i32
    %mul3A_9 = arith.muli %add3A, %mul3A_8 : i32
    %add3A_10 = arith.constant 0 : i32
    %add3A_11 = arith.addi %mul3A_9, %add3A_10 : i32
    %add3A_12 = arith.constant 1 : i32
    %add3A_13 = arith.addi %add3A_11, %add3A_12 : i32
    %dma_start3A_14 = arith.constant 0 : i32
    %dma_start3A_15 = tpu.memref_slice %arg2[%add3A_13, %dma_start3A_14] : memref<128x32768xf32, #tpu.memory_space<hbm>> -> memref<1x32768xf32, #tpu.memory_space<hbm>>
    %dma_start3A_16 = tpu.memref_squeeze %dma_start3A_15 : memref<1x32768xf32, #tpu.memory_space<hbm>> -> memref<32768xf32, #tpu.memory_space<hbm>>
    %dma_start3A_17 = arith.constant 0 : i32
    %dma_start3A_18 = tpu.memref_slice %arg2[%add3A_13, %dma_start3A_17] : memref<128x32768xf32, #tpu.memory_space<hbm>> -> memref<1x32768xf32, #tpu.memory_space<hbm>>
    %dma_start3A_19 = tpu.memref_squeeze %dma_start3A_18 : memref<1x32768xf32, #tpu.memory_space<hbm>> -> memref<32768xf32, #tpu.memory_space<hbm>>
    tpu.enqueue_dma source(%dma_start3A_19 : memref<32768xf32, #tpu.memory_space<hbm>>) target(%arg5 : memref<32768xf32, #tpu.memory_space<vmem>>) target_semaphore(%arg8 : memref<!tpu.dma_semaphore, #tpu.memory_space<semaphore_mem>>)
    %dma_wait3A = arith.constant 0 : i32
    %dma_wait3A_20 = tpu.memref_slice %arg2[%mul3A_2, %dma_wait3A] : memref<128x32768xf32, #tpu.memory_space<hbm>> -> memref<1x32768xf32, #tpu.memory_space<hbm>>
    %dma_wait3A_21 = tpu.memref_squeeze %dma_wait3A_20 : memref<1x32768xf32, #tpu.memory_space<hbm>> -> memref<32768xf32, #tpu.memory_space<hbm>>
    %dma_wait3A_22 = arith.constant 0 : i32
    %dma_wait3A_23 = tpu.memref_slice %arg2[%mul3A_2, %dma_wait3A_22] : memref<128x32768xf32, #tpu.memory_space<hbm>> -> memref<1x32768xf32, #tpu.memory_space<hbm>>
    %dma_wait3A_24 = tpu.memref_squeeze %dma_wait3A_23 : memref<1x32768xf32, #tpu.memory_space<hbm>> -> memref<32768xf32, #tpu.memory_space<hbm>>
    tpu.wait_dma2 semaphore(%arg7 : memref<!tpu.dma_semaphore, #tpu.memory_space<semaphore_mem>>) src(%dma_wait3A_24 : memref<32768xf32, #tpu.memory_space<hbm>>) dst(%arg4 : memref<32768xf32, #tpu.memory_space<vmem>>)
    %broadcast_in_dim3A = arith.constant 0xFF800000 : f32
    %broadcast_in_dim3A_25 = vector.broadcast %broadcast_in_dim3A : f32 to vector<16xf32>
    %scan3A = arith.constant 0 : i32
    %scan3A_26 = arith.constant 128 : i32
    %scan3A_27 = arith.addi %scan3A, %scan3A_26 : i32
    %scan3A_28 = arith.constant 1 : i32
    %scan3A_29:8 = scf.for %scan3A_764 = %scan3A to %scan3A_27 step %scan3A_28 iter_args(%scan3A_765 = %broadcast_in_dim3A_25, %scan3A_766 = %broadcast_in_dim3A_25, %scan3A_767 = %broadcast_in_dim3A_25, %scan3A_768 = %broadcast_in_dim3A_25, %scan3A_769 = %broadcast_in_dim3A_25, %scan3A_770 = %broadcast_in_dim3A_25, %scan3A_771 = %broadcast_in_dim3A_25, %scan3A_772 = %broadcast_in_dim3A_25) -> (vector<16xf32>, vector<16xf32>, vector<16xf32>, vector<16xf32>, vector<16xf32>, vector<16xf32>, vector<16xf32>, vector<16xf32>)  : i32 {
      %mul3A_773 = arith.constant 16 : i32
      %mul3A_774 = arith.muli %scan3A_764, %mul3A_773 : i32
      %mul3A_775 = arith.constant 16 : i32
      %mul3A_776 = arith.muli %mul3A_774, %mul3A_775 : i32
      %add3A_777 = arith.constant 0 : i32
      %add3A_778 = arith.addi %mul3A_776, %add3A_777 : i32
      %get3A = arith.index_cast %add3A_778 : i32 to index
      %get3A_779 = tpu.vector_load %arg4[%get3A] {strides = array<i32>} : memref<32768xf32, #tpu.memory_space<vmem>>, vector<16xf32>,
      %max3A = arith.maximumf %scan3A_765, %get3A_779 : vector<16xf32>
      %add3A_780 = arith.constant 128 : i32
      %add3A_781 = arith.addi %mul3A_776, %add3A_780 : i32
      %get3A_782 = arith.index_cast %add3A_781 : i32 to index
      %get3A_783 = tpu.vector_load %arg4[%get3A_782] {strides = array<i32>} : memref<32768xf32, #tpu.memory_space<vmem>>, vector<16xf32>,
      %max3A_784 = arith.maximumf %max3A, %get3A_783 : vector<16xf32>
      %add3A_785 = arith.constant 16 : i32
      %add3A_786 = arith.addi %mul3A_776, %add3A_785 : i32
      %get3A_787 = arith.index_cast %add3A_786 : i32 to index
      %get3A_788 = tpu.vector_load %arg4[%get3A_787] {strides = array<i32>} : memref<32768xf32, #tpu.memory_space<vmem>>, vector<16xf32>,
      %max3A_789 = arith.maximumf %scan3A_766, %get3A_788 : vector<16xf32>
      %add3A_790 = arith.constant 144 : i32
      %add3A_791 = arith.addi %mul3A_776, %add3A_790 : i32
      %get3A_792 = arith.index_cast %add3A_791 : i32 to index
      %get3A_793 = tpu.vector_load %arg4[%get3A_792] {strides = array<i32>} : memref<32768xf32, #tpu.memory_space<vmem>>, vector<16xf32>,
      %max3A_794 = arith.maximumf %max3A_789, %get3A_793 : vector<16xf32>
      %add3A_795 = arith.constant 32 : i32
      %add3A_796 = arith.addi %mul3A_776, %add3A_795 : i32
      %get3A_797 = arith.index_cast %add3A_796 : i32 to index
      %get3A_798 = tpu.vector_load %arg4[%get3A_797] {strides = array<i32>} : memref<32768xf32, #tpu.memory_space<vmem>>, vector<16xf32>,
      %max3A_799 = arith.maximumf %scan3A_767, %get3A_798 : vector<16xf32>
      %add3A_800 = arith.constant 160 : i32
      %add3A_801 = arith.addi %mul3A_776, %add3A_800 : i32
      %get3A_802 = arith.index_cast %add3A_801 : i32 to index
      %get3A_803 = tpu.vector_load %arg4[%get3A_802] {strides = array<i32>} : memref<32768xf32, #tpu.memory_space<vmem>>, vector<16xf32>,
      %max3A_804 = arith.maximumf %max3A_799, %get3A_803 : vector<16xf32>
      %add3A_805 = arith.constant 48 : i32
      %add3A_806 = arith.addi %mul3A_776, %add3A_805 : i32
      %get3A_807 = arith.index_cast %add3A_806 : i32 to index
      %get3A_808 = tpu.vector_load %arg4[%get3A_807] {strides = array<i32>} : memref<32768xf32, #tpu.memory_space<vmem>>, vector<16xf32>,
      %max3A_809 = arith.maximumf %scan3A_768, %get3A_808 : vector<16xf32>
      %add3A_810 = arith.constant 176 : i32
      %add3A_811 = arith.addi %mul3A_776, %add3A_810 : i32
      %get3A_812 = arith.index_cast %add3A_811 : i32 to index
      %get3A_813 = tpu.vector_load %arg4[%get3A_812] {strides = array<i32>} : memref<32768xf32, #tpu.memory_space<vmem>>, vector<16xf32>,
      %max3A_814 = arith.maximumf %max3A_809, %get3A_813 : vector<16xf32>
      %add3A_815 = arith.constant 64 : i32
      %add3A_816 = arith.addi %mul3A_776, %add3A_815 : i32
      %get3A_817 = arith.index_cast %add3A_816 : i32 to index
      %get3A_818 = tpu.vector_load %arg4[%get3A_817] {strides = array<i32>} : memref<32768xf32, #tpu.memory_space<vmem>>, vector<16xf32>,
      %max3A_819 = arith.maximumf %scan3A_769, %get3A_818 : vector<16xf32>
      %add3A_820 = arith.constant 192 : i32
      %add3A_821 = arith.addi %mul3A_776, %add3A_820 : i32
      %get3A_822 = arith.index_cast %add3A_821 : i32 to index
      %get3A_823 = tpu.vector_load %arg4[%get3A_822] {strides = array<i32>} : memref<32768xf32, #tpu.memory_space<vmem>>, vector<16xf32>,
      %max3A_824 = arith.maximumf %max3A_819, %get3A_823 : vector<16xf32>
      %add3A_825 = arith.constant 80 : i32
      %add3A_826 = arith.addi %mul3A_776, %add3A_825 : i32
      %get3A_827 = arith.index_cast %add3A_826 : i32 to index
      %get3A_828 = tpu.vector_load %arg4[%get3A_827] {strides = array<i32>} : memref<32768xf32, #tpu.memory_space<vmem>>, vector<16xf32>,
      %max3A_829 = arith.maximumf %scan3A_770, %get3A_828 : vector<16xf32>
      %add3A_830 = arith.constant 208 : i32
      %add3A_831 = arith.addi %mul3A_776, %add3A_830 : i32
      %get3A_832 = arith.index_cast %add3A_831 : i32 to index
      %get3A_833 = tpu.vector_load %arg4[%get3A_832] {strides = array<i32>} : memref<32768xf32, #tpu.memory_space<vmem>>, vector<16xf32>,
      %max3A_834 = arith.maximumf %max3A_829, %get3A_833 : vector<16xf32>
      %add3A_835 = arith.constant 96 : i32
      %add3A_836 = arith.addi %mul3A_776, %add3A_835 : i32
      %get3A_837 = arith.index_cast %add3A_836 : i32 to index
      %get3A_838 = tpu.vector_load %arg4[%get3A_837] {strides = array<i32>} : memref<32768xf32, #tpu.memory_space<vmem>>, vector<16xf32>,
      %max3A_839 = arith.maximumf %scan3A_771, %get3A_838 : vector<16xf32>
      %add3A_840 = arith.constant 224 : i32
      %add3A_841 = arith.addi %mul3A_776, %add3A_840 : i32
      %get3A_842 = arith.index_cast %add3A_841 : i32 to index
      %get3A_843 = tpu.vector_load %arg4[%get3A_842] {strides = array<i32>} : memref<32768xf32, #tpu.memory_space<vmem>>, vector<16xf32>,
      %max3A_844 = arith.maximumf %max3A_839, %get3A_843 : vector<16xf32>
      %add3A_845 = arith.constant 112 : i32
      %add3A_846 = arith.addi %mul3A_776, %add3A_845 : i32
      %get3A_847 = arith.index_cast %add3A_846 : i32 to index
      %get3A_848 = tpu.vector_load %arg4[%get3A_847] {strides = array<i32>} : memref<32768xf32, #tpu.memory_space<vmem>>, vector<16xf32>,
      %max3A_849 = arith.maximumf %scan3A_772, %get3A_848 : vector<16xf32>
      %add3A_850 = arith.constant 240 : i32
      %add3A_851 = arith.addi %mul3A_776, %add3A_850 : i32
      %get3A_852 = arith.index_cast %add3A_851 : i32 to index
      %get3A_853 = tpu.vector_load %arg4[%get3A_852] {strides = array<i32>} : memref<32768xf32, #tpu.memory_space<vmem>>, vector<16xf32>,
      %max3A_854 = arith.maximumf %max3A_849, %get3A_853 : vector<16xf32>
      scf.yield %max3A_784, %max3A_794, %max3A_804, %max3A_814, %max3A_824, %max3A_834, %max3A_844, %max3A_854 : vector<16xf32>, vector<16xf32>, vector<16xf32>, vector<16xf32>, vector<16xf32>, vector<16xf32>, vector<16xf32>, vector<16xf32>
    }
    %scan3A_30 = arith.constant 128 : i32
    %bitcast_convert_type3A = tpu.bitcast %scan3A_29#0 : vector<16xf32> -> vector<16xi32>
    %shift_right_arithmetic3A = arith.constant 31 : i32
    %shift_right_arithmetic3A_31 = vector.broadcast %shift_right_arithmetic3A : i32 to vector<16xi32>
    %shift_right_arithmetic3A_32 = arith.shrsi %bitcast_convert_type3A, %shift_right_arithmetic3A_31 : vector<16xi32>
    %and3A = arith.constant 2147483647 : i32
    %and3A_33 = vector.broadcast %and3A : i32 to vector<16xi32>
    %and3A_34 = arith.andi %shift_right_arithmetic3A_32, %and3A_33 : vector<16xi32>
    %xor3A = arith.xori %bitcast_convert_type3A, %and3A_34 : vector<16xi32>
    %bitcast_convert_type3A_35 = tpu.bitcast %scan3A_29#1 : vector<16xf32> -> vector<16xi32>
    %shift_right_arithmetic3A_36 = arith.constant 31 : i32
    %shift_right_arithmetic3A_37 = vector.broadcast %shift_right_arithmetic3A_36 : i32 to vector<16xi32>
    %shift_right_arithmetic3A_38 = arith.shrsi %bitcast_convert_type3A_35, %shift_right_arithmetic3A_37 : vector<16xi32>
    %and3A_39 = arith.constant 2147483647 : i32
    %and3A_40 = vector.broadcast %and3A_39 : i32 to vector<16xi32>
    %and3A_41 = arith.andi %shift_right_arithmetic3A_38, %and3A_40 : vector<16xi32>
    %xor3A_42 = arith.xori %bitcast_convert_type3A_35, %and3A_41 : vector<16xi32>
    %bitcast_convert_type3A_43 = tpu.bitcast %scan3A_29#2 : vector<16xf32> -> vector<16xi32>
    %shift_right_arithmetic3A_44 = arith.constant 31 : i32
    %shift_right_arithmetic3A_45 = vector.broadcast %shift_right_arithmetic3A_44 : i32 to vector<16xi32>
    %shift_right_arithmetic3A_46 = arith.shrsi %bitcast_convert_type3A_43, %shift_right_arithmetic3A_45 : vector<16xi32>
    %and3A_47 = arith.constant 2147483647 : i32
    %and3A_48 = vector.broadcast %and3A_47 : i32 to vector<16xi32>
    %and3A_49 = arith.andi %shift_right_arithmetic3A_46, %and3A_48 : vector<16xi32>
    %xor3A_50 = arith.xori %bitcast_convert_type3A_43, %and3A_49 : vector<16xi32>
    %bitcast_convert_type3A_51 = tpu.bitcast %scan3A_29#3 : vector<16xf32> -> vector<16xi32>
    %shift_right_arithmetic3A_52 = arith.constant 31 : i32
    %shift_right_arithmetic3A_53 = vector.broadcast %shift_right_arithmetic3A_52 : i32 to vector<16xi32>
    %shift_right_arithmetic3A_54 = arith.shrsi %bitcast_convert_type3A_51, %shift_right_arithmetic3A_53 : vector<16xi32>
    %and3A_55 = arith.constant 2147483647 : i32
    %and3A_56 = vector.broadcast %and3A_55 : i32 to vector<16xi32>
    %and3A_57 = arith.andi %shift_right_arithmetic3A_54, %and3A_56 : vector<16xi32>
    %xor3A_58 = arith.xori %bitcast_convert_type3A_51, %and3A_57 : vector<16xi32>
    %bitcast_convert_type3A_59 = tpu.bitcast %scan3A_29#4 : vector<16xf32> -> vector<16xi32>
    %shift_right_arithmetic3A_60 = arith.constant 31 : i32
    %shift_right_arithmetic3A_61 = vector.broadcast %shift_right_arithmetic3A_60 : i32 to vector<16xi32>
    %shift_right_arithmetic3A_62 = arith.shrsi %bitcast_convert_type3A_59, %shift_right_arithmetic3A_61 : vector<16xi32>
    %and3A_63 = arith.constant 2147483647 : i32
    %and3A_64 = vector.broadcast %and3A_63 : i32 to vector<16xi32>
    %and3A_65 = arith.andi %shift_right_arithmetic3A_62, %and3A_64 : vector<16xi32>
    %xor3A_66 = arith.xori %bitcast_convert_type3A_59, %and3A_65 : vector<16xi32>
    %bitcast_convert_type3A_67 = tpu.bitcast %scan3A_29#5 : vector<16xf32> -> vector<16xi32>
    %shift_right_arithmetic3A_68 = arith.constant 31 : i32
    %shift_right_arithmetic3A_69 = vector.broadcast %shift_right_arithmetic3A_68 : i32 to vector<16xi32>
    %shift_right_arithmetic3A_70 = arith.shrsi %bitcast_convert_type3A_67, %shift_right_arithmetic3A_69 : vector<16xi32>
    %and3A_71 = arith.constant 2147483647 : i32
    %and3A_72 = vector.broadcast %and3A_71 : i32 to vector<16xi32>
    %and3A_73 = arith.andi %shift_right_arithmetic3A_70, %and3A_72 : vector<16xi32>
    %xor3A_74 = arith.xori %bitcast_convert_type3A_67, %and3A_73 : vector<16xi32>
    %bitcast_convert_type3A_75 = tpu.bitcast %scan3A_29#6 : vector<16xf32> -> vector<16xi32>
    %shift_right_arithmetic3A_76 = arith.constant 31 : i32
    %shift_right_arithmetic3A_77 = vector.broadcast %shift_right_arithmetic3A_76 : i32 to vector<16xi32>
    %shift_right_arithmetic3A_78 = arith.shrsi %bitcast_convert_type3A_75, %shift_right_arithmetic3A_77 : vector<16xi32>
    %and3A_79 = arith.constant 2147483647 : i32
    %and3A_80 = vector.broadcast %and3A_79 : i32 to vector<16xi32>
    %and3A_81 = arith.andi %shift_right_arithmetic3A_78, %and3A_80 : vector<16xi32>
    %xor3A_82 = arith.xori %bitcast_convert_type3A_75, %and3A_81 : vector<16xi32>
    %bitcast_convert_type3A_83 = tpu.bitcast %scan3A_29#7 : vector<16xf32> -> vector<16xi32>
    %shift_right_arithmetic3A_84 = arith.constant 31 : i32
    %shift_right_arithmetic3A_85 = vector.broadcast %shift_right_arithmetic3A_84 : i32 to vector<16xi32>
    %shift_right_arithmetic3A_86 = arith.shrsi %bitcast_convert_type3A_83, %shift_right_arithmetic3A_85 : vector<16xi32>
    %and3A_87 = arith.constant 2147483647 : i32
    %and3A_88 = vector.broadcast %and3A_87 : i32 to vector<16xi32>
    %and3A_89 = arith.andi %shift_right_arithmetic3A_86, %and3A_88 : vector<16xi32>
    %xor3A_90 = arith.xori %bitcast_convert_type3A_83, %and3A_89 : vector<16xi32>
    %scan3A_91 = arith.constant 0 : i32
    %scan3A_92 = arith.constant 0 : i32
    %scan3A_93 = arith.constant 32 : i32
    %scan3A_94 = arith.addi %scan3A_92, %scan3A_93 : i32
    %scan3A_95 = arith.constant 1 : i32
    %scan3A_96 = scf.for %scan3A_764 = %scan3A_92 to %scan3A_94 step %scan3A_95 iter_args(%scan3A_765 = %scan3A_91) -> (i32)  : i32 {
      %sub3A_766 = arith.constant 31 : i32
      %sub3A_767 = arith.subi %sub3A_766, %scan3A_764 : i32
      %shift_left3A = arith.constant 1 : i32
      %shift_left3A_768 = arith.shli %shift_left3A, %sub3A_767 : i32
      %or3A = arith.ori %scan3A_765, %shift_left3A_768 : i32
      %xor3A_769 = arith.constant -2147483648 : i32
      %xor3A_770 = arith.xori %or3A, %xor3A_769 : i32
      %broadcast_in_dim3A_771 = arith.constant 0 : i32
      %broadcast_in_dim3A_772 = vector.broadcast %broadcast_in_dim3A_771 : i32 to vector<16xi32>
      %ge3A_773 = vector.broadcast %xor3A_770 : i32 to vector<16xi32>
      %ge3A_774 = arith.cmpi sge, %xor3A, %ge3A_773 : vector<16xi32>
      %convert_element_type3A = arith.extui %ge3A_774 : vector<16xi1> to vector<16xi32>
      %add3A_775 = arith.addi %broadcast_in_dim3A_772, %convert_element_type3A : vector<16xi32>
      %ge3A_776 = vector.broadcast %xor3A_770 : i32 to vector<16xi32>
      %ge3A_777 = arith.cmpi sge, %xor3A_42, %ge3A_776 : vector<16xi32>
      %convert_element_type3A_778 = arith.extui %ge3A_777 : vector<16xi1> to vector<16xi32>
      %add3A_779 = arith.addi %add3A_775, %convert_element_type3A_778 : vector<16xi32>
      %ge3A_780 = vector.broadcast %xor3A_770 : i32 to vector<16xi32>
      %ge3A_781 = arith.cmpi sge, %xor3A_50, %ge3A_780 : vector<16xi32>
      %convert_element_type3A_782 = arith.extui %ge3A_781 : vector<16xi1> to vector<16xi32>
      %add3A_783 = arith.addi %add3A_779, %convert_element_type3A_782 : vector<16xi32>
      %ge3A_784 = vector.broadcast %xor3A_770 : i32 to vector<16xi32>
      %ge3A_785 = arith.cmpi sge, %xor3A_58, %ge3A_784 : vector<16xi32>
      %convert_element_type3A_786 = arith.extui %ge3A_785 : vector<16xi1> to vector<16xi32>
      %add3A_787 = arith.addi %add3A_783, %convert_element_type3A_786 : vector<16xi32>
      %ge3A_788 = vector.broadcast %xor3A_770 : i32 to vector<16xi32>
      %ge3A_789 = arith.cmpi sge, %xor3A_66, %ge3A_788 : vector<16xi32>
      %convert_element_type3A_790 = arith.extui %ge3A_789 : vector<16xi1> to vector<16xi32>
      %add3A_791 = arith.addi %add3A_787, %convert_element_type3A_790 : vector<16xi32>
      %ge3A_792 = vector.broadcast %xor3A_770 : i32 to vector<16xi32>
      %ge3A_793 = arith.cmpi sge, %xor3A_74, %ge3A_792 : vector<16xi32>
      %convert_element_type3A_794 = arith.extui %ge3A_793 : vector<16xi1> to vector<16xi32>
      %add3A_795 = arith.addi %add3A_791, %convert_element_type3A_794 : vector<16xi32>
      %ge3A_796 = vector.broadcast %xor3A_770 : i32 to vector<16xi32>
      %ge3A_797 = arith.cmpi sge, %xor3A_82, %ge3A_796 : vector<16xi32>
      %convert_element_type3A_798 = arith.extui %ge3A_797 : vector<16xi1> to vector<16xi32>
      %add3A_799 = arith.addi %add3A_795, %convert_element_type3A_798 : vector<16xi32>
      %ge3A_800 = vector.broadcast %xor3A_770 : i32 to vector<16xi32>
      %ge3A_801 = arith.cmpi sge, %xor3A_90, %ge3A_800 : vector<16xi32>
      %convert_element_type3A_802 = arith.extui %ge3A_801 : vector<16xi1> to vector<16xi32>
      %add3A_803 = arith.addi %add3A_799, %convert_element_type3A_802 : vector<16xi32>
      %reduce_sum3A = arith.constant true
      %reduce_sum3A_804 = vector.broadcast %reduce_sum3A : i1 to vector<16xi1>
      %reduce_sum3A_805 = tpu.scan <sum>, %add3A_803 masked %reduce_sum3A_804 : vector<16xi32>, vector<16xi1> -> vector<16xi32>
      %reduce_sum3A_806 = vector.extract %reduce_sum3A_805[15] : i32 from vector<16xi32>
      %ge3A_807 = arith.constant 64 : i32
      %ge3A_808 = arith.cmpi sge, %reduce_sum3A_806, %ge3A_807 : i32
      %select_n3A_809 = arith.select %ge3A_808, %or3A, %scan3A_765 : i32
      scf.yield %select_n3A_809 : i32
    }
    %scan3A_97 = arith.constant 32 : i32
    %xor3A_98 = arith.constant -2147483648 : i32
    %xor3A_99 = arith.xori %scan3A_96, %xor3A_98 : i32
    %broadcast_in_dim3A_100 = vector.broadcast %xor3A_99 : i32 to vector<16xi32>
    %ge3A = arith.constant 0 : i32
    %ge3A_101 = vector.broadcast %ge3A : i32 to vector<16xi32>
    %ge3A_102 = arith.cmpi sge, %broadcast_in_dim3A_100, %ge3A_101 : vector<16xi32>
    %xor3A_103 = arith.constant 2147483647 : i32
    %xor3A_104 = vector.broadcast %xor3A_103 : i32 to vector<16xi32>
    %xor3A_105 = arith.xori %broadcast_in_dim3A_100, %xor3A_104 : vector<16xi32>
    %select_n3A = arith.select %ge3A_102, %broadcast_in_dim3A_100, %xor3A_105 : vector<16xi1>, vector<16xi32>
    %bitcast_convert_type3A_106 = tpu.bitcast %select_n3A : vector<16xi32> -> vector<16xf32>
    %iota3A = tpu.iota {dimensions = array<i32: 0>} : vector<16xi32>
    %broadcast_in_dim3A_107 = arith.constant 16 : i32
    %broadcast_in_dim3A_108 = vector.broadcast %broadcast_in_dim3A_107 : i32 to vector<16xi32>
    %broadcast_in_dim3A_109 = arith.constant 0 : i32
    %broadcast_in_dim3A_110 = vector.broadcast %broadcast_in_dim3A_109 : i32 to vector<16xi32>
    %scan3A_111 = arith.constant 0 : i32
    %scan3A_112 = arith.constant 256 : i32
    %scan3A_113 = arith.addi %scan3A_111, %scan3A_112 : i32
    %scan3A_114 = arith.constant 1 : i32
    %scan3A_115 = scf.for %scan3A_764 = %scan3A_111 to %scan3A_113 step %scan3A_114 iter_args(%scan3A_765 = %iota3A) -> (vector<16xi32>)  : i32 {
      %mul3A_766 = arith.constant 8 : i32
      %mul3A_767 = arith.muli %scan3A_764, %mul3A_766 : i32
      %mul3A_768 = arith.constant 16 : i32
      %mul3A_769 = arith.muli %mul3A_767, %mul3A_768 : i32
      %add3A_770 = arith.constant 0 : i32
      %add3A_771 = arith.addi %mul3A_769, %add3A_770 : i32
      %get3A = arith.index_cast %add3A_771 : i32 to index
      %get3A_772 = tpu.vector_load %arg4[%get3A] {strides = array<i32>} : memref<32768xf32, #tpu.memory_space<vmem>>, vector<16xf32>,
      %ge3A_773 = arith.cmpf oge, %get3A_772, %bitcast_convert_type3A_106 : vector<16xf32>
      tpu.vector_store_idx %arg6[%scan3A_765], %get3A_772 masked %ge3A_773 : memref<32832xf32, #tpu.memory_space<vmem>>[vector<16xi32>], vector<16xf32>, vector<16xi1>
      %select_n3A_774 = arith.select %ge3A_773, %broadcast_in_dim3A_108, %broadcast_in_dim3A_110 : vector<16xi1>, vector<16xi32>
      %add3A_775 = arith.addi %scan3A_765, %select_n3A_774 : vector<16xi32>
      %add3A_776 = arith.constant 16 : i32
      %add3A_777 = arith.addi %mul3A_769, %add3A_776 : i32
      %get3A_778 = arith.index_cast %add3A_777 : i32 to index
      %get3A_779 = tpu.vector_load %arg4[%get3A_778] {strides = array<i32>} : memref<32768xf32, #tpu.memory_space<vmem>>, vector<16xf32>,
      %ge3A_780 = arith.cmpf oge, %get3A_779, %bitcast_convert_type3A_106 : vector<16xf32>
      tpu.vector_store_idx %arg6[%add3A_775], %get3A_779 masked %ge3A_780 : memref<32832xf32, #tpu.memory_space<vmem>>[vector<16xi32>], vector<16xf32>, vector<16xi1>
      %select_n3A_781 = arith.select %ge3A_780, %broadcast_in_dim3A_108, %broadcast_in_dim3A_110 : vector<16xi1>, vector<16xi32>
      %add3A_782 = arith.addi %add3A_775, %select_n3A_781 : vector<16xi32>
      %add3A_783 = arith.constant 32 : i32
      %add3A_784 = arith.addi %mul3A_769, %add3A_783 : i32
      %get3A_785 = arith.index_cast %add3A_784 : i32 to index
      %get3A_786 = tpu.vector_load %arg4[%get3A_785] {strides = array<i32>} : memref<32768xf32, #tpu.memory_space<vmem>>, vector<16xf32>,
      %ge3A_787 = arith.cmpf oge, %get3A_786, %bitcast_convert_type3A_106 : vector<16xf32>
      tpu.vector_store_idx %arg6[%add3A_782], %get3A_786 masked %ge3A_787 : memref<32832xf32, #tpu.memory_space<vmem>>[vector<16xi32>], vector<16xf32>, vector<16xi1>
      %select_n3A_788 = arith.select %ge3A_787, %broadcast_in_dim3A_108, %broadcast_in_dim3A_110 : vector<16xi1>, vector<16xi32>
      %add3A_789 = arith.addi %add3A_782, %select_n3A_788 : vector<16xi32>
      %add3A_790 = arith.constant 48 : i32
      %add3A_791 = arith.addi %mul3A_769, %add3A_790 : i32
      %get3A_792 = arith.index_cast %add3A_791 : i32 to index
      %get3A_793 = tpu.vector_load %arg4[%get3A_792] {strides = array<i32>} : memref<32768xf32, #tpu.memory_space<vmem>>, vector<16xf32>,
      %ge3A_794 = arith.cmpf oge, %get3A_793, %bitcast_convert_type3A_106 : vector<16xf32>
      tpu.vector_store_idx %arg6[%add3A_789], %get3A_793 masked %ge3A_794 : memref<32832xf32, #tpu.memory_space<vmem>>[vector<16xi32>], vector<16xf32>, vector<16xi1>
      %select_n3A_795 = arith.select %ge3A_794, %broadcast_in_dim3A_108, %broadcast_in_dim3A_110 : vector<16xi1>, vector<16xi32>
      %add3A_796 = arith.addi %add3A_789, %select_n3A_795 : vector<16xi32>
      %add3A_797 = arith.constant 64 : i32
      %add3A_798 = arith.addi %mul3A_769, %add3A_797 : i32
      %get3A_799 = arith.index_cast %add3A_798 : i32 to index
      %get3A_800 = tpu.vector_load %arg4[%get3A_799] {strides = array<i32>} : memref<32768xf32, #tpu.memory_space<vmem>>, vector<16xf32>,
      %ge3A_801 = arith.cmpf oge, %get3A_800, %bitcast_convert_type3A_106 : vector<16xf32>
      tpu.vector_store_idx %arg6[%add3A_796], %get3A_800 masked %ge3A_801 : memref<32832xf32, #tpu.memory_space<vmem>>[vector<16xi32>], vector<16xf32>, vector<16xi1>
      %select_n3A_802 = arith.select %ge3A_801, %broadcast_in_dim3A_108, %broadcast_in_dim3A_110 : vector<16xi1>, vector<16xi32>
      %add3A_803 = arith.addi %add3A_796, %select_n3A_802 : vector<16xi32>
      %add3A_804 = arith.constant 80 : i32
      %add3A_805 = arith.addi %mul3A_769, %add3A_804 : i32
      %get3A_806 = arith.index_cast %add3A_805 : i32 to index
      %get3A_807 = tpu.vector_load %arg4[%get3A_806] {strides = array<i32>} : memref<32768xf32, #tpu.memory_space<vmem>>, vector<16xf32>,
      %ge3A_808 = arith.cmpf oge, %get3A_807, %bitcast_convert_type3A_106 : vector<16xf32>
      tpu.vector_store_idx %arg6[%add3A_803], %get3A_807 masked %ge3A_808 : memref<32832xf32, #tpu.memory_space<vmem>>[vector<16xi32>], vector<16xf32>, vector<16xi1>
      %select_n3A_809 = arith.select %ge3A_808, %broadcast_in_dim3A_108, %broadcast_in_dim3A_110 : vector<16xi1>, vector<16xi32>
      %add3A_810 = arith.addi %add3A_803, %select_n3A_809 : vector<16xi32>
      %add3A_811 = arith.constant 96 : i32
      %add3A_812 = arith.addi %mul3A_769, %add3A_811 : i32
      %get3A_813 = arith.index_cast %add3A_812 : i32 to index
      %get3A_814 = tpu.vector_load %arg4[%get3A_813] {strides = array<i32>} : memref<32768xf32, #tpu.memory_space<vmem>>, vector<16xf32>,
      %ge3A_815 = arith.cmpf oge, %get3A_814, %bitcast_convert_type3A_106 : vector<16xf32>
      tpu.vector_store_idx %arg6[%add3A_810], %get3A_814 masked %ge3A_815 : memref<32832xf32, #tpu.memory_space<vmem>>[vector<16xi32>], vector<16xf32>, vector<16xi1>
      %select_n3A_816 = arith.select %ge3A_815, %broadcast_in_dim3A_108, %broadcast_in_dim3A_110 : vector<16xi1>, vector<16xi32>
      %add3A_817 = arith.addi %add3A_810, %select_n3A_816 : vector<16xi32>
      %add3A_818 = arith.constant 112 : i32
      %add3A_819 = arith.addi %mul3A_769, %add3A_818 : i32
      %get3A_820 = arith.index_cast %add3A_819 : i32 to index
      %get3A_821 = tpu.vector_load %arg4[%get3A_820] {strides = array<i32>} : memref<32768xf32, #tpu.memory_space<vmem>>, vector<16xf32>,
      %ge3A_822 = arith.cmpf oge, %get3A_821, %bitcast_convert_type3A_106 : vector<16xf32>
      tpu.vector_store_idx %arg6[%add3A_817], %get3A_821 masked %ge3A_822 : memref<32832xf32, #tpu.memory_space<vmem>>[vector<16xi32>], vector<16xf32>, vector<16xi1>
      %select_n3A_823 = arith.select %ge3A_822, %broadcast_in_dim3A_108, %broadcast_in_dim3A_110 : vector<16xi1>, vector<16xi32>
      %add3A_824 = arith.addi %add3A_817, %select_n3A_823 : vector<16xi32>
      scf.yield %add3A_824 : vector<16xi32>
    }
    %scan3A_116 = arith.constant 256 : i32
    %sub3A = arith.subi %scan3A_115, %iota3A : vector<16xi32>
    %shift_right_logical3A = arith.constant 4 : i32
    %shift_right_logical3A_117 = vector.broadcast %shift_right_logical3A : i32 to vector<16xi32>
    %shift_right_logical3A_118 = arith.shrui %sub3A, %shift_right_logical3A_117 : vector<16xi32>
    %broadcast_in_dim3A_119 = arith.constant true
    %broadcast_in_dim3A_120 = vector.broadcast %broadcast_in_dim3A_119 : i1 to vector<16xi1>
    %masked_cummax3A = arith.constant -2147483648 : i32
    %masked_cummax3A_121 = vector.broadcast %masked_cummax3A : i32 to vector<16xi32>
    %masked_cummax3A_122 = arith.xori %shift_right_logical3A_118, %masked_cummax3A_121 : vector<16xi32>
    %masked_cummax3A_123 = tpu.scan <max>, %masked_cummax3A_122 masked %broadcast_in_dim3A_120 : vector<16xi32>, vector<16xi1> -> vector<16xi32>
    %masked_cummax3A_124 = arith.xori %masked_cummax3A_123, %masked_cummax3A_121 : vector<16xi32>
    %slice3A = vector.extract_strided_slice %masked_cummax3A_124 {offsets = [15], sizes = [1], strides = [1]} : vector<16xi32> to vector<1xi32>
    %squeeze3A = vector.extract %slice3A[0] : i32 from vector<1xi32>
    %add3A_125 = arith.constant 3 : i32
    %add3A_126 = arith.addi %squeeze3A, %add3A_125 : i32
    %and3A_127 = arith.constant -4 : i32
    %and3A_128 = arith.andi %add3A_126, %and3A_127 : i32
    %bitcast_convert_type3A_129 = tpu.bitcast %broadcast_in_dim3A_25 : vector<16xf32> -> vector<16xi32>
    %shift_right_arithmetic3A_130 = arith.constant 31 : i32
    %shift_right_arithmetic3A_131 = vector.broadcast %shift_right_arithmetic3A_130 : i32 to vector<16xi32>
    %shift_right_arithmetic3A_132 = arith.shrsi %bitcast_convert_type3A_129, %shift_right_arithmetic3A_131 : vector<16xi32>
    %and3A_133 = arith.constant 2147483647 : i32
    %and3A_134 = vector.broadcast %and3A_133 : i32 to vector<16xi32>
    %and3A_135 = arith.andi %shift_right_arithmetic3A_132, %and3A_134 : vector<16xi32>
    %xor3A_136 = arith.xori %bitcast_convert_type3A_129, %and3A_135 : vector<16xi32>
    %while3A = arith.constant 0 : i32
    %while3A_137 = arith.constant 0 : i32
    %while3A_138 = arith.subi %and3A_128, %while3A_137 : i32
    %while3A_139 = arith.addi %while3A_137, %while3A_138 : i32
    %while3A_140 = arith.constant 1 : i32
    %while3A_141 = arith.divsi %while3A_138, %while3A_140 : i32
    %while3A_142 = arith.muli %while3A_141, %while3A_140 : i32
    %while3A_143 = arith.addi %while3A_137, %while3A_142 : i32
    %while3A_144 = arith.constant 1 : i32
    scf.for %while3A_764 = %while3A_137 to %while3A_143 step %while3A_144  : i32 {
      %broadcast_in_dim3A_765 = vector.broadcast %while3A_764 : i32 to vector<16xi32>
      %mul3A_766 = arith.constant 16 : i32
      %mul3A_767 = arith.muli %while3A_764, %mul3A_766 : i32
      %lt3A = arith.cmpi slt, %broadcast_in_dim3A_765, %shift_right_logical3A_118 : vector<16xi32>
      %get3A = arith.index_cast %mul3A_767 : i32 to index
      %get3A_768 = tpu.vector_load %arg6[%get3A] {strides = array<i32>} : memref<32832xf32, #tpu.memory_space<vmem>>, vector<16xf32>,
      %bitcast_convert_type3A_769 = tpu.bitcast %get3A_768 : vector<16xf32> -> vector<16xi32>
      %shift_right_arithmetic3A_770 = arith.constant 31 : i32
      %shift_right_arithmetic3A_771 = vector.broadcast %shift_right_arithmetic3A_770 : i32 to vector<16xi32>
      %shift_right_arithmetic3A_772 = arith.shrsi %bitcast_convert_type3A_769, %shift_right_arithmetic3A_771 : vector<16xi32>
      %and3A_773 = arith.constant 2147483647 : i32
      %and3A_774 = vector.broadcast %and3A_773 : i32 to vector<16xi32>
      %and3A_775 = arith.andi %shift_right_arithmetic3A_772, %and3A_774 : vector<16xi32>
      %xor3A_776 = arith.xori %bitcast_convert_type3A_769, %and3A_775 : vector<16xi32>
      %select_n3A_777 = arith.select %lt3A, %xor3A_776, %xor3A_136 : vector<16xi1>, vector<16xi32>
      %bitcast_convert_type3A_778 = tpu.bitcast %select_n3A_777 : vector<16xi32> -> vector<16xf32>
      %swap3A = arith.index_cast %mul3A_767 : i32 to index
      %swap3A_779 = tpu.vector_load %arg6[%swap3A] {strides = array<i32>} : memref<32832xf32, #tpu.memory_space<vmem>>, vector<16xf32>,
      tpu.vector_store %arg6[%swap3A], %bitcast_convert_type3A_778 {strides = array<i32>} : memref<32832xf32, #tpu.memory_space<vmem>>, vector<16xf32>,
    }
    %while3A_145 = arith.constant 1 : i32
    scf.for %while3A_764 = %while3A_143 to %while3A_139 step %while3A_145  : i32 {
      %broadcast_in_dim3A_765 = vector.broadcast %while3A_764 : i32 to vector<16xi32>
      %mul3A_766 = arith.constant 16 : i32
      %mul3A_767 = arith.muli %while3A_764, %mul3A_766 : i32
      %lt3A = arith.cmpi slt, %broadcast_in_dim3A_765, %shift_right_logical3A_118 : vector<16xi32>
      %get3A = arith.index_cast %mul3A_767 : i32 to index
      %get3A_768 = tpu.vector_load %arg6[%get3A] {strides = array<i32>} : memref<32832xf32, #tpu.memory_space<vmem>>, vector<16xf32>,
      %bitcast_convert_type3A_769 = tpu.bitcast %get3A_768 : vector<16xf32> -> vector<16xi32>
      %shift_right_arithmetic3A_770 = arith.constant 31 : i32
      %shift_right_arithmetic3A_771 = vector.broadcast %shift_right_arithmetic3A_770 : i32 to vector<16xi32>
      %shift_right_arithmetic3A_772 = arith.shrsi %bitcast_convert_type3A_769, %shift_right_arithmetic3A_771 : vector<16xi32>
      %and3A_773 = arith.constant 2147483647 : i32
      %and3A_774 = vector.broadcast %and3A_773 : i32 to vector<16xi32>
      %and3A_775 = arith.andi %shift_right_arithmetic3A_772, %and3A_774 : vector<16xi32>
      %xor3A_776 = arith.xori %bitcast_convert_type3A_769, %and3A_775 : vector<16xi32>
      %select_n3A_777 = arith.select %lt3A, %xor3A_776, %xor3A_136 : vector<16xi1>, vector<16xi32>
      %bitcast_convert_type3A_778 = tpu.bitcast %select_n3A_777 : vector<16xi32> -> vector<16xf32>
      %swap3A = arith.index_cast %mul3A_767 : i32 to index
      %swap3A_779 = tpu.vector_load %arg6[%swap3A] {strides = array<i32>} : memref<32832xf32, #tpu.memory_space<vmem>>, vector<16xf32>,
      tpu.vector_store %arg6[%swap3A], %bitcast_convert_type3A_778 {strides = array<i32>} : memref<32832xf32, #tpu.memory_space<vmem>>, vector<16xf32>,
    }
    %scan3A_146 = arith.constant 0 : i32
    %scan3A_147 = arith.constant 0 : i32
    %scan3A_148 = arith.constant 32 : i32
    %scan3A_149 = arith.addi %scan3A_147, %scan3A_148 : i32
    %scan3A_150 = arith.constant 1 : i32
    %scan3A_151 = scf.for %scan3A_764 = %scan3A_147 to %scan3A_149 step %scan3A_150 iter_args(%scan3A_765 = %scan3A_146) -> (i32)  : i32 {
      %sub3A_766 = arith.constant 31 : i32
      %sub3A_767 = arith.subi %sub3A_766, %scan3A_764 : i32
      %shift_left3A = arith.constant 1 : i32
      %shift_left3A_768 = arith.shli %shift_left3A, %sub3A_767 : i32
      %or3A = arith.ori %scan3A_765, %shift_left3A_768 : i32
      %xor3A_769 = arith.constant -2147483648 : i32
      %xor3A_770 = arith.xori %or3A, %xor3A_769 : i32
      %jit3A = arith.constant 4 : i32
      %div3A = arith.divsi %and3A_128, %jit3A : i32
      %sign3A = arith.constant 0 : i32
      %sign3A_771 = arith.cmpi sgt, %and3A_128, %sign3A : i32
      %sign3A_772 = arith.extui %sign3A_771 : i1 to i32
      %sign3A_773 = arith.constant 0 : i32
      %sign3A_774 = arith.cmpi slt, %and3A_128, %sign3A_773 : i32
      %sign3A_775 = arith.extui %sign3A_774 : i1 to i32
      %sign3A_776 = arith.subi %sign3A_772, %sign3A_775 : i32
      %sign3A_777 = arith.constant 0 : i32
      %sign3A_778 = arith.cmpi sgt, %jit3A, %sign3A_777 : i32
      %sign3A_779 = arith.extui %sign3A_778 : i1 to i32
      %sign3A_780 = arith.constant 0 : i32
      %sign3A_781 = arith.cmpi slt, %jit3A, %sign3A_780 : i32
      %sign3A_782 = arith.extui %sign3A_781 : i1 to i32
      %sign3A_783 = arith.subi %sign3A_779, %sign3A_782 : i32
      %ne3A = arith.cmpi ne, %sign3A_776, %sign3A_783 : i32
      %rem3A = arith.remsi %and3A_128, %jit3A : i32
      %ne3A_784 = arith.constant 0 : i32
      %ne3A_785 = arith.cmpi ne, %rem3A, %ne3A_784 : i32
      %and3A_786 = arith.andi %ne3A, %ne3A_785 : i1
      %sub3A_787 = arith.constant 1 : i32
      %sub3A_788 = arith.subi %div3A, %sub3A_787 : i32
      %select_n3A_789 = arith.select %and3A_786, %sub3A_788, %div3A : i32
      %broadcast_in_dim3A_790 = arith.constant 0 : i32
      %broadcast_in_dim3A_791 = vector.broadcast %broadcast_in_dim3A_790 : i32 to vector<16xi32>
      %while3A_792 = arith.constant 0 : i32
      %while3A_793 = arith.subi %select_n3A_789, %while3A_792 : i32
      %while3A_794 = arith.addi %while3A_792, %while3A_793 : i32
      %while3A_795 = arith.constant 1 : i32
      %while3A_796 = arith.divsi %while3A_793, %while3A_795 : i32
      %while3A_797 = arith.muli %while3A_796, %while3A_795 : i32
      %while3A_798 = arith.addi %while3A_792, %while3A_797 : i32
      %while3A_799 = arith.constant 1 : i32
      %while3A_800 = scf.for %while3A_809 = %while3A_792 to %while3A_798 step %while3A_799 iter_args(%while3A_810 = %broadcast_in_dim3A_791) -> (vector<16xi32>)  : i32 {
        %mul3A_811 = arith.constant 4 : i32
        %mul3A_812 = arith.muli %while3A_809, %mul3A_811 : i32
        %mul3A_813 = arith.constant 16 : i32
        %mul3A_814 = arith.muli %mul3A_812, %mul3A_813 : i32
        %add3A_815 = arith.constant 0 : i32
        %add3A_816 = arith.addi %mul3A_814, %add3A_815 : i32
        %get3A = arith.index_cast %add3A_816 : i32 to index
        %get3A_817 = tpu.vector_load %arg6[%get3A] {strides = array<i32>} : memref<32832xf32, #tpu.memory_space<vmem>>, vector<16xf32>,
        %bitcast_convert_type3A_818 = tpu.bitcast %get3A_817 : vector<16xf32> -> vector<16xi32>
        %ge3A_819 = vector.broadcast %xor3A_770 : i32 to vector<16xi32>
        %ge3A_820 = arith.cmpi sge, %bitcast_convert_type3A_818, %ge3A_819 : vector<16xi32>
        %convert_element_type3A = arith.extui %ge3A_820 : vector<16xi1> to vector<16xi32>
        %add3A_821 = arith.addi %while3A_810, %convert_element_type3A : vector<16xi32>
        %add3A_822 = arith.constant 16 : i32
        %add3A_823 = arith.addi %mul3A_814, %add3A_822 : i32
        %get3A_824 = arith.index_cast %add3A_823 : i32 to index
        %get3A_825 = tpu.vector_load %arg6[%get3A_824] {strides = array<i32>} : memref<32832xf32, #tpu.memory_space<vmem>>, vector<16xf32>,
        %bitcast_convert_type3A_826 = tpu.bitcast %get3A_825 : vector<16xf32> -> vector<16xi32>
        %ge3A_827 = vector.broadcast %xor3A_770 : i32 to vector<16xi32>
        %ge3A_828 = arith.cmpi sge, %bitcast_convert_type3A_826, %ge3A_827 : vector<16xi32>
        %convert_element_type3A_829 = arith.extui %ge3A_828 : vector<16xi1> to vector<16xi32>
        %add3A_830 = arith.addi %add3A_821, %convert_element_type3A_829 : vector<16xi32>
        %add3A_831 = arith.constant 32 : i32
        %add3A_832 = arith.addi %mul3A_814, %add3A_831 : i32
        %get3A_833 = arith.index_cast %add3A_832 : i32 to index
        %get3A_834 = tpu.vector_load %arg6[%get3A_833] {strides = array<i32>} : memref<32832xf32, #tpu.memory_space<vmem>>, vector<16xf32>,
        %bitcast_convert_type3A_835 = tpu.bitcast %get3A_834 : vector<16xf32> -> vector<16xi32>
        %ge3A_836 = vector.broadcast %xor3A_770 : i32 to vector<16xi32>
        %ge3A_837 = arith.cmpi sge, %bitcast_convert_type3A_835, %ge3A_836 : vector<16xi32>
        %convert_element_type3A_838 = arith.extui %ge3A_837 : vector<16xi1> to vector<16xi32>
        %add3A_839 = arith.addi %add3A_830, %convert_element_type3A_838 : vector<16xi32>
        %add3A_840 = arith.constant 48 : i32
        %add3A_841 = arith.addi %mul3A_814, %add3A_840 : i32
        %get3A_842 = arith.index_cast %add3A_841 : i32 to index
        %get3A_843 = tpu.vector_load %arg6[%get3A_842] {strides = array<i32>} : memref<32832xf32, #tpu.memory_space<vmem>>, vector<16xf32>,
        %bitcast_convert_type3A_844 = tpu.bitcast %get3A_843 : vector<16xf32> -> vector<16xi32>
        %ge3A_845 = vector.broadcast %xor3A_770 : i32 to vector<16xi32>
        %ge3A_846 = arith.cmpi sge, %bitcast_convert_type3A_844, %ge3A_845 : vector<16xi32>
        %convert_element_type3A_847 = arith.extui %ge3A_846 : vector<16xi1> to vector<16xi32>
        %add3A_848 = arith.addi %add3A_839, %convert_element_type3A_847 : vector<16xi32>
        scf.yield %add3A_848 : vector<16xi32>
      }
      %while3A_801 = arith.constant 1 : i32
      %while3A_802 = scf.for %while3A_809 = %while3A_798 to %while3A_794 step %while3A_801 iter_args(%while3A_810 = %while3A_800) -> (vector<16xi32>)  : i32 {
        %mul3A_811 = arith.constant 4 : i32
        %mul3A_812 = arith.muli %while3A_809, %mul3A_811 : i32
        %mul3A_813 = arith.constant 16 : i32
        %mul3A_814 = arith.muli %mul3A_812, %mul3A_813 : i32
        %add3A_815 = arith.constant 0 : i32
        %add3A_816 = arith.addi %mul3A_814, %add3A_815 : i32
        %get3A = arith.index_cast %add3A_816 : i32 to index
        %get3A_817 = tpu.vector_load %arg6[%get3A] {strides = array<i32>} : memref<32832xf32, #tpu.memory_space<vmem>>, vector<16xf32>,
        %bitcast_convert_type3A_818 = tpu.bitcast %get3A_817 : vector<16xf32> -> vector<16xi32>
        %ge3A_819 = vector.broadcast %xor3A_770 : i32 to vector<16xi32>
        %ge3A_820 = arith.cmpi sge, %bitcast_convert_type3A_818, %ge3A_819 : vector<16xi32>
        %convert_element_type3A = arith.extui %ge3A_820 : vector<16xi1> to vector<16xi32>
        %add3A_821 = arith.addi %while3A_810, %convert_element_type3A : vector<16xi32>
        %add3A_822 = arith.constant 16 : i32
        %add3A_823 = arith.addi %mul3A_814, %add3A_822 : i32
        %get3A_824 = arith.index_cast %add3A_823 : i32 to index
        %get3A_825 = tpu.vector_load %arg6[%get3A_824] {strides = array<i32>} : memref<32832xf32, #tpu.memory_space<vmem>>, vector<16xf32>,
        %bitcast_convert_type3A_826 = tpu.bitcast %get3A_825 : vector<16xf32> -> vector<16xi32>
        %ge3A_827 = vector.broadcast %xor3A_770 : i32 to vector<16xi32>
        %ge3A_828 = arith.cmpi sge, %bitcast_convert_type3A_826, %ge3A_827 : vector<16xi32>
        %convert_element_type3A_829 = arith.extui %ge3A_828 : vector<16xi1> to vector<16xi32>
        %add3A_830 = arith.addi %add3A_821, %convert_element_type3A_829 : vector<16xi32>
        %add3A_831 = arith.constant 32 : i32
        %add3A_832 = arith.addi %mul3A_814, %add3A_831 : i32
        %get3A_833 = arith.index_cast %add3A_832 : i32 to index
        %get3A_834 = tpu.vector_load %arg6[%get3A_833] {strides = array<i32>} : memref<32832xf32, #tpu.memory_space<vmem>>, vector<16xf32>,
        %bitcast_convert_type3A_835 = tpu.bitcast %get3A_834 : vector<16xf32> -> vector<16xi32>
        %ge3A_836 = vector.broadcast %xor3A_770 : i32 to vector<16xi32>
        %ge3A_837 = arith.cmpi sge, %bitcast_convert_type3A_835, %ge3A_836 : vector<16xi32>
        %convert_element_type3A_838 = arith.extui %ge3A_837 : vector<16xi1> to vector<16xi32>
        %add3A_839 = arith.addi %add3A_830, %convert_element_type3A_838 : vector<16xi32>
        %add3A_840 = arith.constant 48 : i32
        %add3A_841 = arith.addi %mul3A_814, %add3A_840 : i32
        %get3A_842 = arith.index_cast %add3A_841 : i32 to index
        %get3A_843 = tpu.vector_load %arg6[%get3A_842] {strides = array<i32>} : memref<32832xf32, #tpu.memory_space<vmem>>, vector<16xf32>,
        %bitcast_convert_type3A_844 = tpu.bitcast %get3A_843 : vector<16xf32> -> vector<16xi32>
        %ge3A_845 = vector.broadcast %xor3A_770 : i32 to vector<16xi32>
        %ge3A_846 = arith.cmpi sge, %bitcast_convert_type3A_844, %ge3A_845 : vector<16xi32>
        %convert_element_type3A_847 = arith.extui %ge3A_846 : vector<16xi1> to vector<16xi32>
        %add3A_848 = arith.addi %add3A_839, %convert_element_type3A_847 : vector<16xi32>
        scf.yield %add3A_848 : vector<16xi32>
      }
      %reduce_sum3A = arith.constant true
      %reduce_sum3A_803 = vector.broadcast %reduce_sum3A : i1 to vector<16xi1>
      %reduce_sum3A_804 = tpu.scan <sum>, %while3A_802 masked %reduce_sum3A_803 : vector<16xi32>, vector<16xi1> -> vector<16xi32>
      %reduce_sum3A_805 = vector.extract %reduce_sum3A_804[15] : i32 from vector<16xi32>
      %ge3A_806 = arith.constant 64 : i32
      %ge3A_807 = arith.cmpi sge, %reduce_sum3A_805, %ge3A_806 : i32
      %select_n3A_808 = arith.select %ge3A_807, %or3A, %scan3A_765 : i32
      scf.yield %select_n3A_808 : i32
    }
    %scan3A_152 = arith.constant 32 : i32
    %xor3A_153 = arith.constant -2147483648 : i32
    %xor3A_154 = arith.xori %scan3A_151, %xor3A_153 : i32
    %broadcast_in_dim3A_155 = vector.broadcast %xor3A_154 : i32 to vector<16xi32>
    %ge3A_156 = arith.constant 0 : i32
    %ge3A_157 = vector.broadcast %ge3A_156 : i32 to vector<16xi32>
    %ge3A_158 = arith.cmpi sge, %broadcast_in_dim3A_155, %ge3A_157 : vector<16xi32>
    %xor3A_159 = arith.constant 2147483647 : i32
    %xor3A_160 = vector.broadcast %xor3A_159 : i32 to vector<16xi32>
    %xor3A_161 = arith.xori %broadcast_in_dim3A_155, %xor3A_160 : vector<16xi32>
    %select_n3A_162 = arith.select %ge3A_158, %broadcast_in_dim3A_155, %xor3A_161 : vector<16xi1>, vector<16xi32>
    %bitcast_convert_type3A_163 = tpu.bitcast %select_n3A_162 : vector<16xi32> -> vector<16xf32>
    %broadcast_in_dim3A_164 = arith.constant 0.000000e+00 : f32
    %broadcast_in_dim3A_165 = vector.broadcast %broadcast_in_dim3A_164 : f32 to vector<16xf32>
    %scan3A_166 = arith.constant 0 : i32
    %scan3A_167 = arith.constant 0 : i32
    %scan3A_168 = arith.constant 256 : i32
    %scan3A_169 = arith.addi %scan3A_167, %scan3A_168 : i32
    %scan3A_170 = arith.constant 1 : i32
    scf.for %scan3A_764 = %scan3A_167 to %scan3A_169 step %scan3A_170  : i32 {
      %mul3A_765 = arith.constant 8 : i32
      %mul3A_766 = arith.muli %scan3A_764, %mul3A_765 : i32
      %mul3A_767 = arith.constant 16 : i32
      %mul3A_768 = arith.muli %mul3A_766, %mul3A_767 : i32
      %add3A_769 = arith.constant 0 : i32
      %add3A_770 = arith.addi %mul3A_768, %add3A_769 : i32
      %get3A = arith.index_cast %add3A_770 : i32 to index
      %get3A_771 = tpu.vector_load %arg4[%get3A] {strides = array<i32>} : memref<32768xf32, #tpu.memory_space<vmem>>, vector<16xf32>,
      %ge3A_772 = arith.cmpf oge, %get3A_771, %bitcast_convert_type3A_163 : vector<16xf32>
      %select_n3A_773 = arith.select %ge3A_772, %get3A_771, %broadcast_in_dim3A_165 : vector<16xi1>, vector<16xf32>
      %swap3A = arith.index_cast %add3A_770 : i32 to index
      %swap3A_774 = tpu.vector_load %arg4[%swap3A] {strides = array<i32>} : memref<32768xf32, #tpu.memory_space<vmem>>, vector<16xf32>,
      tpu.vector_store %arg4[%swap3A], %select_n3A_773 {strides = array<i32>} : memref<32768xf32, #tpu.memory_space<vmem>>, vector<16xf32>,
      %add3A_775 = arith.constant 16 : i32
      %add3A_776 = arith.addi %mul3A_768, %add3A_775 : i32
      %get3A_777 = arith.index_cast %add3A_776 : i32 to index
      %get3A_778 = tpu.vector_load %arg4[%get3A_777] {strides = array<i32>} : memref<32768xf32, #tpu.memory_space<vmem>>, vector<16xf32>,
      %ge3A_779 = arith.cmpf oge, %get3A_778, %bitcast_convert_type3A_163 : vector<16xf32>
      %select_n3A_780 = arith.select %ge3A_779, %get3A_778, %broadcast_in_dim3A_165 : vector<16xi1>, vector<16xf32>
      %swap3A_781 = arith.index_cast %add3A_776 : i32 to index
      %swap3A_782 = tpu.vector_load %arg4[%swap3A_781] {strides = array<i32>} : memref<32768xf32, #tpu.memory_space<vmem>>, vector<16xf32>,
      tpu.vector_store %arg4[%swap3A_781], %select_n3A_780 {strides = array<i32>} : memref<32768xf32, #tpu.memory_space<vmem>>, vector<16xf32>,
      %add3A_783 = arith.constant 32 : i32
      %add3A_784 = arith.addi %mul3A_768, %add3A_783 : i32
      %get3A_785 = arith.index_cast %add3A_784 : i32 to index
      %get3A_786 = tpu.vector_load %arg4[%get3A_785] {strides = array<i32>} : memref<32768xf32, #tpu.memory_space<vmem>>, vector<16xf32>,
      %ge3A_787 = arith.cmpf oge, %get3A_786, %bitcast_convert_type3A_163 : vector<16xf32>
      %select_n3A_788 = arith.select %ge3A_787, %get3A_786, %broadcast_in_dim3A_165 : vector<16xi1>, vector<16xf32>
      %swap3A_789 = arith.index_cast %add3A_784 : i32 to index
      %swap3A_790 = tpu.vector_load %arg4[%swap3A_789] {strides = array<i32>} : memref<32768xf32, #tpu.memory_space<vmem>>, vector<16xf32>,
      tpu.vector_store %arg4[%swap3A_789], %select_n3A_788 {strides = array<i32>} : memref<32768xf32, #tpu.memory_space<vmem>>, vector<16xf32>,
      %add3A_791 = arith.constant 48 : i32
      %add3A_792 = arith.addi %mul3A_768, %add3A_791 : i32
      %get3A_793 = arith.index_cast %add3A_792 : i32 to index
      %get3A_794 = tpu.vector_load %arg4[%get3A_793] {strides = array<i32>} : memref<32768xf32, #tpu.memory_space<vmem>>, vector<16xf32>,
      %ge3A_795 = arith.cmpf oge, %get3A_794, %bitcast_convert_type3A_163 : vector<16xf32>
      %select_n3A_796 = arith.select %ge3A_795, %get3A_794, %broadcast_in_dim3A_165 : vector<16xi1>, vector<16xf32>
      %swap3A_797 = arith.index_cast %add3A_792 : i32 to index
      %swap3A_798 = tpu.vector_load %arg4[%swap3A_797] {strides = array<i32>} : memref<32768xf32, #tpu.memory_space<vmem>>, vector<16xf32>,
      tpu.vector_store %arg4[%swap3A_797], %select_n3A_796 {strides = array<i32>} : memref<32768xf32, #tpu.memory_space<vmem>>, vector<16xf32>,
      %add3A_799 = arith.constant 64 : i32
      %add3A_800 = arith.addi %mul3A_768, %add3A_799 : i32
      %get3A_801 = arith.index_cast %add3A_800 : i32 to index
      %get3A_802 = tpu.vector_load %arg4[%get3A_801] {strides = array<i32>} : memref<32768xf32, #tpu.memory_space<vmem>>, vector<16xf32>,
      %ge3A_803 = arith.cmpf oge, %get3A_802, %bitcast_convert_type3A_163 : vector<16xf32>
      %select_n3A_804 = arith.select %ge3A_803, %get3A_802, %broadcast_in_dim3A_165 : vector<16xi1>, vector<16xf32>
      %swap3A_805 = arith.index_cast %add3A_800 : i32 to index
      %swap3A_806 = tpu.vector_load %arg4[%swap3A_805] {strides = array<i32>} : memref<32768xf32, #tpu.memory_space<vmem>>, vector<16xf32>,
      tpu.vector_store %arg4[%swap3A_805], %select_n3A_804 {strides = array<i32>} : memref<32768xf32, #tpu.memory_space<vmem>>, vector<16xf32>,
      %add3A_807 = arith.constant 80 : i32
      %add3A_808 = arith.addi %mul3A_768, %add3A_807 : i32
      %get3A_809 = arith.index_cast %add3A_808 : i32 to index
      %get3A_810 = tpu.vector_load %arg4[%get3A_809] {strides = array<i32>} : memref<32768xf32, #tpu.memory_space<vmem>>, vector<16xf32>,
      %ge3A_811 = arith.cmpf oge, %get3A_810, %bitcast_convert_type3A_163 : vector<16xf32>
      %select_n3A_812 = arith.select %ge3A_811, %get3A_810, %broadcast_in_dim3A_165 : vector<16xi1>, vector<16xf32>
      %swap3A_813 = arith.index_cast %add3A_808 : i32 to index
      %swap3A_814 = tpu.vector_load %arg4[%swap3A_813] {strides = array<i32>} : memref<32768xf32, #tpu.memory_space<vmem>>, vector<16xf32>,
      tpu.vector_store %arg4[%swap3A_813], %select_n3A_812 {strides = array<i32>} : memref<32768xf32, #tpu.memory_space<vmem>>, vector<16xf32>,
      %add3A_815 = arith.constant 96 : i32
      %add3A_816 = arith.addi %mul3A_768, %add3A_815 : i32
      %get3A_817 = arith.index_cast %add3A_816 : i32 to index
      %get3A_818 = tpu.vector_load %arg4[%get3A_817] {strides = array<i32>} : memref<32768xf32, #tpu.memory_space<vmem>>, vector<16xf32>,
      %ge3A_819 = arith.cmpf oge, %get3A_818, %bitcast_convert_type3A_163 : vector<16xf32>
      %select_n3A_820 = arith.select %ge3A_819, %get3A_818, %broadcast_in_dim3A_165 : vector<16xi1>, vector<16xf32>
      %swap3A_821 = arith.index_cast %add3A_816 : i32 to index
      %swap3A_822 = tpu.vector_load %arg4[%swap3A_821] {strides = array<i32>} : memref<32768xf32, #tpu.memory_space<vmem>>, vector<16xf32>,
      tpu.vector_store %arg4[%swap3A_821], %select_n3A_820 {strides = array<i32>} : memref<32768xf32, #tpu.memory_space<vmem>>, vector<16xf32>,
      %add3A_823 = arith.constant 112 : i32
      %add3A_824 = arith.addi %mul3A_768, %add3A_823 : i32
      %get3A_825 = arith.index_cast %add3A_824 : i32 to index
      %get3A_826 = tpu.vector_load %arg4[%get3A_825] {strides = array<i32>} : memref<32768xf32, #tpu.memory_space<vmem>>, vector<16xf32>,
      %ge3A_827 = arith.cmpf oge, %get3A_826, %bitcast_convert_type3A_163 : vector<16xf32>
      %select_n3A_828 = arith.select %ge3A_827, %get3A_826, %broadcast_in_dim3A_165 : vector<16xi1>, vector<16xf32>
      %swap3A_829 = arith.index_cast %add3A_824 : i32 to index
      %swap3A_830 = tpu.vector_load %arg4[%swap3A_829] {strides = array<i32>} : memref<32768xf32, #tpu.memory_space<vmem>>, vector<16xf32>,
      tpu.vector_store %arg4[%swap3A_829], %select_n3A_828 {strides = array<i32>} : memref<32768xf32, #tpu.memory_space<vmem>>, vector<16xf32>,
    }
    %scan3A_171 = arith.constant 256 : i32
    %mul3A_172 = arith.constant 4 : i32
    %mul3A_173 = arith.muli %add3A, %mul3A_172 : i32
    %add3A_174 = arith.constant 0 : i32
    %add3A_175 = arith.addi %mul3A_173, %add3A_174 : i32
    %dma_start3A_176 = arith.constant 0 : i32
    %dma_start3A_177 = tpu.memref_slice %arg3[%add3A_175, %dma_start3A_176] : memref<128x32768xf32, #tpu.memory_space<hbm>> -> memref<1x32768xf32, #tpu.memory_space<hbm>>
    %dma_start3A_178 = tpu.memref_squeeze %dma_start3A_177 : memref<1x32768xf32, #tpu.memory_space<hbm>> -> memref<32768xf32, #tpu.memory_space<hbm>>
    %dma_start3A_179 = arith.constant 0 : i32
    %dma_start3A_180 = tpu.memref_slice %arg3[%add3A_175, %dma_start3A_179] : memref<128x32768xf32, #tpu.memory_space<hbm>> -> memref<1x32768xf32, #tpu.memory_space<hbm>>
    %dma_start3A_181 = tpu.memref_squeeze %dma_start3A_180 : memref<1x32768xf32, #tpu.memory_space<hbm>> -> memref<32768xf32, #tpu.memory_space<hbm>>
    tpu.enqueue_dma source(%arg4 : memref<32768xf32, #tpu.memory_space<vmem>>) target(%dma_start3A_181 : memref<32768xf32, #tpu.memory_space<hbm>>) target_semaphore(%arg9 : memref<!tpu.dma_semaphore, #tpu.memory_space<semaphore_mem>>)
    %dma_wait3A_182 = arith.constant 0 : i32
    %dma_wait3A_183 = tpu.memref_slice %arg3[%add3A_175, %dma_wait3A_182] : memref<128x32768xf32, #tpu.memory_space<hbm>> -> memref<1x32768xf32, #tpu.memory_space<hbm>>
    %dma_wait3A_184 = tpu.memref_squeeze %dma_wait3A_183 : memref<1x32768xf32, #tpu.memory_space<hbm>> -> memref<32768xf32, #tpu.memory_space<hbm>>
    %dma_wait3A_185 = arith.constant 0 : i32
    %dma_wait3A_186 = tpu.memref_slice %arg3[%add3A_175, %dma_wait3A_185] : memref<128x32768xf32, #tpu.memory_space<hbm>> -> memref<1x32768xf32, #tpu.memory_space<hbm>>
    %dma_wait3A_187 = tpu.memref_squeeze %dma_wait3A_186 : memref<1x32768xf32, #tpu.memory_space<hbm>> -> memref<32768xf32, #tpu.memory_space<hbm>>
    tpu.wait_dma2 semaphore(%arg9 : memref<!tpu.dma_semaphore, #tpu.memory_space<semaphore_mem>>) src(%arg4 : memref<32768xf32, #tpu.memory_space<vmem>>) dst(%dma_wait3A_187 : memref<32768xf32, #tpu.memory_space<hbm>>)
    %mul3A_188 = arith.constant 4 : i32
    %mul3A_189 = arith.muli %add3A, %mul3A_188 : i32
    %add3A_190 = arith.constant 1 : i32
    %add3A_191 = arith.addi %mul3A_189, %add3A_190 : i32
    %add3A_192 = arith.constant 1 : i32
    %add3A_193 = arith.addi %add3A_191, %add3A_192 : i32
    %dma_start3A_194 = arith.constant 0 : i32
    %dma_start3A_195 = tpu.memref_slice %arg2[%add3A_193, %dma_start3A_194] : memref<128x32768xf32, #tpu.memory_space<hbm>> -> memref<1x32768xf32, #tpu.memory_space<hbm>>
    %dma_start3A_196 = tpu.memref_squeeze %dma_start3A_195 : memref<1x32768xf32, #tpu.memory_space<hbm>> -> memref<32768xf32, #tpu.memory_space<hbm>>
    %dma_start3A_197 = arith.constant 0 : i32
    %dma_start3A_198 = tpu.memref_slice %arg2[%add3A_193, %dma_start3A_197] : memref<128x32768xf32, #tpu.memory_space<hbm>> -> memref<1x32768xf32, #tpu.memory_space<hbm>>
    %dma_start3A_199 = tpu.memref_squeeze %dma_start3A_198 : memref<1x32768xf32, #tpu.memory_space<hbm>> -> memref<32768xf32, #tpu.memory_space<hbm>>
    tpu.enqueue_dma source(%dma_start3A_199 : memref<32768xf32, #tpu.memory_space<hbm>>) target(%arg4 : memref<32768xf32, #tpu.memory_space<vmem>>) target_semaphore(%arg7 : memref<!tpu.dma_semaphore, #tpu.memory_space<semaphore_mem>>)
    %dma_wait3A_200 = arith.constant 0 : i32
    %dma_wait3A_201 = tpu.memref_slice %arg2[%add3A_13, %dma_wait3A_200] : memref<128x32768xf32, #tpu.memory_space<hbm>> -> memref<1x32768xf32, #tpu.memory_space<hbm>>
    %dma_wait3A_202 = tpu.memref_squeeze %dma_wait3A_201 : memref<1x32768xf32, #tpu.memory_space<hbm>> -> memref<32768xf32, #tpu.memory_space<hbm>>
    %dma_wait3A_203 = arith.constant 0 : i32
    %dma_wait3A_204 = tpu.memref_slice %arg2[%add3A_13, %dma_wait3A_203] : memref<128x32768xf32, #tpu.memory_space<hbm>> -> memref<1x32768xf32, #tpu.memory_space<hbm>>
    %dma_wait3A_205 = tpu.memref_squeeze %dma_wait3A_204 : memref<1x32768xf32, #tpu.memory_space<hbm>> -> memref<32768xf32, #tpu.memory_space<hbm>>
    tpu.wait_dma2 semaphore(%arg8 : memref<!tpu.dma_semaphore, #tpu.memory_space<semaphore_mem>>) src(%dma_wait3A_205 : memref<32768xf32, #tpu.memory_space<hbm>>) dst(%arg5 : memref<32768xf32, #tpu.memory_space<vmem>>)
    %broadcast_in_dim3A_206 = arith.constant 0xFF800000 : f32
    %broadcast_in_dim3A_207 = vector.broadcast %broadcast_in_dim3A_206 : f32 to vector<16xf32>
    %scan3A_208 = arith.constant 0 : i32
    %scan3A_209 = arith.constant 128 : i32
    %scan3A_210 = arith.addi %scan3A_208, %scan3A_209 : i32
    %scan3A_211 = arith.constant 1 : i32
    %scan3A_212:8 = scf.for %scan3A_764 = %scan3A_208 to %scan3A_210 step %scan3A_211 iter_args(%scan3A_765 = %broadcast_in_dim3A_207, %scan3A_766 = %broadcast_in_dim3A_207, %scan3A_767 = %broadcast_in_dim3A_207, %scan3A_768 = %broadcast_in_dim3A_207, %scan3A_769 = %broadcast_in_dim3A_207, %scan3A_770 = %broadcast_in_dim3A_207, %scan3A_771 = %broadcast_in_dim3A_207, %scan3A_772 = %broadcast_in_dim3A_207) -> (vector<16xf32>, vector<16xf32>, vector<16xf32>, vector<16xf32>, vector<16xf32>, vector<16xf32>, vector<16xf32>, vector<16xf32>)  : i32 {
      %mul3A_773 = arith.constant 16 : i32
      %mul3A_774 = arith.muli %scan3A_764, %mul3A_773 : i32
      %mul3A_775 = arith.constant 16 : i32
      %mul3A_776 = arith.muli %mul3A_774, %mul3A_775 : i32
      %add3A_777 = arith.constant 0 : i32
      %add3A_778 = arith.addi %mul3A_776, %add3A_777 : i32
      %get3A = arith.index_cast %add3A_778 : i32 to index
      %get3A_779 = tpu.vector_load %arg5[%get3A] {strides = array<i32>} : memref<32768xf32, #tpu.memory_space<vmem>>, vector<16xf32>,
      %max3A = arith.maximumf %scan3A_765, %get3A_779 : vector<16xf32>
      %add3A_780 = arith.constant 128 : i32
      %add3A_781 = arith.addi %mul3A_776, %add3A_780 : i32
      %get3A_782 = arith.index_cast %add3A_781 : i32 to index
      %get3A_783 = tpu.vector_load %arg5[%get3A_782] {strides = array<i32>} : memref<32768xf32, #tpu.memory_space<vmem>>, vector<16xf32>,
      %max3A_784 = arith.maximumf %max3A, %get3A_783 : vector<16xf32>
      %add3A_785 = arith.constant 16 : i32
      %add3A_786 = arith.addi %mul3A_776, %add3A_785 : i32
      %get3A_787 = arith.index_cast %add3A_786 : i32 to index
      %get3A_788 = tpu.vector_load %arg5[%get3A_787] {strides = array<i32>} : memref<32768xf32, #tpu.memory_space<vmem>>, vector<16xf32>,
      %max3A_789 = arith.maximumf %scan3A_766, %get3A_788 : vector<16xf32>
      %add3A_790 = arith.constant 144 : i32
      %add3A_791 = arith.addi %mul3A_776, %add3A_790 : i32
      %get3A_792 = arith.index_cast %add3A_791 : i32 to index
      %get3A_793 = tpu.vector_load %arg5[%get3A_792] {strides = array<i32>} : memref<32768xf32, #tpu.memory_space<vmem>>, vector<16xf32>,
      %max3A_794 = arith.maximumf %max3A_789, %get3A_793 : vector<16xf32>
      %add3A_795 = arith.constant 32 : i32
      %add3A_796 = arith.addi %mul3A_776, %add3A_795 : i32
      %get3A_797 = arith.index_cast %add3A_796 : i32 to index
      %get3A_798 = tpu.vector_load %arg5[%get3A_797] {strides = array<i32>} : memref<32768xf32, #tpu.memory_space<vmem>>, vector<16xf32>,
      %max3A_799 = arith.maximumf %scan3A_767, %get3A_798 : vector<16xf32>
      %add3A_800 = arith.constant 160 : i32
      %add3A_801 = arith.addi %mul3A_776, %add3A_800 : i32
      %get3A_802 = arith.index_cast %add3A_801 : i32 to index
      %get3A_803 = tpu.vector_load %arg5[%get3A_802] {strides = array<i32>} : memref<32768xf32, #tpu.memory_space<vmem>>, vector<16xf32>,
      %max3A_804 = arith.maximumf %max3A_799, %get3A_803 : vector<16xf32>
      %add3A_805 = arith.constant 48 : i32
      %add3A_806 = arith.addi %mul3A_776, %add3A_805 : i32
      %get3A_807 = arith.index_cast %add3A_806 : i32 to index
      %get3A_808 = tpu.vector_load %arg5[%get3A_807] {strides = array<i32>} : memref<32768xf32, #tpu.memory_space<vmem>>, vector<16xf32>,
      %max3A_809 = arith.maximumf %scan3A_768, %get3A_808 : vector<16xf32>
      %add3A_810 = arith.constant 176 : i32
      %add3A_811 = arith.addi %mul3A_776, %add3A_810 : i32
      %get3A_812 = arith.index_cast %add3A_811 : i32 to index
      %get3A_813 = tpu.vector_load %arg5[%get3A_812] {strides = array<i32>} : memref<32768xf32, #tpu.memory_space<vmem>>, vector<16xf32>,
      %max3A_814 = arith.maximumf %max3A_809, %get3A_813 : vector<16xf32>
      %add3A_815 = arith.constant 64 : i32
      %add3A_816 = arith.addi %mul3A_776, %add3A_815 : i32
      %get3A_817 = arith.index_cast %add3A_816 : i32 to index
      %get3A_818 = tpu.vector_load %arg5[%get3A_817] {strides = array<i32>} : memref<32768xf32, #tpu.memory_space<vmem>>, vector<16xf32>,
      %max3A_819 = arith.maximumf %scan3A_769, %get3A_818 : vector<16xf32>
      %add3A_820 = arith.constant 192 : i32
      %add3A_821 = arith.addi %mul3A_776, %add3A_820 : i32
      %get3A_822 = arith.index_cast %add3A_821 : i32 to index
      %get3A_823 = tpu.vector_load %arg5[%get3A_822] {strides = array<i32>} : memref<32768xf32, #tpu.memory_space<vmem>>, vector<16xf32>,
      %max3A_824 = arith.maximumf %max3A_819, %get3A_823 : vector<16xf32>
      %add3A_825 = arith.constant 80 : i32
      %add3A_826 = arith.addi %mul3A_776, %add3A_825 : i32
      %get3A_827 = arith.index_cast %add3A_826 : i32 to index
      %get3A_828 = tpu.vector_load %arg5[%get3A_827] {strides = array<i32>} : memref<32768xf32, #tpu.memory_space<vmem>>, vector<16xf32>,
      %max3A_829 = arith.maximumf %scan3A_770, %get3A_828 : vector<16xf32>
      %add3A_830 = arith.constant 208 : i32
      %add3A_831 = arith.addi %mul3A_776, %add3A_830 : i32
      %get3A_832 = arith.index_cast %add3A_831 : i32 to index
      %get3A_833 = tpu.vector_load %arg5[%get3A_832] {strides = array<i32>} : memref<32768xf32, #tpu.memory_space<vmem>>, vector<16xf32>,
      %max3A_834 = arith.maximumf %max3A_829, %get3A_833 : vector<16xf32>
      %add3A_835 = arith.constant 96 : i32
      %add3A_836 = arith.addi %mul3A_776, %add3A_835 : i32
      %get3A_837 = arith.index_cast %add3A_836 : i32 to index
      %get3A_838 = tpu.vector_load %arg5[%get3A_837] {strides = array<i32>} : memref<32768xf32, #tpu.memory_space<vmem>>, vector<16xf32>,
      %max3A_839 = arith.maximumf %scan3A_771, %get3A_838 : vector<16xf32>
      %add3A_840 = arith.constant 224 : i32
      %add3A_841 = arith.addi %mul3A_776, %add3A_840 : i32
      %get3A_842 = arith.index_cast %add3A_841 : i32 to index
      %get3A_843 = tpu.vector_load %arg5[%get3A_842] {strides = array<i32>} : memref<32768xf32, #tpu.memory_space<vmem>>, vector<16xf32>,
      %max3A_844 = arith.maximumf %max3A_839, %get3A_843 : vector<16xf32>
      %add3A_845 = arith.constant 112 : i32
      %add3A_846 = arith.addi %mul3A_776, %add3A_845 : i32
      %get3A_847 = arith.index_cast %add3A_846 : i32 to index
      %get3A_848 = tpu.vector_load %arg5[%get3A_847] {strides = array<i32>} : memref<32768xf32, #tpu.memory_space<vmem>>, vector<16xf32>,
      %max3A_849 = arith.maximumf %scan3A_772, %get3A_848 : vector<16xf32>
      %add3A_850 = arith.constant 240 : i32
      %add3A_851 = arith.addi %mul3A_776, %add3A_850 : i32
      %get3A_852 = arith.index_cast %add3A_851 : i32 to index
      %get3A_853 = tpu.vector_load %arg5[%get3A_852] {strides = array<i32>} : memref<32768xf32, #tpu.memory_space<vmem>>, vector<16xf32>,
      %max3A_854 = arith.maximumf %max3A_849, %get3A_853 : vector<16xf32>
      scf.yield %max3A_784, %max3A_794, %max3A_804, %max3A_814, %max3A_824, %max3A_834, %max3A_844, %max3A_854 : vector<16xf32>, vector<16xf32>, vector<16xf32>, vector<16xf32>, vector<16xf32>, vector<16xf32>, vector<16xf32>, vector<16xf32>
    }
    %scan3A_213 = arith.constant 128 : i32
    %bitcast_convert_type3A_214 = tpu.bitcast %scan3A_212#0 : vector<16xf32> -> vector<16xi32>
    %shift_right_arithmetic3A_215 = arith.constant 31 : i32
    %shift_right_arithmetic3A_216 = vector.broadcast %shift_right_arithmetic3A_215 : i32 to vector<16xi32>
    %shift_right_arithmetic3A_217 = arith.shrsi %bitcast_convert_type3A_214, %shift_right_arithmetic3A_216 : vector<16xi32>
    %and3A_218 = arith.constant 2147483647 : i32
    %and3A_219 = vector.broadcast %and3A_218 : i32 to vector<16xi32>
    %and3A_220 = arith.andi %shift_right_arithmetic3A_217, %and3A_219 : vector<16xi32>
    %xor3A_221 = arith.xori %bitcast_convert_type3A_214, %and3A_220 : vector<16xi32>
    %bitcast_convert_type3A_222 = tpu.bitcast %scan3A_212#1 : vector<16xf32> -> vector<16xi32>
    %shift_right_arithmetic3A_223 = arith.constant 31 : i32
    %shift_right_arithmetic3A_224 = vector.broadcast %shift_right_arithmetic3A_223 : i32 to vector<16xi32>
    %shift_right_arithmetic3A_225 = arith.shrsi %bitcast_convert_type3A_222, %shift_right_arithmetic3A_224 : vector<16xi32>
    %and3A_226 = arith.constant 2147483647 : i32
    %and3A_227 = vector.broadcast %and3A_226 : i32 to vector<16xi32>
    %and3A_228 = arith.andi %shift_right_arithmetic3A_225, %and3A_227 : vector<16xi32>
    %xor3A_229 = arith.xori %bitcast_convert_type3A_222, %and3A_228 : vector<16xi32>
    %bitcast_convert_type3A_230 = tpu.bitcast %scan3A_212#2 : vector<16xf32> -> vector<16xi32>
    %shift_right_arithmetic3A_231 = arith.constant 31 : i32
    %shift_right_arithmetic3A_232 = vector.broadcast %shift_right_arithmetic3A_231 : i32 to vector<16xi32>
    %shift_right_arithmetic3A_233 = arith.shrsi %bitcast_convert_type3A_230, %shift_right_arithmetic3A_232 : vector<16xi32>
    %and3A_234 = arith.constant 2147483647 : i32
    %and3A_235 = vector.broadcast %and3A_234 : i32 to vector<16xi32>
    %and3A_236 = arith.andi %shift_right_arithmetic3A_233, %and3A_235 : vector<16xi32>
    %xor3A_237 = arith.xori %bitcast_convert_type3A_230, %and3A_236 : vector<16xi32>
    %bitcast_convert_type3A_238 = tpu.bitcast %scan3A_212#3 : vector<16xf32> -> vector<16xi32>
    %shift_right_arithmetic3A_239 = arith.constant 31 : i32
    %shift_right_arithmetic3A_240 = vector.broadcast %shift_right_arithmetic3A_239 : i32 to vector<16xi32>
    %shift_right_arithmetic3A_241 = arith.shrsi %bitcast_convert_type3A_238, %shift_right_arithmetic3A_240 : vector<16xi32>
    %and3A_242 = arith.constant 2147483647 : i32
    %and3A_243 = vector.broadcast %and3A_242 : i32 to vector<16xi32>
    %and3A_244 = arith.andi %shift_right_arithmetic3A_241, %and3A_243 : vector<16xi32>
    %xor3A_245 = arith.xori %bitcast_convert_type3A_238, %and3A_244 : vector<16xi32>
    %bitcast_convert_type3A_246 = tpu.bitcast %scan3A_212#4 : vector<16xf32> -> vector<16xi32>
    %shift_right_arithmetic3A_247 = arith.constant 31 : i32
    %shift_right_arithmetic3A_248 = vector.broadcast %shift_right_arithmetic3A_247 : i32 to vector<16xi32>
    %shift_right_arithmetic3A_249 = arith.shrsi %bitcast_convert_type3A_246, %shift_right_arithmetic3A_248 : vector<16xi32>
    %and3A_250 = arith.constant 2147483647 : i32
    %and3A_251 = vector.broadcast %and3A_250 : i32 to vector<16xi32>
    %and3A_252 = arith.andi %shift_right_arithmetic3A_249, %and3A_251 : vector<16xi32>
    %xor3A_253 = arith.xori %bitcast_convert_type3A_246, %and3A_252 : vector<16xi32>
    %bitcast_convert_type3A_254 = tpu.bitcast %scan3A_212#5 : vector<16xf32> -> vector<16xi32>
    %shift_right_arithmetic3A_255 = arith.constant 31 : i32
    %shift_right_arithmetic3A_256 = vector.broadcast %shift_right_arithmetic3A_255 : i32 to vector<16xi32>
    %shift_right_arithmetic3A_257 = arith.shrsi %bitcast_convert_type3A_254, %shift_right_arithmetic3A_256 : vector<16xi32>
    %and3A_258 = arith.constant 2147483647 : i32
    %and3A_259 = vector.broadcast %and3A_258 : i32 to vector<16xi32>
    %and3A_260 = arith.andi %shift_right_arithmetic3A_257, %and3A_259 : vector<16xi32>
    %xor3A_261 = arith.xori %bitcast_convert_type3A_254, %and3A_260 : vector<16xi32>
    %bitcast_convert_type3A_262 = tpu.bitcast %scan3A_212#6 : vector<16xf32> -> vector<16xi32>
    %shift_right_arithmetic3A_263 = arith.constant 31 : i32
    %shift_right_arithmetic3A_264 = vector.broadcast %shift_right_arithmetic3A_263 : i32 to vector<16xi32>
    %shift_right_arithmetic3A_265 = arith.shrsi %bitcast_convert_type3A_262, %shift_right_arithmetic3A_264 : vector<16xi32>
    %and3A_266 = arith.constant 2147483647 : i32
    %and3A_267 = vector.broadcast %and3A_266 : i32 to vector<16xi32>
    %and3A_268 = arith.andi %shift_right_arithmetic3A_265, %and3A_267 : vector<16xi32>
    %xor3A_269 = arith.xori %bitcast_convert_type3A_262, %and3A_268 : vector<16xi32>
    %bitcast_convert_type3A_270 = tpu.bitcast %scan3A_212#7 : vector<16xf32> -> vector<16xi32>
    %shift_right_arithmetic3A_271 = arith.constant 31 : i32
    %shift_right_arithmetic3A_272 = vector.broadcast %shift_right_arithmetic3A_271 : i32 to vector<16xi32>
    %shift_right_arithmetic3A_273 = arith.shrsi %bitcast_convert_type3A_270, %shift_right_arithmetic3A_272 : vector<16xi32>
    %and3A_274 = arith.constant 2147483647 : i32
    %and3A_275 = vector.broadcast %and3A_274 : i32 to vector<16xi32>
    %and3A_276 = arith.andi %shift_right_arithmetic3A_273, %and3A_275 : vector<16xi32>
    %xor3A_277 = arith.xori %bitcast_convert_type3A_270, %and3A_276 : vector<16xi32>
    %scan3A_278 = arith.constant 0 : i32
    %scan3A_279 = arith.constant 0 : i32
    %scan3A_280 = arith.constant 32 : i32
    %scan3A_281 = arith.addi %scan3A_279, %scan3A_280 : i32
    %scan3A_282 = arith.constant 1 : i32
    %scan3A_283 = scf.for %scan3A_764 = %scan3A_279 to %scan3A_281 step %scan3A_282 iter_args(%scan3A_765 = %scan3A_278) -> (i32)  : i32 {
      %sub3A_766 = arith.constant 31 : i32
      %sub3A_767 = arith.subi %sub3A_766, %scan3A_764 : i32
      %shift_left3A = arith.constant 1 : i32
      %shift_left3A_768 = arith.shli %shift_left3A, %sub3A_767 : i32
      %or3A = arith.ori %scan3A_765, %shift_left3A_768 : i32
      %xor3A_769 = arith.constant -2147483648 : i32
      %xor3A_770 = arith.xori %or3A, %xor3A_769 : i32
      %broadcast_in_dim3A_771 = arith.constant 0 : i32
      %broadcast_in_dim3A_772 = vector.broadcast %broadcast_in_dim3A_771 : i32 to vector<16xi32>
      %ge3A_773 = vector.broadcast %xor3A_770 : i32 to vector<16xi32>
      %ge3A_774 = arith.cmpi sge, %xor3A_221, %ge3A_773 : vector<16xi32>
      %convert_element_type3A = arith.extui %ge3A_774 : vector<16xi1> to vector<16xi32>
      %add3A_775 = arith.addi %broadcast_in_dim3A_772, %convert_element_type3A : vector<16xi32>
      %ge3A_776 = vector.broadcast %xor3A_770 : i32 to vector<16xi32>
      %ge3A_777 = arith.cmpi sge, %xor3A_229, %ge3A_776 : vector<16xi32>
      %convert_element_type3A_778 = arith.extui %ge3A_777 : vector<16xi1> to vector<16xi32>
      %add3A_779 = arith.addi %add3A_775, %convert_element_type3A_778 : vector<16xi32>
      %ge3A_780 = vector.broadcast %xor3A_770 : i32 to vector<16xi32>
      %ge3A_781 = arith.cmpi sge, %xor3A_237, %ge3A_780 : vector<16xi32>
      %convert_element_type3A_782 = arith.extui %ge3A_781 : vector<16xi1> to vector<16xi32>
      %add3A_783 = arith.addi %add3A_779, %convert_element_type3A_782 : vector<16xi32>
      %ge3A_784 = vector.broadcast %xor3A_770 : i32 to vector<16xi32>
      %ge3A_785 = arith.cmpi sge, %xor3A_245, %ge3A_784 : vector<16xi32>
      %convert_element_type3A_786 = arith.extui %ge3A_785 : vector<16xi1> to vector<16xi32>
      %add3A_787 = arith.addi %add3A_783, %convert_element_type3A_786 : vector<16xi32>
      %ge3A_788 = vector.broadcast %xor3A_770 : i32 to vector<16xi32>
      %ge3A_789 = arith.cmpi sge, %xor3A_253, %ge3A_788 : vector<16xi32>
      %convert_element_type3A_790 = arith.extui %ge3A_789 : vector<16xi1> to vector<16xi32>
      %add3A_791 = arith.addi %add3A_787, %convert_element_type3A_790 : vector<16xi32>
      %ge3A_792 = vector.broadcast %xor3A_770 : i32 to vector<16xi32>
      %ge3A_793 = arith.cmpi sge, %xor3A_261, %ge3A_792 : vector<16xi32>
      %convert_element_type3A_794 = arith.extui %ge3A_793 : vector<16xi1> to vector<16xi32>
      %add3A_795 = arith.addi %add3A_791, %convert_element_type3A_794 : vector<16xi32>
      %ge3A_796 = vector.broadcast %xor3A_770 : i32 to vector<16xi32>
      %ge3A_797 = arith.cmpi sge, %xor3A_269, %ge3A_796 : vector<16xi32>
      %convert_element_type3A_798 = arith.extui %ge3A_797 : vector<16xi1> to vector<16xi32>
      %add3A_799 = arith.addi %add3A_795, %convert_element_type3A_798 : vector<16xi32>
      %ge3A_800 = vector.broadcast %xor3A_770 : i32 to vector<16xi32>
      %ge3A_801 = arith.cmpi sge, %xor3A_277, %ge3A_800 : vector<16xi32>
      %convert_element_type3A_802 = arith.extui %ge3A_801 : vector<16xi1> to vector<16xi32>
      %add3A_803 = arith.addi %add3A_799, %convert_element_type3A_802 : vector<16xi32>
      %reduce_sum3A = arith.constant true
      %reduce_sum3A_804 = vector.broadcast %reduce_sum3A : i1 to vector<16xi1>
      %reduce_sum3A_805 = tpu.scan <sum>, %add3A_803 masked %reduce_sum3A_804 : vector<16xi32>, vector<16xi1> -> vector<16xi32>
      %reduce_sum3A_806 = vector.extract %reduce_sum3A_805[15] : i32 from vector<16xi32>
      %ge3A_807 = arith.constant 64 : i32
      %ge3A_808 = arith.cmpi sge, %reduce_sum3A_806, %ge3A_807 : i32
      %select_n3A_809 = arith.select %ge3A_808, %or3A, %scan3A_765 : i32
      scf.yield %select_n3A_809 : i32
    }
    %scan3A_284 = arith.constant 32 : i32
    %xor3A_285 = arith.constant -2147483648 : i32
    %xor3A_286 = arith.xori %scan3A_283, %xor3A_285 : i32
    %broadcast_in_dim3A_287 = vector.broadcast %xor3A_286 : i32 to vector<16xi32>
    %ge3A_288 = arith.constant 0 : i32
    %ge3A_289 = vector.broadcast %ge3A_288 : i32 to vector<16xi32>
    %ge3A_290 = arith.cmpi sge, %broadcast_in_dim3A_287, %ge3A_289 : vector<16xi32>
    %xor3A_291 = arith.constant 2147483647 : i32
    %xor3A_292 = vector.broadcast %xor3A_291 : i32 to vector<16xi32>
    %xor3A_293 = arith.xori %broadcast_in_dim3A_287, %xor3A_292 : vector<16xi32>
    %select_n3A_294 = arith.select %ge3A_290, %broadcast_in_dim3A_287, %xor3A_293 : vector<16xi1>, vector<16xi32>
    %bitcast_convert_type3A_295 = tpu.bitcast %select_n3A_294 : vector<16xi32> -> vector<16xf32>
    %iota3A_296 = tpu.iota {dimensions = array<i32: 0>} : vector<16xi32>
    %broadcast_in_dim3A_297 = arith.constant 16 : i32
    %broadcast_in_dim3A_298 = vector.broadcast %broadcast_in_dim3A_297 : i32 to vector<16xi32>
    %broadcast_in_dim3A_299 = arith.constant 0 : i32
    %broadcast_in_dim3A_300 = vector.broadcast %broadcast_in_dim3A_299 : i32 to vector<16xi32>
    %scan3A_301 = arith.constant 0 : i32
    %scan3A_302 = arith.constant 256 : i32
    %scan3A_303 = arith.addi %scan3A_301, %scan3A_302 : i32
    %scan3A_304 = arith.constant 1 : i32
    %scan3A_305 = scf.for %scan3A_764 = %scan3A_301 to %scan3A_303 step %scan3A_304 iter_args(%scan3A_765 = %iota3A_296) -> (vector<16xi32>)  : i32 {
      %mul3A_766 = arith.constant 8 : i32
      %mul3A_767 = arith.muli %scan3A_764, %mul3A_766 : i32
      %mul3A_768 = arith.constant 16 : i32
      %mul3A_769 = arith.muli %mul3A_767, %mul3A_768 : i32
      %add3A_770 = arith.constant 0 : i32
      %add3A_771 = arith.addi %mul3A_769, %add3A_770 : i32
      %get3A = arith.index_cast %add3A_771 : i32 to index
      %get3A_772 = tpu.vector_load %arg5[%get3A] {strides = array<i32>} : memref<32768xf32, #tpu.memory_space<vmem>>, vector<16xf32>,
      %ge3A_773 = arith.cmpf oge, %get3A_772, %bitcast_convert_type3A_295 : vector<16xf32>
      tpu.vector_store_idx %arg6[%scan3A_765], %get3A_772 masked %ge3A_773 : memref<32832xf32, #tpu.memory_space<vmem>>[vector<16xi32>], vector<16xf32>, vector<16xi1>
      %select_n3A_774 = arith.select %ge3A_773, %broadcast_in_dim3A_298, %broadcast_in_dim3A_300 : vector<16xi1>, vector<16xi32>
      %add3A_775 = arith.addi %scan3A_765, %select_n3A_774 : vector<16xi32>
      %add3A_776 = arith.constant 16 : i32
      %add3A_777 = arith.addi %mul3A_769, %add3A_776 : i32
      %get3A_778 = arith.index_cast %add3A_777 : i32 to index
      %get3A_779 = tpu.vector_load %arg5[%get3A_778] {strides = array<i32>} : memref<32768xf32, #tpu.memory_space<vmem>>, vector<16xf32>,
      %ge3A_780 = arith.cmpf oge, %get3A_779, %bitcast_convert_type3A_295 : vector<16xf32>
      tpu.vector_store_idx %arg6[%add3A_775], %get3A_779 masked %ge3A_780 : memref<32832xf32, #tpu.memory_space<vmem>>[vector<16xi32>], vector<16xf32>, vector<16xi1>
      %select_n3A_781 = arith.select %ge3A_780, %broadcast_in_dim3A_298, %broadcast_in_dim3A_300 : vector<16xi1>, vector<16xi32>
      %add3A_782 = arith.addi %add3A_775, %select_n3A_781 : vector<16xi32>
      %add3A_783 = arith.constant 32 : i32
      %add3A_784 = arith.addi %mul3A_769, %add3A_783 : i32
      %get3A_785 = arith.index_cast %add3A_784 : i32 to index
      %get3A_786 = tpu.vector_load %arg5[%get3A_785] {strides = array<i32>} : memref<32768xf32, #tpu.memory_space<vmem>>, vector<16xf32>,
      %ge3A_787 = arith.cmpf oge, %get3A_786, %bitcast_convert_type3A_295 : vector<16xf32>
      tpu.vector_store_idx %arg6[%add3A_782], %get3A_786 masked %ge3A_787 : memref<32832xf32, #tpu.memory_space<vmem>>[vector<16xi32>], vector<16xf32>, vector<16xi1>
      %select_n3A_788 = arith.select %ge3A_787, %broadcast_in_dim3A_298, %broadcast_in_dim3A_300 : vector<16xi1>, vector<16xi32>
      %add3A_789 = arith.addi %add3A_782, %select_n3A_788 : vector<16xi32>
      %add3A_790 = arith.constant 48 : i32
      %add3A_791 = arith.addi %mul3A_769, %add3A_790 : i32
      %get3A_792 = arith.index_cast %add3A_791 : i32 to index
      %get3A_793 = tpu.vector_load %arg5[%get3A_792] {strides = array<i32>} : memref<32768xf32, #tpu.memory_space<vmem>>, vector<16xf32>,
      %ge3A_794 = arith.cmpf oge, %get3A_793, %bitcast_convert_type3A_295 : vector<16xf32>
      tpu.vector_store_idx %arg6[%add3A_789], %get3A_793 masked %ge3A_794 : memref<32832xf32, #tpu.memory_space<vmem>>[vector<16xi32>], vector<16xf32>, vector<16xi1>
      %select_n3A_795 = arith.select %ge3A_794, %broadcast_in_dim3A_298, %broadcast_in_dim3A_300 : vector<16xi1>, vector<16xi32>
      %add3A_796 = arith.addi %add3A_789, %select_n3A_795 : vector<16xi32>
      %add3A_797 = arith.constant 64 : i32
      %add3A_798 = arith.addi %mul3A_769, %add3A_797 : i32
      %get3A_799 = arith.index_cast %add3A_798 : i32 to index
      %get3A_800 = tpu.vector_load %arg5[%get3A_799] {strides = array<i32>} : memref<32768xf32, #tpu.memory_space<vmem>>, vector<16xf32>,
      %ge3A_801 = arith.cmpf oge, %get3A_800, %bitcast_convert_type3A_295 : vector<16xf32>
      tpu.vector_store_idx %arg6[%add3A_796], %get3A_800 masked %ge3A_801 : memref<32832xf32, #tpu.memory_space<vmem>>[vector<16xi32>], vector<16xf32>, vector<16xi1>
      %select_n3A_802 = arith.select %ge3A_801, %broadcast_in_dim3A_298, %broadcast_in_dim3A_300 : vector<16xi1>, vector<16xi32>
      %add3A_803 = arith.addi %add3A_796, %select_n3A_802 : vector<16xi32>
      %add3A_804 = arith.constant 80 : i32
      %add3A_805 = arith.addi %mul3A_769, %add3A_804 : i32
      %get3A_806 = arith.index_cast %add3A_805 : i32 to index
      %get3A_807 = tpu.vector_load %arg5[%get3A_806] {strides = array<i32>} : memref<32768xf32, #tpu.memory_space<vmem>>, vector<16xf32>,
      %ge3A_808 = arith.cmpf oge, %get3A_807, %bitcast_convert_type3A_295 : vector<16xf32>
      tpu.vector_store_idx %arg6[%add3A_803], %get3A_807 masked %ge3A_808 : memref<32832xf32, #tpu.memory_space<vmem>>[vector<16xi32>], vector<16xf32>, vector<16xi1>
      %select_n3A_809 = arith.select %ge3A_808, %broadcast_in_dim3A_298, %broadcast_in_dim3A_300 : vector<16xi1>, vector<16xi32>
      %add3A_810 = arith.addi %add3A_803, %select_n3A_809 : vector<16xi32>
      %add3A_811 = arith.constant 96 : i32
      %add3A_812 = arith.addi %mul3A_769, %add3A_811 : i32
      %get3A_813 = arith.index_cast %add3A_812 : i32 to index
      %get3A_814 = tpu.vector_load %arg5[%get3A_813] {strides = array<i32>} : memref<32768xf32, #tpu.memory_space<vmem>>, vector<16xf32>,
      %ge3A_815 = arith.cmpf oge, %get3A_814, %bitcast_convert_type3A_295 : vector<16xf32>
      tpu.vector_store_idx %arg6[%add3A_810], %get3A_814 masked %ge3A_815 : memref<32832xf32, #tpu.memory_space<vmem>>[vector<16xi32>], vector<16xf32>, vector<16xi1>
      %select_n3A_816 = arith.select %ge3A_815, %broadcast_in_dim3A_298, %broadcast_in_dim3A_300 : vector<16xi1>, vector<16xi32>
      %add3A_817 = arith.addi %add3A_810, %select_n3A_816 : vector<16xi32>
      %add3A_818 = arith.constant 112 : i32
      %add3A_819 = arith.addi %mul3A_769, %add3A_818 : i32
      %get3A_820 = arith.index_cast %add3A_819 : i32 to index
      %get3A_821 = tpu.vector_load %arg5[%get3A_820] {strides = array<i32>} : memref<32768xf32, #tpu.memory_space<vmem>>, vector<16xf32>,
      %ge3A_822 = arith.cmpf oge, %get3A_821, %bitcast_convert_type3A_295 : vector<16xf32>
      tpu.vector_store_idx %arg6[%add3A_817], %get3A_821 masked %ge3A_822 : memref<32832xf32, #tpu.memory_space<vmem>>[vector<16xi32>], vector<16xf32>, vector<16xi1>
      %select_n3A_823 = arith.select %ge3A_822, %broadcast_in_dim3A_298, %broadcast_in_dim3A_300 : vector<16xi1>, vector<16xi32>
      %add3A_824 = arith.addi %add3A_817, %select_n3A_823 : vector<16xi32>
      scf.yield %add3A_824 : vector<16xi32>
    }
    %scan3A_306 = arith.constant 256 : i32
    %sub3A_307 = arith.subi %scan3A_305, %iota3A_296 : vector<16xi32>
    %shift_right_logical3A_308 = arith.constant 4 : i32
    %shift_right_logical3A_309 = vector.broadcast %shift_right_logical3A_308 : i32 to vector<16xi32>
    %shift_right_logical3A_310 = arith.shrui %sub3A_307, %shift_right_logical3A_309 : vector<16xi32>
    %broadcast_in_dim3A_311 = arith.constant true
    %broadcast_in_dim3A_312 = vector.broadcast %broadcast_in_dim3A_311 : i1 to vector<16xi1>
    %masked_cummax3A_313 = arith.constant -2147483648 : i32
    %masked_cummax3A_314 = vector.broadcast %masked_cummax3A_313 : i32 to vector<16xi32>
    %masked_cummax3A_315 = arith.xori %shift_right_logical3A_310, %masked_cummax3A_314 : vector<16xi32>
    %masked_cummax3A_316 = tpu.scan <max>, %masked_cummax3A_315 masked %broadcast_in_dim3A_312 : vector<16xi32>, vector<16xi1> -> vector<16xi32>
    %masked_cummax3A_317 = arith.xori %masked_cummax3A_316, %masked_cummax3A_314 : vector<16xi32>
    %slice3A_318 = vector.extract_strided_slice %masked_cummax3A_317 {offsets = [15], sizes = [1], strides = [1]} : vector<16xi32> to vector<1xi32>
    %squeeze3A_319 = vector.extract %slice3A_318[0] : i32 from vector<1xi32>
    %add3A_320 = arith.constant 3 : i32
    %add3A_321 = arith.addi %squeeze3A_319, %add3A_320 : i32
    %and3A_322 = arith.constant -4 : i32
    %and3A_323 = arith.andi %add3A_321, %and3A_322 : i32
    %bitcast_convert_type3A_324 = tpu.bitcast %broadcast_in_dim3A_207 : vector<16xf32> -> vector<16xi32>
    %shift_right_arithmetic3A_325 = arith.constant 31 : i32
    %shift_right_arithmetic3A_326 = vector.broadcast %shift_right_arithmetic3A_325 : i32 to vector<16xi32>
    %shift_right_arithmetic3A_327 = arith.shrsi %bitcast_convert_type3A_324, %shift_right_arithmetic3A_326 : vector<16xi32>
    %and3A_328 = arith.constant 2147483647 : i32
    %and3A_329 = vector.broadcast %and3A_328 : i32 to vector<16xi32>
    %and3A_330 = arith.andi %shift_right_arithmetic3A_327, %and3A_329 : vector<16xi32>
    %xor3A_331 = arith.xori %bitcast_convert_type3A_324, %and3A_330 : vector<16xi32>
    %while3A_332 = arith.constant 0 : i32
    %while3A_333 = arith.constant 0 : i32
    %while3A_334 = arith.subi %and3A_323, %while3A_333 : i32
    %while3A_335 = arith.addi %while3A_333, %while3A_334 : i32
    %while3A_336 = arith.constant 1 : i32
    %while3A_337 = arith.divsi %while3A_334, %while3A_336 : i32
    %while3A_338 = arith.muli %while3A_337, %while3A_336 : i32
    %while3A_339 = arith.addi %while3A_333, %while3A_338 : i32
    %while3A_340 = arith.constant 1 : i32
    scf.for %while3A_764 = %while3A_333 to %while3A_339 step %while3A_340  : i32 {
      %broadcast_in_dim3A_765 = vector.broadcast %while3A_764 : i32 to vector<16xi32>
      %mul3A_766 = arith.constant 16 : i32
      %mul3A_767 = arith.muli %while3A_764, %mul3A_766 : i32
      %lt3A = arith.cmpi slt, %broadcast_in_dim3A_765, %shift_right_logical3A_310 : vector<16xi32>
      %get3A = arith.index_cast %mul3A_767 : i32 to index
      %get3A_768 = tpu.vector_load %arg6[%get3A] {strides = array<i32>} : memref<32832xf32, #tpu.memory_space<vmem>>, vector<16xf32>,
      %bitcast_convert_type3A_769 = tpu.bitcast %get3A_768 : vector<16xf32> -> vector<16xi32>
      %shift_right_arithmetic3A_770 = arith.constant 31 : i32
      %shift_right_arithmetic3A_771 = vector.broadcast %shift_right_arithmetic3A_770 : i32 to vector<16xi32>
      %shift_right_arithmetic3A_772 = arith.shrsi %bitcast_convert_type3A_769, %shift_right_arithmetic3A_771 : vector<16xi32>
      %and3A_773 = arith.constant 2147483647 : i32
      %and3A_774 = vector.broadcast %and3A_773 : i32 to vector<16xi32>
      %and3A_775 = arith.andi %shift_right_arithmetic3A_772, %and3A_774 : vector<16xi32>
      %xor3A_776 = arith.xori %bitcast_convert_type3A_769, %and3A_775 : vector<16xi32>
      %select_n3A_777 = arith.select %lt3A, %xor3A_776, %xor3A_331 : vector<16xi1>, vector<16xi32>
      %bitcast_convert_type3A_778 = tpu.bitcast %select_n3A_777 : vector<16xi32> -> vector<16xf32>
      %swap3A = arith.index_cast %mul3A_767 : i32 to index
      %swap3A_779 = tpu.vector_load %arg6[%swap3A] {strides = array<i32>} : memref<32832xf32, #tpu.memory_space<vmem>>, vector<16xf32>,
      tpu.vector_store %arg6[%swap3A], %bitcast_convert_type3A_778 {strides = array<i32>} : memref<32832xf32, #tpu.memory_space<vmem>>, vector<16xf32>,
    }
    %while3A_341 = arith.constant 1 : i32
    scf.for %while3A_764 = %while3A_339 to %while3A_335 step %while3A_341  : i32 {
      %broadcast_in_dim3A_765 = vector.broadcast %while3A_764 : i32 to vector<16xi32>
      %mul3A_766 = arith.constant 16 : i32
      %mul3A_767 = arith.muli %while3A_764, %mul3A_766 : i32
      %lt3A = arith.cmpi slt, %broadcast_in_dim3A_765, %shift_right_logical3A_310 : vector<16xi32>
      %get3A = arith.index_cast %mul3A_767 : i32 to index
      %get3A_768 = tpu.vector_load %arg6[%get3A] {strides = array<i32>} : memref<32832xf32, #tpu.memory_space<vmem>>, vector<16xf32>,
      %bitcast_convert_type3A_769 = tpu.bitcast %get3A_768 : vector<16xf32> -> vector<16xi32>
      %shift_right_arithmetic3A_770 = arith.constant 31 : i32
      %shift_right_arithmetic3A_771 = vector.broadcast %shift_right_arithmetic3A_770 : i32 to vector<16xi32>
      %shift_right_arithmetic3A_772 = arith.shrsi %bitcast_convert_type3A_769, %shift_right_arithmetic3A_771 : vector<16xi32>
      %and3A_773 = arith.constant 2147483647 : i32
      %and3A_774 = vector.broadcast %and3A_773 : i32 to vector<16xi32>
      %and3A_775 = arith.andi %shift_right_arithmetic3A_772, %and3A_774 : vector<16xi32>
      %xor3A_776 = arith.xori %bitcast_convert_type3A_769, %and3A_775 : vector<16xi32>
      %select_n3A_777 = arith.select %lt3A, %xor3A_776, %xor3A_331 : vector<16xi1>, vector<16xi32>
      %bitcast_convert_type3A_778 = tpu.bitcast %select_n3A_777 : vector<16xi32> -> vector<16xf32>
      %swap3A = arith.index_cast %mul3A_767 : i32 to index
      %swap3A_779 = tpu.vector_load %arg6[%swap3A] {strides = array<i32>} : memref<32832xf32, #tpu.memory_space<vmem>>, vector<16xf32>,
      tpu.vector_store %arg6[%swap3A], %bitcast_convert_type3A_778 {strides = array<i32>} : memref<32832xf32, #tpu.memory_space<vmem>>, vector<16xf32>,
    }
    %scan3A_342 = arith.constant 0 : i32
    %scan3A_343 = arith.constant 0 : i32
    %scan3A_344 = arith.constant 32 : i32
    %scan3A_345 = arith.addi %scan3A_343, %scan3A_344 : i32
    %scan3A_346 = arith.constant 1 : i32
    %scan3A_347 = scf.for %scan3A_764 = %scan3A_343 to %scan3A_345 step %scan3A_346 iter_args(%scan3A_765 = %scan3A_342) -> (i32)  : i32 {
      %sub3A_766 = arith.constant 31 : i32
      %sub3A_767 = arith.subi %sub3A_766, %scan3A_764 : i32
      %shift_left3A = arith.constant 1 : i32
      %shift_left3A_768 = arith.shli %shift_left3A, %sub3A_767 : i32
      %or3A = arith.ori %scan3A_765, %shift_left3A_768 : i32
      %xor3A_769 = arith.constant -2147483648 : i32
      %xor3A_770 = arith.xori %or3A, %xor3A_769 : i32
      %jit3A = arith.constant 4 : i32
      %div3A = arith.divsi %and3A_323, %jit3A : i32
      %sign3A = arith.constant 0 : i32
      %sign3A_771 = arith.cmpi sgt, %and3A_323, %sign3A : i32
      %sign3A_772 = arith.extui %sign3A_771 : i1 to i32
      %sign3A_773 = arith.constant 0 : i32
      %sign3A_774 = arith.cmpi slt, %and3A_323, %sign3A_773 : i32
      %sign3A_775 = arith.extui %sign3A_774 : i1 to i32
      %sign3A_776 = arith.subi %sign3A_772, %sign3A_775 : i32
      %sign3A_777 = arith.constant 0 : i32
      %sign3A_778 = arith.cmpi sgt, %jit3A, %sign3A_777 : i32
      %sign3A_779 = arith.extui %sign3A_778 : i1 to i32
      %sign3A_780 = arith.constant 0 : i32
      %sign3A_781 = arith.cmpi slt, %jit3A, %sign3A_780 : i32
      %sign3A_782 = arith.extui %sign3A_781 : i1 to i32
      %sign3A_783 = arith.subi %sign3A_779, %sign3A_782 : i32
      %ne3A = arith.cmpi ne, %sign3A_776, %sign3A_783 : i32
      %rem3A = arith.remsi %and3A_323, %jit3A : i32
      %ne3A_784 = arith.constant 0 : i32
      %ne3A_785 = arith.cmpi ne, %rem3A, %ne3A_784 : i32
      %and3A_786 = arith.andi %ne3A, %ne3A_785 : i1
      %sub3A_787 = arith.constant 1 : i32
      %sub3A_788 = arith.subi %div3A, %sub3A_787 : i32
      %select_n3A_789 = arith.select %and3A_786, %sub3A_788, %div3A : i32
      %broadcast_in_dim3A_790 = arith.constant 0 : i32
      %broadcast_in_dim3A_791 = vector.broadcast %broadcast_in_dim3A_790 : i32 to vector<16xi32>
      %while3A_792 = arith.constant 0 : i32
      %while3A_793 = arith.subi %select_n3A_789, %while3A_792 : i32
      %while3A_794 = arith.addi %while3A_792, %while3A_793 : i32
      %while3A_795 = arith.constant 1 : i32
      %while3A_796 = arith.divsi %while3A_793, %while3A_795 : i32
      %while3A_797 = arith.muli %while3A_796, %while3A_795 : i32
      %while3A_798 = arith.addi %while3A_792, %while3A_797 : i32
      %while3A_799 = arith.constant 1 : i32
      %while3A_800 = scf.for %while3A_809 = %while3A_792 to %while3A_798 step %while3A_799 iter_args(%while3A_810 = %broadcast_in_dim3A_791) -> (vector<16xi32>)  : i32 {
        %mul3A_811 = arith.constant 4 : i32
        %mul3A_812 = arith.muli %while3A_809, %mul3A_811 : i32
        %mul3A_813 = arith.constant 16 : i32
        %mul3A_814 = arith.muli %mul3A_812, %mul3A_813 : i32
        %add3A_815 = arith.constant 0 : i32
        %add3A_816 = arith.addi %mul3A_814, %add3A_815 : i32
        %get3A = arith.index_cast %add3A_816 : i32 to index
        %get3A_817 = tpu.vector_load %arg6[%get3A] {strides = array<i32>} : memref<32832xf32, #tpu.memory_space<vmem>>, vector<16xf32>,
        %bitcast_convert_type3A_818 = tpu.bitcast %get3A_817 : vector<16xf32> -> vector<16xi32>
        %ge3A_819 = vector.broadcast %xor3A_770 : i32 to vector<16xi32>
        %ge3A_820 = arith.cmpi sge, %bitcast_convert_type3A_818, %ge3A_819 : vector<16xi32>
        %convert_element_type3A = arith.extui %ge3A_820 : vector<16xi1> to vector<16xi32>
        %add3A_821 = arith.addi %while3A_810, %convert_element_type3A : vector<16xi32>
        %add3A_822 = arith.constant 16 : i32
        %add3A_823 = arith.addi %mul3A_814, %add3A_822 : i32
        %get3A_824 = arith.index_cast %add3A_823 : i32 to index
        %get3A_825 = tpu.vector_load %arg6[%get3A_824] {strides = array<i32>} : memref<32832xf32, #tpu.memory_space<vmem>>, vector<16xf32>,
        %bitcast_convert_type3A_826 = tpu.bitcast %get3A_825 : vector<16xf32> -> vector<16xi32>
        %ge3A_827 = vector.broadcast %xor3A_770 : i32 to vector<16xi32>
        %ge3A_828 = arith.cmpi sge, %bitcast_convert_type3A_826, %ge3A_827 : vector<16xi32>
        %convert_element_type3A_829 = arith.extui %ge3A_828 : vector<16xi1> to vector<16xi32>
        %add3A_830 = arith.addi %add3A_821, %convert_element_type3A_829 : vector<16xi32>
        %add3A_831 = arith.constant 32 : i32
        %add3A_832 = arith.addi %mul3A_814, %add3A_831 : i32
        %get3A_833 = arith.index_cast %add3A_832 : i32 to index
        %get3A_834 = tpu.vector_load %arg6[%get3A_833] {strides = array<i32>} : memref<32832xf32, #tpu.memory_space<vmem>>, vector<16xf32>,
        %bitcast_convert_type3A_835 = tpu.bitcast %get3A_834 : vector<16xf32> -> vector<16xi32>
        %ge3A_836 = vector.broadcast %xor3A_770 : i32 to vector<16xi32>
        %ge3A_837 = arith.cmpi sge, %bitcast_convert_type3A_835, %ge3A_836 : vector<16xi32>
        %convert_element_type3A_838 = arith.extui %ge3A_837 : vector<16xi1> to vector<16xi32>
        %add3A_839 = arith.addi %add3A_830, %convert_element_type3A_838 : vector<16xi32>
        %add3A_840 = arith.constant 48 : i32
        %add3A_841 = arith.addi %mul3A_814, %add3A_840 : i32
        %get3A_842 = arith.index_cast %add3A_841 : i32 to index
        %get3A_843 = tpu.vector_load %arg6[%get3A_842] {strides = array<i32>} : memref<32832xf32, #tpu.memory_space<vmem>>, vector<16xf32>,
        %bitcast_convert_type3A_844 = tpu.bitcast %get3A_843 : vector<16xf32> -> vector<16xi32>
        %ge3A_845 = vector.broadcast %xor3A_770 : i32 to vector<16xi32>
        %ge3A_846 = arith.cmpi sge, %bitcast_convert_type3A_844, %ge3A_845 : vector<16xi32>
        %convert_element_type3A_847 = arith.extui %ge3A_846 : vector<16xi1> to vector<16xi32>
        %add3A_848 = arith.addi %add3A_839, %convert_element_type3A_847 : vector<16xi32>
        scf.yield %add3A_848 : vector<16xi32>
      }
      %while3A_801 = arith.constant 1 : i32
      %while3A_802 = scf.for %while3A_809 = %while3A_798 to %while3A_794 step %while3A_801 iter_args(%while3A_810 = %while3A_800) -> (vector<16xi32>)  : i32 {
        %mul3A_811 = arith.constant 4 : i32
        %mul3A_812 = arith.muli %while3A_809, %mul3A_811 : i32
        %mul3A_813 = arith.constant 16 : i32
        %mul3A_814 = arith.muli %mul3A_812, %mul3A_813 : i32
        %add3A_815 = arith.constant 0 : i32
        %add3A_816 = arith.addi %mul3A_814, %add3A_815 : i32
        %get3A = arith.index_cast %add3A_816 : i32 to index
        %get3A_817 = tpu.vector_load %arg6[%get3A] {strides = array<i32>} : memref<32832xf32, #tpu.memory_space<vmem>>, vector<16xf32>,
        %bitcast_convert_type3A_818 = tpu.bitcast %get3A_817 : vector<16xf32> -> vector<16xi32>
        %ge3A_819 = vector.broadcast %xor3A_770 : i32 to vector<16xi32>
        %ge3A_820 = arith.cmpi sge, %bitcast_convert_type3A_818, %ge3A_819 : vector<16xi32>
        %convert_element_type3A = arith.extui %ge3A_820 : vector<16xi1> to vector<16xi32>
        %add3A_821 = arith.addi %while3A_810, %convert_element_type3A : vector<16xi32>
        %add3A_822 = arith.constant 16 : i32
        %add3A_823 = arith.addi %mul3A_814, %add3A_822 : i32
        %get3A_824 = arith.index_cast %add3A_823 : i32 to index
        %get3A_825 = tpu.vector_load %arg6[%get3A_824] {strides = array<i32>} : memref<32832xf32, #tpu.memory_space<vmem>>, vector<16xf32>,
        %bitcast_convert_type3A_826 = tpu.bitcast %get3A_825 : vector<16xf32> -> vector<16xi32>
        %ge3A_827 = vector.broadcast %xor3A_770 : i32 to vector<16xi32>
        %ge3A_828 = arith.cmpi sge, %bitcast_convert_type3A_826, %ge3A_827 : vector<16xi32>
        %convert_element_type3A_829 = arith.extui %ge3A_828 : vector<16xi1> to vector<16xi32>
        %add3A_830 = arith.addi %add3A_821, %convert_element_type3A_829 : vector<16xi32>
        %add3A_831 = arith.constant 32 : i32
        %add3A_832 = arith.addi %mul3A_814, %add3A_831 : i32
        %get3A_833 = arith.index_cast %add3A_832 : i32 to index
        %get3A_834 = tpu.vector_load %arg6[%get3A_833] {strides = array<i32>} : memref<32832xf32, #tpu.memory_space<vmem>>, vector<16xf32>,
        %bitcast_convert_type3A_835 = tpu.bitcast %get3A_834 : vector<16xf32> -> vector<16xi32>
        %ge3A_836 = vector.broadcast %xor3A_770 : i32 to vector<16xi32>
        %ge3A_837 = arith.cmpi sge, %bitcast_convert_type3A_835, %ge3A_836 : vector<16xi32>
        %convert_element_type3A_838 = arith.extui %ge3A_837 : vector<16xi1> to vector<16xi32>
        %add3A_839 = arith.addi %add3A_830, %convert_element_type3A_838 : vector<16xi32>
        %add3A_840 = arith.constant 48 : i32
        %add3A_841 = arith.addi %mul3A_814, %add3A_840 : i32
        %get3A_842 = arith.index_cast %add3A_841 : i32 to index
        %get3A_843 = tpu.vector_load %arg6[%get3A_842] {strides = array<i32>} : memref<32832xf32, #tpu.memory_space<vmem>>, vector<16xf32>,
        %bitcast_convert_type3A_844 = tpu.bitcast %get3A_843 : vector<16xf32> -> vector<16xi32>
        %ge3A_845 = vector.broadcast %xor3A_770 : i32 to vector<16xi32>
        %ge3A_846 = arith.cmpi sge, %bitcast_convert_type3A_844, %ge3A_845 : vector<16xi32>
        %convert_element_type3A_847 = arith.extui %ge3A_846 : vector<16xi1> to vector<16xi32>
        %add3A_848 = arith.addi %add3A_839, %convert_element_type3A_847 : vector<16xi32>
        scf.yield %add3A_848 : vector<16xi32>
      }
      %reduce_sum3A = arith.constant true
      %reduce_sum3A_803 = vector.broadcast %reduce_sum3A : i1 to vector<16xi1>
      %reduce_sum3A_804 = tpu.scan <sum>, %while3A_802 masked %reduce_sum3A_803 : vector<16xi32>, vector<16xi1> -> vector<16xi32>
      %reduce_sum3A_805 = vector.extract %reduce_sum3A_804[15] : i32 from vector<16xi32>
      %ge3A_806 = arith.constant 64 : i32
      %ge3A_807 = arith.cmpi sge, %reduce_sum3A_805, %ge3A_806 : i32
      %select_n3A_808 = arith.select %ge3A_807, %or3A, %scan3A_765 : i32
      scf.yield %select_n3A_808 : i32
    }
    %scan3A_348 = arith.constant 32 : i32
    %xor3A_349 = arith.constant -2147483648 : i32
    %xor3A_350 = arith.xori %scan3A_347, %xor3A_349 : i32
    %broadcast_in_dim3A_351 = vector.broadcast %xor3A_350 : i32 to vector<16xi32>
    %ge3A_352 = arith.constant 0 : i32
    %ge3A_353 = vector.broadcast %ge3A_352 : i32 to vector<16xi32>
    %ge3A_354 = arith.cmpi sge, %broadcast_in_dim3A_351, %ge3A_353 : vector<16xi32>
    %xor3A_355 = arith.constant 2147483647 : i32
    %xor3A_356 = vector.broadcast %xor3A_355 : i32 to vector<16xi32>
    %xor3A_357 = arith.xori %broadcast_in_dim3A_351, %xor3A_356 : vector<16xi32>
    %select_n3A_358 = arith.select %ge3A_354, %broadcast_in_dim3A_351, %xor3A_357 : vector<16xi1>, vector<16xi32>
    %bitcast_convert_type3A_359 = tpu.bitcast %select_n3A_358 : vector<16xi32> -> vector<16xf32>
    %broadcast_in_dim3A_360 = arith.constant 0.000000e+00 : f32
    %broadcast_in_dim3A_361 = vector.broadcast %broadcast_in_dim3A_360 : f32 to vector<16xf32>
    %scan3A_362 = arith.constant 0 : i32
    %scan3A_363 = arith.constant 0 : i32
    %scan3A_364 = arith.constant 256 : i32
    %scan3A_365 = arith.addi %scan3A_363, %scan3A_364 : i32
    %scan3A_366 = arith.constant 1 : i32
    scf.for %scan3A_764 = %scan3A_363 to %scan3A_365 step %scan3A_366  : i32 {
      %mul3A_765 = arith.constant 8 : i32
      %mul3A_766 = arith.muli %scan3A_764, %mul3A_765 : i32
      %mul3A_767 = arith.constant 16 : i32
      %mul3A_768 = arith.muli %mul3A_766, %mul3A_767 : i32
      %add3A_769 = arith.constant 0 : i32
      %add3A_770 = arith.addi %mul3A_768, %add3A_769 : i32
      %get3A = arith.index_cast %add3A_770 : i32 to index
      %get3A_771 = tpu.vector_load %arg5[%get3A] {strides = array<i32>} : memref<32768xf32, #tpu.memory_space<vmem>>, vector<16xf32>,
      %ge3A_772 = arith.cmpf oge, %get3A_771, %bitcast_convert_type3A_359 : vector<16xf32>
      %select_n3A_773 = arith.select %ge3A_772, %get3A_771, %broadcast_in_dim3A_361 : vector<16xi1>, vector<16xf32>
      %swap3A = arith.index_cast %add3A_770 : i32 to index
      %swap3A_774 = tpu.vector_load %arg5[%swap3A] {strides = array<i32>} : memref<32768xf32, #tpu.memory_space<vmem>>, vector<16xf32>,
      tpu.vector_store %arg5[%swap3A], %select_n3A_773 {strides = array<i32>} : memref<32768xf32, #tpu.memory_space<vmem>>, vector<16xf32>,
      %add3A_775 = arith.constant 16 : i32
      %add3A_776 = arith.addi %mul3A_768, %add3A_775 : i32
      %get3A_777 = arith.index_cast %add3A_776 : i32 to index
      %get3A_778 = tpu.vector_load %arg5[%get3A_777] {strides = array<i32>} : memref<32768xf32, #tpu.memory_space<vmem>>, vector<16xf32>,
      %ge3A_779 = arith.cmpf oge, %get3A_778, %bitcast_convert_type3A_359 : vector<16xf32>
      %select_n3A_780 = arith.select %ge3A_779, %get3A_778, %broadcast_in_dim3A_361 : vector<16xi1>, vector<16xf32>
      %swap3A_781 = arith.index_cast %add3A_776 : i32 to index
      %swap3A_782 = tpu.vector_load %arg5[%swap3A_781] {strides = array<i32>} : memref<32768xf32, #tpu.memory_space<vmem>>, vector<16xf32>,
      tpu.vector_store %arg5[%swap3A_781], %select_n3A_780 {strides = array<i32>} : memref<32768xf32, #tpu.memory_space<vmem>>, vector<16xf32>,
      %add3A_783 = arith.constant 32 : i32
      %add3A_784 = arith.addi %mul3A_768, %add3A_783 : i32
      %get3A_785 = arith.index_cast %add3A_784 : i32 to index
      %get3A_786 = tpu.vector_load %arg5[%get3A_785] {strides = array<i32>} : memref<32768xf32, #tpu.memory_space<vmem>>, vector<16xf32>,
      %ge3A_787 = arith.cmpf oge, %get3A_786, %bitcast_convert_type3A_359 : vector<16xf32>
      %select_n3A_788 = arith.select %ge3A_787, %get3A_786, %broadcast_in_dim3A_361 : vector<16xi1>, vector<16xf32>
      %swap3A_789 = arith.index_cast %add3A_784 : i32 to index
      %swap3A_790 = tpu.vector_load %arg5[%swap3A_789] {strides = array<i32>} : memref<32768xf32, #tpu.memory_space<vmem>>, vector<16xf32>,
      tpu.vector_store %arg5[%swap3A_789], %select_n3A_788 {strides = array<i32>} : memref<32768xf32, #tpu.memory_space<vmem>>, vector<16xf32>,
      %add3A_791 = arith.constant 48 : i32
      %add3A_792 = arith.addi %mul3A_768, %add3A_791 : i32
      %get3A_793 = arith.index_cast %add3A_792 : i32 to index
      %get3A_794 = tpu.vector_load %arg5[%get3A_793] {strides = array<i32>} : memref<32768xf32, #tpu.memory_space<vmem>>, vector<16xf32>,
      %ge3A_795 = arith.cmpf oge, %get3A_794, %bitcast_convert_type3A_359 : vector<16xf32>
      %select_n3A_796 = arith.select %ge3A_795, %get3A_794, %broadcast_in_dim3A_361 : vector<16xi1>, vector<16xf32>
      %swap3A_797 = arith.index_cast %add3A_792 : i32 to index
      %swap3A_798 = tpu.vector_load %arg5[%swap3A_797] {strides = array<i32>} : memref<32768xf32, #tpu.memory_space<vmem>>, vector<16xf32>,
      tpu.vector_store %arg5[%swap3A_797], %select_n3A_796 {strides = array<i32>} : memref<32768xf32, #tpu.memory_space<vmem>>, vector<16xf32>,
      %add3A_799 = arith.constant 64 : i32
      %add3A_800 = arith.addi %mul3A_768, %add3A_799 : i32
      %get3A_801 = arith.index_cast %add3A_800 : i32 to index
      %get3A_802 = tpu.vector_load %arg5[%get3A_801] {strides = array<i32>} : memref<32768xf32, #tpu.memory_space<vmem>>, vector<16xf32>,
      %ge3A_803 = arith.cmpf oge, %get3A_802, %bitcast_convert_type3A_359 : vector<16xf32>
      %select_n3A_804 = arith.select %ge3A_803, %get3A_802, %broadcast_in_dim3A_361 : vector<16xi1>, vector<16xf32>
      %swap3A_805 = arith.index_cast %add3A_800 : i32 to index
      %swap3A_806 = tpu.vector_load %arg5[%swap3A_805] {strides = array<i32>} : memref<32768xf32, #tpu.memory_space<vmem>>, vector<16xf32>,
      tpu.vector_store %arg5[%swap3A_805], %select_n3A_804 {strides = array<i32>} : memref<32768xf32, #tpu.memory_space<vmem>>, vector<16xf32>,
      %add3A_807 = arith.constant 80 : i32
      %add3A_808 = arith.addi %mul3A_768, %add3A_807 : i32
      %get3A_809 = arith.index_cast %add3A_808 : i32 to index
      %get3A_810 = tpu.vector_load %arg5[%get3A_809] {strides = array<i32>} : memref<32768xf32, #tpu.memory_space<vmem>>, vector<16xf32>,
      %ge3A_811 = arith.cmpf oge, %get3A_810, %bitcast_convert_type3A_359 : vector<16xf32>
      %select_n3A_812 = arith.select %ge3A_811, %get3A_810, %broadcast_in_dim3A_361 : vector<16xi1>, vector<16xf32>
      %swap3A_813 = arith.index_cast %add3A_808 : i32 to index
      %swap3A_814 = tpu.vector_load %arg5[%swap3A_813] {strides = array<i32>} : memref<32768xf32, #tpu.memory_space<vmem>>, vector<16xf32>,
      tpu.vector_store %arg5[%swap3A_813], %select_n3A_812 {strides = array<i32>} : memref<32768xf32, #tpu.memory_space<vmem>>, vector<16xf32>,
      %add3A_815 = arith.constant 96 : i32
      %add3A_816 = arith.addi %mul3A_768, %add3A_815 : i32
      %get3A_817 = arith.index_cast %add3A_816 : i32 to index
      %get3A_818 = tpu.vector_load %arg5[%get3A_817] {strides = array<i32>} : memref<32768xf32, #tpu.memory_space<vmem>>, vector<16xf32>,
      %ge3A_819 = arith.cmpf oge, %get3A_818, %bitcast_convert_type3A_359 : vector<16xf32>
      %select_n3A_820 = arith.select %ge3A_819, %get3A_818, %broadcast_in_dim3A_361 : vector<16xi1>, vector<16xf32>
      %swap3A_821 = arith.index_cast %add3A_816 : i32 to index
      %swap3A_822 = tpu.vector_load %arg5[%swap3A_821] {strides = array<i32>} : memref<32768xf32, #tpu.memory_space<vmem>>, vector<16xf32>,
      tpu.vector_store %arg5[%swap3A_821], %select_n3A_820 {strides = array<i32>} : memref<32768xf32, #tpu.memory_space<vmem>>, vector<16xf32>,
      %add3A_823 = arith.constant 112 : i32
      %add3A_824 = arith.addi %mul3A_768, %add3A_823 : i32
      %get3A_825 = arith.index_cast %add3A_824 : i32 to index
      %get3A_826 = tpu.vector_load %arg5[%get3A_825] {strides = array<i32>} : memref<32768xf32, #tpu.memory_space<vmem>>, vector<16xf32>,
      %ge3A_827 = arith.cmpf oge, %get3A_826, %bitcast_convert_type3A_359 : vector<16xf32>
      %select_n3A_828 = arith.select %ge3A_827, %get3A_826, %broadcast_in_dim3A_361 : vector<16xi1>, vector<16xf32>
      %swap3A_829 = arith.index_cast %add3A_824 : i32 to index
      %swap3A_830 = tpu.vector_load %arg5[%swap3A_829] {strides = array<i32>} : memref<32768xf32, #tpu.memory_space<vmem>>, vector<16xf32>,
      tpu.vector_store %arg5[%swap3A_829], %select_n3A_828 {strides = array<i32>} : memref<32768xf32, #tpu.memory_space<vmem>>, vector<16xf32>,
    }
    %scan3A_367 = arith.constant 256 : i32
    %mul3A_368 = arith.constant 4 : i32
    %mul3A_369 = arith.muli %add3A, %mul3A_368 : i32
    %add3A_370 = arith.constant 1 : i32
    %add3A_371 = arith.addi %mul3A_369, %add3A_370 : i32
    %dma_start3A_372 = arith.constant 0 : i32
    %dma_start3A_373 = tpu.memref_slice %arg3[%add3A_371, %dma_start3A_372] : memref<128x32768xf32, #tpu.memory_space<hbm>> -> memref<1x32768xf32, #tpu.memory_space<hbm>>
    %dma_start3A_374 = tpu.memref_squeeze %dma_start3A_373 : memref<1x32768xf32, #tpu.memory_space<hbm>> -> memref<32768xf32, #tpu.memory_space<hbm>>
    %dma_start3A_375 = arith.constant 0 : i32
    %dma_start3A_376 = tpu.memref_slice %arg3[%add3A_371, %dma_start3A_375] : memref<128x32768xf32, #tpu.memory_space<hbm>> -> memref<1x32768xf32, #tpu.memory_space<hbm>>
    %dma_start3A_377 = tpu.memref_squeeze %dma_start3A_376 : memref<1x32768xf32, #tpu.memory_space<hbm>> -> memref<32768xf32, #tpu.memory_space<hbm>>
    tpu.enqueue_dma source(%arg5 : memref<32768xf32, #tpu.memory_space<vmem>>) target(%dma_start3A_377 : memref<32768xf32, #tpu.memory_space<hbm>>) target_semaphore(%arg10 : memref<!tpu.dma_semaphore, #tpu.memory_space<semaphore_mem>>)
    %dma_wait3A_378 = arith.constant 0 : i32
    %dma_wait3A_379 = tpu.memref_slice %arg3[%add3A_371, %dma_wait3A_378] : memref<128x32768xf32, #tpu.memory_space<hbm>> -> memref<1x32768xf32, #tpu.memory_space<hbm>>
    %dma_wait3A_380 = tpu.memref_squeeze %dma_wait3A_379 : memref<1x32768xf32, #tpu.memory_space<hbm>> -> memref<32768xf32, #tpu.memory_space<hbm>>
    %dma_wait3A_381 = arith.constant 0 : i32
    %dma_wait3A_382 = tpu.memref_slice %arg3[%add3A_371, %dma_wait3A_381] : memref<128x32768xf32, #tpu.memory_space<hbm>> -> memref<1x32768xf32, #tpu.memory_space<hbm>>
    %dma_wait3A_383 = tpu.memref_squeeze %dma_wait3A_382 : memref<1x32768xf32, #tpu.memory_space<hbm>> -> memref<32768xf32, #tpu.memory_space<hbm>>
    tpu.wait_dma2 semaphore(%arg10 : memref<!tpu.dma_semaphore, #tpu.memory_space<semaphore_mem>>) src(%arg5 : memref<32768xf32, #tpu.memory_space<vmem>>) dst(%dma_wait3A_383 : memref<32768xf32, #tpu.memory_space<hbm>>)
    %mul3A_384 = arith.constant 4 : i32
    %mul3A_385 = arith.muli %add3A, %mul3A_384 : i32
    %add3A_386 = arith.constant 2 : i32
    %add3A_387 = arith.addi %mul3A_385, %add3A_386 : i32
    %add3A_388 = arith.constant 1 : i32
    %add3A_389 = arith.addi %add3A_387, %add3A_388 : i32
    %dma_start3A_390 = arith.constant 0 : i32
    %dma_start3A_391 = tpu.memref_slice %arg2[%add3A_389, %dma_start3A_390] : memref<128x32768xf32, #tpu.memory_space<hbm>> -> memref<1x32768xf32, #tpu.memory_space<hbm>>
    %dma_start3A_392 = tpu.memref_squeeze %dma_start3A_391 : memref<1x32768xf32, #tpu.memory_space<hbm>> -> memref<32768xf32, #tpu.memory_space<hbm>>
    %dma_start3A_393 = arith.constant 0 : i32
    %dma_start3A_394 = tpu.memref_slice %arg2[%add3A_389, %dma_start3A_393] : memref<128x32768xf32, #tpu.memory_space<hbm>> -> memref<1x32768xf32, #tpu.memory_space<hbm>>
    %dma_start3A_395 = tpu.memref_squeeze %dma_start3A_394 : memref<1x32768xf32, #tpu.memory_space<hbm>> -> memref<32768xf32, #tpu.memory_space<hbm>>
    tpu.enqueue_dma source(%dma_start3A_395 : memref<32768xf32, #tpu.memory_space<hbm>>) target(%arg5 : memref<32768xf32, #tpu.memory_space<vmem>>) target_semaphore(%arg8 : memref<!tpu.dma_semaphore, #tpu.memory_space<semaphore_mem>>)
    %dma_wait3A_396 = arith.constant 0 : i32
    %dma_wait3A_397 = tpu.memref_slice %arg2[%add3A_193, %dma_wait3A_396] : memref<128x32768xf32, #tpu.memory_space<hbm>> -> memref<1x32768xf32, #tpu.memory_space<hbm>>
    %dma_wait3A_398 = tpu.memref_squeeze %dma_wait3A_397 : memref<1x32768xf32, #tpu.memory_space<hbm>> -> memref<32768xf32, #tpu.memory_space<hbm>>
    %dma_wait3A_399 = arith.constant 0 : i32
    %dma_wait3A_400 = tpu.memref_slice %arg2[%add3A_193, %dma_wait3A_399] : memref<128x32768xf32, #tpu.memory_space<hbm>> -> memref<1x32768xf32, #tpu.memory_space<hbm>>
    %dma_wait3A_401 = tpu.memref_squeeze %dma_wait3A_400 : memref<1x32768xf32, #tpu.memory_space<hbm>> -> memref<32768xf32, #tpu.memory_space<hbm>>
    tpu.wait_dma2 semaphore(%arg7 : memref<!tpu.dma_semaphore, #tpu.memory_space<semaphore_mem>>) src(%dma_wait3A_401 : memref<32768xf32, #tpu.memory_space<hbm>>) dst(%arg4 : memref<32768xf32, #tpu.memory_space<vmem>>)
    %broadcast_in_dim3A_402 = arith.constant 0xFF800000 : f32
    %broadcast_in_dim3A_403 = vector.broadcast %broadcast_in_dim3A_402 : f32 to vector<16xf32>
    %scan3A_404 = arith.constant 0 : i32
    %scan3A_405 = arith.constant 128 : i32
    %scan3A_406 = arith.addi %scan3A_404, %scan3A_405 : i32
    %scan3A_407 = arith.constant 1 : i32
    %scan3A_408:8 = scf.for %scan3A_764 = %scan3A_404 to %scan3A_406 step %scan3A_407 iter_args(%scan3A_765 = %broadcast_in_dim3A_403, %scan3A_766 = %broadcast_in_dim3A_403, %scan3A_767 = %broadcast_in_dim3A_403, %scan3A_768 = %broadcast_in_dim3A_403, %scan3A_769 = %broadcast_in_dim3A_403, %scan3A_770 = %broadcast_in_dim3A_403, %scan3A_771 = %broadcast_in_dim3A_403, %scan3A_772 = %broadcast_in_dim3A_403) -> (vector<16xf32>, vector<16xf32>, vector<16xf32>, vector<16xf32>, vector<16xf32>, vector<16xf32>, vector<16xf32>, vector<16xf32>)  : i32 {
      %mul3A_773 = arith.constant 16 : i32
      %mul3A_774 = arith.muli %scan3A_764, %mul3A_773 : i32
      %mul3A_775 = arith.constant 16 : i32
      %mul3A_776 = arith.muli %mul3A_774, %mul3A_775 : i32
      %add3A_777 = arith.constant 0 : i32
      %add3A_778 = arith.addi %mul3A_776, %add3A_777 : i32
      %get3A = arith.index_cast %add3A_778 : i32 to index
      %get3A_779 = tpu.vector_load %arg4[%get3A] {strides = array<i32>} : memref<32768xf32, #tpu.memory_space<vmem>>, vector<16xf32>,
      %max3A = arith.maximumf %scan3A_765, %get3A_779 : vector<16xf32>
      %add3A_780 = arith.constant 128 : i32
      %add3A_781 = arith.addi %mul3A_776, %add3A_780 : i32
      %get3A_782 = arith.index_cast %add3A_781 : i32 to index
      %get3A_783 = tpu.vector_load %arg4[%get3A_782] {strides = array<i32>} : memref<32768xf32, #tpu.memory_space<vmem>>, vector<16xf32>,
      %max3A_784 = arith.maximumf %max3A, %get3A_783 : vector<16xf32>
      %add3A_785 = arith.constant 16 : i32
      %add3A_786 = arith.addi %mul3A_776, %add3A_785 : i32
      %get3A_787 = arith.index_cast %add3A_786 : i32 to index
      %get3A_788 = tpu.vector_load %arg4[%get3A_787] {strides = array<i32>} : memref<32768xf32, #tpu.memory_space<vmem>>, vector<16xf32>,
      %max3A_789 = arith.maximumf %scan3A_766, %get3A_788 : vector<16xf32>
      %add3A_790 = arith.constant 144 : i32
      %add3A_791 = arith.addi %mul3A_776, %add3A_790 : i32
      %get3A_792 = arith.index_cast %add3A_791 : i32 to index
      %get3A_793 = tpu.vector_load %arg4[%get3A_792] {strides = array<i32>} : memref<32768xf32, #tpu.memory_space<vmem>>, vector<16xf32>,
      %max3A_794 = arith.maximumf %max3A_789, %get3A_793 : vector<16xf32>
      %add3A_795 = arith.constant 32 : i32
      %add3A_796 = arith.addi %mul3A_776, %add3A_795 : i32
      %get3A_797 = arith.index_cast %add3A_796 : i32 to index
      %get3A_798 = tpu.vector_load %arg4[%get3A_797] {strides = array<i32>} : memref<32768xf32, #tpu.memory_space<vmem>>, vector<16xf32>,
      %max3A_799 = arith.maximumf %scan3A_767, %get3A_798 : vector<16xf32>
      %add3A_800 = arith.constant 160 : i32
      %add3A_801 = arith.addi %mul3A_776, %add3A_800 : i32
      %get3A_802 = arith.index_cast %add3A_801 : i32 to index
      %get3A_803 = tpu.vector_load %arg4[%get3A_802] {strides = array<i32>} : memref<32768xf32, #tpu.memory_space<vmem>>, vector<16xf32>,
      %max3A_804 = arith.maximumf %max3A_799, %get3A_803 : vector<16xf32>
      %add3A_805 = arith.constant 48 : i32
      %add3A_806 = arith.addi %mul3A_776, %add3A_805 : i32
      %get3A_807 = arith.index_cast %add3A_806 : i32 to index
      %get3A_808 = tpu.vector_load %arg4[%get3A_807] {strides = array<i32>} : memref<32768xf32, #tpu.memory_space<vmem>>, vector<16xf32>,
      %max3A_809 = arith.maximumf %scan3A_768, %get3A_808 : vector<16xf32>
      %add3A_810 = arith.constant 176 : i32
      %add3A_811 = arith.addi %mul3A_776, %add3A_810 : i32
      %get3A_812 = arith.index_cast %add3A_811 : i32 to index
      %get3A_813 = tpu.vector_load %arg4[%get3A_812] {strides = array<i32>} : memref<32768xf32, #tpu.memory_space<vmem>>, vector<16xf32>,
      %max3A_814 = arith.maximumf %max3A_809, %get3A_813 : vector<16xf32>
      %add3A_815 = arith.constant 64 : i32
      %add3A_816 = arith.addi %mul3A_776, %add3A_815 : i32
      %get3A_817 = arith.index_cast %add3A_816 : i32 to index
      %get3A_818 = tpu.vector_load %arg4[%get3A_817] {strides = array<i32>} : memref<32768xf32, #tpu.memory_space<vmem>>, vector<16xf32>,
      %max3A_819 = arith.maximumf %scan3A_769, %get3A_818 : vector<16xf32>
      %add3A_820 = arith.constant 192 : i32
      %add3A_821 = arith.addi %mul3A_776, %add3A_820 : i32
      %get3A_822 = arith.index_cast %add3A_821 : i32 to index
      %get3A_823 = tpu.vector_load %arg4[%get3A_822] {strides = array<i32>} : memref<32768xf32, #tpu.memory_space<vmem>>, vector<16xf32>,
      %max3A_824 = arith.maximumf %max3A_819, %get3A_823 : vector<16xf32>
      %add3A_825 = arith.constant 80 : i32
      %add3A_826 = arith.addi %mul3A_776, %add3A_825 : i32
      %get3A_827 = arith.index_cast %add3A_826 : i32 to index
      %get3A_828 = tpu.vector_load %arg4[%get3A_827] {strides = array<i32>} : memref<32768xf32, #tpu.memory_space<vmem>>, vector<16xf32>,
      %max3A_829 = arith.maximumf %scan3A_770, %get3A_828 : vector<16xf32>
      %add3A_830 = arith.constant 208 : i32
      %add3A_831 = arith.addi %mul3A_776, %add3A_830 : i32
      %get3A_832 = arith.index_cast %add3A_831 : i32 to index
      %get3A_833 = tpu.vector_load %arg4[%get3A_832] {strides = array<i32>} : memref<32768xf32, #tpu.memory_space<vmem>>, vector<16xf32>,
      %max3A_834 = arith.maximumf %max3A_829, %get3A_833 : vector<16xf32>
      %add3A_835 = arith.constant 96 : i32
      %add3A_836 = arith.addi %mul3A_776, %add3A_835 : i32
      %get3A_837 = arith.index_cast %add3A_836 : i32 to index
      %get3A_838 = tpu.vector_load %arg4[%get3A_837] {strides = array<i32>} : memref<32768xf32, #tpu.memory_space<vmem>>, vector<16xf32>,
      %max3A_839 = arith.maximumf %scan3A_771, %get3A_838 : vector<16xf32>
      %add3A_840 = arith.constant 224 : i32
      %add3A_841 = arith.addi %mul3A_776, %add3A_840 : i32
      %get3A_842 = arith.index_cast %add3A_841 : i32 to index
      %get3A_843 = tpu.vector_load %arg4[%get3A_842] {strides = array<i32>} : memref<32768xf32, #tpu.memory_space<vmem>>, vector<16xf32>,
      %max3A_844 = arith.maximumf %max3A_839, %get3A_843 : vector<16xf32>
      %add3A_845 = arith.constant 112 : i32
      %add3A_846 = arith.addi %mul3A_776, %add3A_845 : i32
      %get3A_847 = arith.index_cast %add3A_846 : i32 to index
      %get3A_848 = tpu.vector_load %arg4[%get3A_847] {strides = array<i32>} : memref<32768xf32, #tpu.memory_space<vmem>>, vector<16xf32>,
      %max3A_849 = arith.maximumf %scan3A_772, %get3A_848 : vector<16xf32>
      %add3A_850 = arith.constant 240 : i32
      %add3A_851 = arith.addi %mul3A_776, %add3A_850 : i32
      %get3A_852 = arith.index_cast %add3A_851 : i32 to index
      %get3A_853 = tpu.vector_load %arg4[%get3A_852] {strides = array<i32>} : memref<32768xf32, #tpu.memory_space<vmem>>, vector<16xf32>,
      %max3A_854 = arith.maximumf %max3A_849, %get3A_853 : vector<16xf32>
      scf.yield %max3A_784, %max3A_794, %max3A_804, %max3A_814, %max3A_824, %max3A_834, %max3A_844, %max3A_854 : vector<16xf32>, vector<16xf32>, vector<16xf32>, vector<16xf32>, vector<16xf32>, vector<16xf32>, vector<16xf32>, vector<16xf32>
    }
    %scan3A_409 = arith.constant 128 : i32
    %bitcast_convert_type3A_410 = tpu.bitcast %scan3A_408#0 : vector<16xf32> -> vector<16xi32>
    %shift_right_arithmetic3A_411 = arith.constant 31 : i32
    %shift_right_arithmetic3A_412 = vector.broadcast %shift_right_arithmetic3A_411 : i32 to vector<16xi32>
    %shift_right_arithmetic3A_413 = arith.shrsi %bitcast_convert_type3A_410, %shift_right_arithmetic3A_412 : vector<16xi32>
    %and3A_414 = arith.constant 2147483647 : i32
    %and3A_415 = vector.broadcast %and3A_414 : i32 to vector<16xi32>
    %and3A_416 = arith.andi %shift_right_arithmetic3A_413, %and3A_415 : vector<16xi32>
    %xor3A_417 = arith.xori %bitcast_convert_type3A_410, %and3A_416 : vector<16xi32>
    %bitcast_convert_type3A_418 = tpu.bitcast %scan3A_408#1 : vector<16xf32> -> vector<16xi32>
    %shift_right_arithmetic3A_419 = arith.constant 31 : i32
    %shift_right_arithmetic3A_420 = vector.broadcast %shift_right_arithmetic3A_419 : i32 to vector<16xi32>
    %shift_right_arithmetic3A_421 = arith.shrsi %bitcast_convert_type3A_418, %shift_right_arithmetic3A_420 : vector<16xi32>
    %and3A_422 = arith.constant 2147483647 : i32
    %and3A_423 = vector.broadcast %and3A_422 : i32 to vector<16xi32>
    %and3A_424 = arith.andi %shift_right_arithmetic3A_421, %and3A_423 : vector<16xi32>
    %xor3A_425 = arith.xori %bitcast_convert_type3A_418, %and3A_424 : vector<16xi32>
    %bitcast_convert_type3A_426 = tpu.bitcast %scan3A_408#2 : vector<16xf32> -> vector<16xi32>
    %shift_right_arithmetic3A_427 = arith.constant 31 : i32
    %shift_right_arithmetic3A_428 = vector.broadcast %shift_right_arithmetic3A_427 : i32 to vector<16xi32>
    %shift_right_arithmetic3A_429 = arith.shrsi %bitcast_convert_type3A_426, %shift_right_arithmetic3A_428 : vector<16xi32>
    %and3A_430 = arith.constant 2147483647 : i32
    %and3A_431 = vector.broadcast %and3A_430 : i32 to vector<16xi32>
    %and3A_432 = arith.andi %shift_right_arithmetic3A_429, %and3A_431 : vector<16xi32>
    %xor3A_433 = arith.xori %bitcast_convert_type3A_426, %and3A_432 : vector<16xi32>
    %bitcast_convert_type3A_434 = tpu.bitcast %scan3A_408#3 : vector<16xf32> -> vector<16xi32>
    %shift_right_arithmetic3A_435 = arith.constant 31 : i32
    %shift_right_arithmetic3A_436 = vector.broadcast %shift_right_arithmetic3A_435 : i32 to vector<16xi32>
    %shift_right_arithmetic3A_437 = arith.shrsi %bitcast_convert_type3A_434, %shift_right_arithmetic3A_436 : vector<16xi32>
    %and3A_438 = arith.constant 2147483647 : i32
    %and3A_439 = vector.broadcast %and3A_438 : i32 to vector<16xi32>
    %and3A_440 = arith.andi %shift_right_arithmetic3A_437, %and3A_439 : vector<16xi32>
    %xor3A_441 = arith.xori %bitcast_convert_type3A_434, %and3A_440 : vector<16xi32>
    %bitcast_convert_type3A_442 = tpu.bitcast %scan3A_408#4 : vector<16xf32> -> vector<16xi32>
    %shift_right_arithmetic3A_443 = arith.constant 31 : i32
    %shift_right_arithmetic3A_444 = vector.broadcast %shift_right_arithmetic3A_443 : i32 to vector<16xi32>
    %shift_right_arithmetic3A_445 = arith.shrsi %bitcast_convert_type3A_442, %shift_right_arithmetic3A_444 : vector<16xi32>
    %and3A_446 = arith.constant 2147483647 : i32
    %and3A_447 = vector.broadcast %and3A_446 : i32 to vector<16xi32>
    %and3A_448 = arith.andi %shift_right_arithmetic3A_445, %and3A_447 : vector<16xi32>
    %xor3A_449 = arith.xori %bitcast_convert_type3A_442, %and3A_448 : vector<16xi32>
    %bitcast_convert_type3A_450 = tpu.bitcast %scan3A_408#5 : vector<16xf32> -> vector<16xi32>
    %shift_right_arithmetic3A_451 = arith.constant 31 : i32
    %shift_right_arithmetic3A_452 = vector.broadcast %shift_right_arithmetic3A_451 : i32 to vector<16xi32>
    %shift_right_arithmetic3A_453 = arith.shrsi %bitcast_convert_type3A_450, %shift_right_arithmetic3A_452 : vector<16xi32>
    %and3A_454 = arith.constant 2147483647 : i32
    %and3A_455 = vector.broadcast %and3A_454 : i32 to vector<16xi32>
    %and3A_456 = arith.andi %shift_right_arithmetic3A_453, %and3A_455 : vector<16xi32>
    %xor3A_457 = arith.xori %bitcast_convert_type3A_450, %and3A_456 : vector<16xi32>
    %bitcast_convert_type3A_458 = tpu.bitcast %scan3A_408#6 : vector<16xf32> -> vector<16xi32>
    %shift_right_arithmetic3A_459 = arith.constant 31 : i32
    %shift_right_arithmetic3A_460 = vector.broadcast %shift_right_arithmetic3A_459 : i32 to vector<16xi32>
    %shift_right_arithmetic3A_461 = arith.shrsi %bitcast_convert_type3A_458, %shift_right_arithmetic3A_460 : vector<16xi32>
    %and3A_462 = arith.constant 2147483647 : i32
    %and3A_463 = vector.broadcast %and3A_462 : i32 to vector<16xi32>
    %and3A_464 = arith.andi %shift_right_arithmetic3A_461, %and3A_463 : vector<16xi32>
    %xor3A_465 = arith.xori %bitcast_convert_type3A_458, %and3A_464 : vector<16xi32>
    %bitcast_convert_type3A_466 = tpu.bitcast %scan3A_408#7 : vector<16xf32> -> vector<16xi32>
    %shift_right_arithmetic3A_467 = arith.constant 31 : i32
    %shift_right_arithmetic3A_468 = vector.broadcast %shift_right_arithmetic3A_467 : i32 to vector<16xi32>
    %shift_right_arithmetic3A_469 = arith.shrsi %bitcast_convert_type3A_466, %shift_right_arithmetic3A_468 : vector<16xi32>
    %and3A_470 = arith.constant 2147483647 : i32
    %and3A_471 = vector.broadcast %and3A_470 : i32 to vector<16xi32>
    %and3A_472 = arith.andi %shift_right_arithmetic3A_469, %and3A_471 : vector<16xi32>
    %xor3A_473 = arith.xori %bitcast_convert_type3A_466, %and3A_472 : vector<16xi32>
    %scan3A_474 = arith.constant 0 : i32
    %scan3A_475 = arith.constant 0 : i32
    %scan3A_476 = arith.constant 32 : i32
    %scan3A_477 = arith.addi %scan3A_475, %scan3A_476 : i32
    %scan3A_478 = arith.constant 1 : i32
    %scan3A_479 = scf.for %scan3A_764 = %scan3A_475 to %scan3A_477 step %scan3A_478 iter_args(%scan3A_765 = %scan3A_474) -> (i32)  : i32 {
      %sub3A_766 = arith.constant 31 : i32
      %sub3A_767 = arith.subi %sub3A_766, %scan3A_764 : i32
      %shift_left3A = arith.constant 1 : i32
      %shift_left3A_768 = arith.shli %shift_left3A, %sub3A_767 : i32
      %or3A = arith.ori %scan3A_765, %shift_left3A_768 : i32
      %xor3A_769 = arith.constant -2147483648 : i32
      %xor3A_770 = arith.xori %or3A, %xor3A_769 : i32
      %broadcast_in_dim3A_771 = arith.constant 0 : i32
      %broadcast_in_dim3A_772 = vector.broadcast %broadcast_in_dim3A_771 : i32 to vector<16xi32>
      %ge3A_773 = vector.broadcast %xor3A_770 : i32 to vector<16xi32>
      %ge3A_774 = arith.cmpi sge, %xor3A_417, %ge3A_773 : vector<16xi32>
      %convert_element_type3A = arith.extui %ge3A_774 : vector<16xi1> to vector<16xi32>
      %add3A_775 = arith.addi %broadcast_in_dim3A_772, %convert_element_type3A : vector<16xi32>
      %ge3A_776 = vector.broadcast %xor3A_770 : i32 to vector<16xi32>
      %ge3A_777 = arith.cmpi sge, %xor3A_425, %ge3A_776 : vector<16xi32>
      %convert_element_type3A_778 = arith.extui %ge3A_777 : vector<16xi1> to vector<16xi32>
      %add3A_779 = arith.addi %add3A_775, %convert_element_type3A_778 : vector<16xi32>
      %ge3A_780 = vector.broadcast %xor3A_770 : i32 to vector<16xi32>
      %ge3A_781 = arith.cmpi sge, %xor3A_433, %ge3A_780 : vector<16xi32>
      %convert_element_type3A_782 = arith.extui %ge3A_781 : vector<16xi1> to vector<16xi32>
      %add3A_783 = arith.addi %add3A_779, %convert_element_type3A_782 : vector<16xi32>
      %ge3A_784 = vector.broadcast %xor3A_770 : i32 to vector<16xi32>
      %ge3A_785 = arith.cmpi sge, %xor3A_441, %ge3A_784 : vector<16xi32>
      %convert_element_type3A_786 = arith.extui %ge3A_785 : vector<16xi1> to vector<16xi32>
      %add3A_787 = arith.addi %add3A_783, %convert_element_type3A_786 : vector<16xi32>
      %ge3A_788 = vector.broadcast %xor3A_770 : i32 to vector<16xi32>
      %ge3A_789 = arith.cmpi sge, %xor3A_449, %ge3A_788 : vector<16xi32>
      %convert_element_type3A_790 = arith.extui %ge3A_789 : vector<16xi1> to vector<16xi32>
      %add3A_791 = arith.addi %add3A_787, %convert_element_type3A_790 : vector<16xi32>
      %ge3A_792 = vector.broadcast %xor3A_770 : i32 to vector<16xi32>
      %ge3A_793 = arith.cmpi sge, %xor3A_457, %ge3A_792 : vector<16xi32>
      %convert_element_type3A_794 = arith.extui %ge3A_793 : vector<16xi1> to vector<16xi32>
      %add3A_795 = arith.addi %add3A_791, %convert_element_type3A_794 : vector<16xi32>
      %ge3A_796 = vector.broadcast %xor3A_770 : i32 to vector<16xi32>
      %ge3A_797 = arith.cmpi sge, %xor3A_465, %ge3A_796 : vector<16xi32>
      %convert_element_type3A_798 = arith.extui %ge3A_797 : vector<16xi1> to vector<16xi32>
      %add3A_799 = arith.addi %add3A_795, %convert_element_type3A_798 : vector<16xi32>
      %ge3A_800 = vector.broadcast %xor3A_770 : i32 to vector<16xi32>
      %ge3A_801 = arith.cmpi sge, %xor3A_473, %ge3A_800 : vector<16xi32>
      %convert_element_type3A_802 = arith.extui %ge3A_801 : vector<16xi1> to vector<16xi32>
      %add3A_803 = arith.addi %add3A_799, %convert_element_type3A_802 : vector<16xi32>
      %reduce_sum3A = arith.constant true
      %reduce_sum3A_804 = vector.broadcast %reduce_sum3A : i1 to vector<16xi1>
      %reduce_sum3A_805 = tpu.scan <sum>, %add3A_803 masked %reduce_sum3A_804 : vector<16xi32>, vector<16xi1> -> vector<16xi32>
      %reduce_sum3A_806 = vector.extract %reduce_sum3A_805[15] : i32 from vector<16xi32>
      %ge3A_807 = arith.constant 64 : i32
      %ge3A_808 = arith.cmpi sge, %reduce_sum3A_806, %ge3A_807 : i32
      %select_n3A_809 = arith.select %ge3A_808, %or3A, %scan3A_765 : i32
      scf.yield %select_n3A_809 : i32
    }
    %scan3A_480 = arith.constant 32 : i32
    %xor3A_481 = arith.constant -2147483648 : i32
    %xor3A_482 = arith.xori %scan3A_479, %xor3A_481 : i32
    %broadcast_in_dim3A_483 = vector.broadcast %xor3A_482 : i32 to vector<16xi32>
    %ge3A_484 = arith.constant 0 : i32
    %ge3A_485 = vector.broadcast %ge3A_484 : i32 to vector<16xi32>
    %ge3A_486 = arith.cmpi sge, %broadcast_in_dim3A_483, %ge3A_485 : vector<16xi32>
    %xor3A_487 = arith.constant 2147483647 : i32
    %xor3A_488 = vector.broadcast %xor3A_487 : i32 to vector<16xi32>
    %xor3A_489 = arith.xori %broadcast_in_dim3A_483, %xor3A_488 : vector<16xi32>
    %select_n3A_490 = arith.select %ge3A_486, %broadcast_in_dim3A_483, %xor3A_489 : vector<16xi1>, vector<16xi32>
    %bitcast_convert_type3A_491 = tpu.bitcast %select_n3A_490 : vector<16xi32> -> vector<16xf32>
    %iota3A_492 = tpu.iota {dimensions = array<i32: 0>} : vector<16xi32>
    %broadcast_in_dim3A_493 = arith.constant 16 : i32
    %broadcast_in_dim3A_494 = vector.broadcast %broadcast_in_dim3A_493 : i32 to vector<16xi32>
    %broadcast_in_dim3A_495 = arith.constant 0 : i32
    %broadcast_in_dim3A_496 = vector.broadcast %broadcast_in_dim3A_495 : i32 to vector<16xi32>
    %scan3A_497 = arith.constant 0 : i32
    %scan3A_498 = arith.constant 256 : i32
    %scan3A_499 = arith.addi %scan3A_497, %scan3A_498 : i32
    %scan3A_500 = arith.constant 1 : i32
    %scan3A_501 = scf.for %scan3A_764 = %scan3A_497 to %scan3A_499 step %scan3A_500 iter_args(%scan3A_765 = %iota3A_492) -> (vector<16xi32>)  : i32 {
      %mul3A_766 = arith.constant 8 : i32
      %mul3A_767 = arith.muli %scan3A_764, %mul3A_766 : i32
      %mul3A_768 = arith.constant 16 : i32
      %mul3A_769 = arith.muli %mul3A_767, %mul3A_768 : i32
      %add3A_770 = arith.constant 0 : i32
      %add3A_771 = arith.addi %mul3A_769, %add3A_770 : i32
      %get3A = arith.index_cast %add3A_771 : i32 to index
      %get3A_772 = tpu.vector_load %arg4[%get3A] {strides = array<i32>} : memref<32768xf32, #tpu.memory_space<vmem>>, vector<16xf32>,
      %ge3A_773 = arith.cmpf oge, %get3A_772, %bitcast_convert_type3A_491 : vector<16xf32>
      tpu.vector_store_idx %arg6[%scan3A_765], %get3A_772 masked %ge3A_773 : memref<32832xf32, #tpu.memory_space<vmem>>[vector<16xi32>], vector<16xf32>, vector<16xi1>
      %select_n3A_774 = arith.select %ge3A_773, %broadcast_in_dim3A_494, %broadcast_in_dim3A_496 : vector<16xi1>, vector<16xi32>
      %add3A_775 = arith.addi %scan3A_765, %select_n3A_774 : vector<16xi32>
      %add3A_776 = arith.constant 16 : i32
      %add3A_777 = arith.addi %mul3A_769, %add3A_776 : i32
      %get3A_778 = arith.index_cast %add3A_777 : i32 to index
      %get3A_779 = tpu.vector_load %arg4[%get3A_778] {strides = array<i32>} : memref<32768xf32, #tpu.memory_space<vmem>>, vector<16xf32>,
      %ge3A_780 = arith.cmpf oge, %get3A_779, %bitcast_convert_type3A_491 : vector<16xf32>
      tpu.vector_store_idx %arg6[%add3A_775], %get3A_779 masked %ge3A_780 : memref<32832xf32, #tpu.memory_space<vmem>>[vector<16xi32>], vector<16xf32>, vector<16xi1>
      %select_n3A_781 = arith.select %ge3A_780, %broadcast_in_dim3A_494, %broadcast_in_dim3A_496 : vector<16xi1>, vector<16xi32>
      %add3A_782 = arith.addi %add3A_775, %select_n3A_781 : vector<16xi32>
      %add3A_783 = arith.constant 32 : i32
      %add3A_784 = arith.addi %mul3A_769, %add3A_783 : i32
      %get3A_785 = arith.index_cast %add3A_784 : i32 to index
      %get3A_786 = tpu.vector_load %arg4[%get3A_785] {strides = array<i32>} : memref<32768xf32, #tpu.memory_space<vmem>>, vector<16xf32>,
      %ge3A_787 = arith.cmpf oge, %get3A_786, %bitcast_convert_type3A_491 : vector<16xf32>
      tpu.vector_store_idx %arg6[%add3A_782], %get3A_786 masked %ge3A_787 : memref<32832xf32, #tpu.memory_space<vmem>>[vector<16xi32>], vector<16xf32>, vector<16xi1>
      %select_n3A_788 = arith.select %ge3A_787, %broadcast_in_dim3A_494, %broadcast_in_dim3A_496 : vector<16xi1>, vector<16xi32>
      %add3A_789 = arith.addi %add3A_782, %select_n3A_788 : vector<16xi32>
      %add3A_790 = arith.constant 48 : i32
      %add3A_791 = arith.addi %mul3A_769, %add3A_790 : i32
      %get3A_792 = arith.index_cast %add3A_791 : i32 to index
      %get3A_793 = tpu.vector_load %arg4[%get3A_792] {strides = array<i32>} : memref<32768xf32, #tpu.memory_space<vmem>>, vector<16xf32>,
      %ge3A_794 = arith.cmpf oge, %get3A_793, %bitcast_convert_type3A_491 : vector<16xf32>
      tpu.vector_store_idx %arg6[%add3A_789], %get3A_793 masked %ge3A_794 : memref<32832xf32, #tpu.memory_space<vmem>>[vector<16xi32>], vector<16xf32>, vector<16xi1>
      %select_n3A_795 = arith.select %ge3A_794, %broadcast_in_dim3A_494, %broadcast_in_dim3A_496 : vector<16xi1>, vector<16xi32>
      %add3A_796 = arith.addi %add3A_789, %select_n3A_795 : vector<16xi32>
      %add3A_797 = arith.constant 64 : i32
      %add3A_798 = arith.addi %mul3A_769, %add3A_797 : i32
      %get3A_799 = arith.index_cast %add3A_798 : i32 to index
      %get3A_800 = tpu.vector_load %arg4[%get3A_799] {strides = array<i32>} : memref<32768xf32, #tpu.memory_space<vmem>>, vector<16xf32>,
      %ge3A_801 = arith.cmpf oge, %get3A_800, %bitcast_convert_type3A_491 : vector<16xf32>
      tpu.vector_store_idx %arg6[%add3A_796], %get3A_800 masked %ge3A_801 : memref<32832xf32, #tpu.memory_space<vmem>>[vector<16xi32>], vector<16xf32>, vector<16xi1>
      %select_n3A_802 = arith.select %ge3A_801, %broadcast_in_dim3A_494, %broadcast_in_dim3A_496 : vector<16xi1>, vector<16xi32>
      %add3A_803 = arith.addi %add3A_796, %select_n3A_802 : vector<16xi32>
      %add3A_804 = arith.constant 80 : i32
      %add3A_805 = arith.addi %mul3A_769, %add3A_804 : i32
      %get3A_806 = arith.index_cast %add3A_805 : i32 to index
      %get3A_807 = tpu.vector_load %arg4[%get3A_806] {strides = array<i32>} : memref<32768xf32, #tpu.memory_space<vmem>>, vector<16xf32>,
      %ge3A_808 = arith.cmpf oge, %get3A_807, %bitcast_convert_type3A_491 : vector<16xf32>
      tpu.vector_store_idx %arg6[%add3A_803], %get3A_807 masked %ge3A_808 : memref<32832xf32, #tpu.memory_space<vmem>>[vector<16xi32>], vector<16xf32>, vector<16xi1>
      %select_n3A_809 = arith.select %ge3A_808, %broadcast_in_dim3A_494, %broadcast_in_dim3A_496 : vector<16xi1>, vector<16xi32>
      %add3A_810 = arith.addi %add3A_803, %select_n3A_809 : vector<16xi32>
      %add3A_811 = arith.constant 96 : i32
      %add3A_812 = arith.addi %mul3A_769, %add3A_811 : i32
      %get3A_813 = arith.index_cast %add3A_812 : i32 to index
      %get3A_814 = tpu.vector_load %arg4[%get3A_813] {strides = array<i32>} : memref<32768xf32, #tpu.memory_space<vmem>>, vector<16xf32>,
      %ge3A_815 = arith.cmpf oge, %get3A_814, %bitcast_convert_type3A_491 : vector<16xf32>
      tpu.vector_store_idx %arg6[%add3A_810], %get3A_814 masked %ge3A_815 : memref<32832xf32, #tpu.memory_space<vmem>>[vector<16xi32>], vector<16xf32>, vector<16xi1>
      %select_n3A_816 = arith.select %ge3A_815, %broadcast_in_dim3A_494, %broadcast_in_dim3A_496 : vector<16xi1>, vector<16xi32>
      %add3A_817 = arith.addi %add3A_810, %select_n3A_816 : vector<16xi32>
      %add3A_818 = arith.constant 112 : i32
      %add3A_819 = arith.addi %mul3A_769, %add3A_818 : i32
      %get3A_820 = arith.index_cast %add3A_819 : i32 to index
      %get3A_821 = tpu.vector_load %arg4[%get3A_820] {strides = array<i32>} : memref<32768xf32, #tpu.memory_space<vmem>>, vector<16xf32>,
      %ge3A_822 = arith.cmpf oge, %get3A_821, %bitcast_convert_type3A_491 : vector<16xf32>
      tpu.vector_store_idx %arg6[%add3A_817], %get3A_821 masked %ge3A_822 : memref<32832xf32, #tpu.memory_space<vmem>>[vector<16xi32>], vector<16xf32>, vector<16xi1>
      %select_n3A_823 = arith.select %ge3A_822, %broadcast_in_dim3A_494, %broadcast_in_dim3A_496 : vector<16xi1>, vector<16xi32>
      %add3A_824 = arith.addi %add3A_817, %select_n3A_823 : vector<16xi32>
      scf.yield %add3A_824 : vector<16xi32>
    }
    %scan3A_502 = arith.constant 256 : i32
    %sub3A_503 = arith.subi %scan3A_501, %iota3A_492 : vector<16xi32>
    %shift_right_logical3A_504 = arith.constant 4 : i32
    %shift_right_logical3A_505 = vector.broadcast %shift_right_logical3A_504 : i32 to vector<16xi32>
    %shift_right_logical3A_506 = arith.shrui %sub3A_503, %shift_right_logical3A_505 : vector<16xi32>
    %broadcast_in_dim3A_507 = arith.constant true
    %broadcast_in_dim3A_508 = vector.broadcast %broadcast_in_dim3A_507 : i1 to vector<16xi1>
    %masked_cummax3A_509 = arith.constant -2147483648 : i32
    %masked_cummax3A_510 = vector.broadcast %masked_cummax3A_509 : i32 to vector<16xi32>
    %masked_cummax3A_511 = arith.xori %shift_right_logical3A_506, %masked_cummax3A_510 : vector<16xi32>
    %masked_cummax3A_512 = tpu.scan <max>, %masked_cummax3A_511 masked %broadcast_in_dim3A_508 : vector<16xi32>, vector<16xi1> -> vector<16xi32>
    %masked_cummax3A_513 = arith.xori %masked_cummax3A_512, %masked_cummax3A_510 : vector<16xi32>
    %slice3A_514 = vector.extract_strided_slice %masked_cummax3A_513 {offsets = [15], sizes = [1], strides = [1]} : vector<16xi32> to vector<1xi32>
    %squeeze3A_515 = vector.extract %slice3A_514[0] : i32 from vector<1xi32>
    %add3A_516 = arith.constant 3 : i32
    %add3A_517 = arith.addi %squeeze3A_515, %add3A_516 : i32
    %and3A_518 = arith.constant -4 : i32
    %and3A_519 = arith.andi %add3A_517, %and3A_518 : i32
    %bitcast_convert_type3A_520 = tpu.bitcast %broadcast_in_dim3A_403 : vector<16xf32> -> vector<16xi32>
    %shift_right_arithmetic3A_521 = arith.constant 31 : i32
    %shift_right_arithmetic3A_522 = vector.broadcast %shift_right_arithmetic3A_521 : i32 to vector<16xi32>
    %shift_right_arithmetic3A_523 = arith.shrsi %bitcast_convert_type3A_520, %shift_right_arithmetic3A_522 : vector<16xi32>
    %and3A_524 = arith.constant 2147483647 : i32
    %and3A_525 = vector.broadcast %and3A_524 : i32 to vector<16xi32>
    %and3A_526 = arith.andi %shift_right_arithmetic3A_523, %and3A_525 : vector<16xi32>
    %xor3A_527 = arith.xori %bitcast_convert_type3A_520, %and3A_526 : vector<16xi32>
    %while3A_528 = arith.constant 0 : i32
    %while3A_529 = arith.constant 0 : i32
    %while3A_530 = arith.subi %and3A_519, %while3A_529 : i32
    %while3A_531 = arith.addi %while3A_529, %while3A_530 : i32
    %while3A_532 = arith.constant 1 : i32
    %while3A_533 = arith.divsi %while3A_530, %while3A_532 : i32
    %while3A_534 = arith.muli %while3A_533, %while3A_532 : i32
    %while3A_535 = arith.addi %while3A_529, %while3A_534 : i32
    %while3A_536 = arith.constant 1 : i32
    scf.for %while3A_764 = %while3A_529 to %while3A_535 step %while3A_536  : i32 {
      %broadcast_in_dim3A_765 = vector.broadcast %while3A_764 : i32 to vector<16xi32>
      %mul3A_766 = arith.constant 16 : i32
      %mul3A_767 = arith.muli %while3A_764, %mul3A_766 : i32
      %lt3A = arith.cmpi slt, %broadcast_in_dim3A_765, %shift_right_logical3A_506 : vector<16xi32>
      %get3A = arith.index_cast %mul3A_767 : i32 to index
      %get3A_768 = tpu.vector_load %arg6[%get3A] {strides = array<i32>} : memref<32832xf32, #tpu.memory_space<vmem>>, vector<16xf32>,
      %bitcast_convert_type3A_769 = tpu.bitcast %get3A_768 : vector<16xf32> -> vector<16xi32>
      %shift_right_arithmetic3A_770 = arith.constant 31 : i32
      %shift_right_arithmetic3A_771 = vector.broadcast %shift_right_arithmetic3A_770 : i32 to vector<16xi32>
      %shift_right_arithmetic3A_772 = arith.shrsi %bitcast_convert_type3A_769, %shift_right_arithmetic3A_771 : vector<16xi32>
      %and3A_773 = arith.constant 2147483647 : i32
      %and3A_774 = vector.broadcast %and3A_773 : i32 to vector<16xi32>
      %and3A_775 = arith.andi %shift_right_arithmetic3A_772, %and3A_774 : vector<16xi32>
      %xor3A_776 = arith.xori %bitcast_convert_type3A_769, %and3A_775 : vector<16xi32>
      %select_n3A_777 = arith.select %lt3A, %xor3A_776, %xor3A_527 : vector<16xi1>, vector<16xi32>
      %bitcast_convert_type3A_778 = tpu.bitcast %select_n3A_777 : vector<16xi32> -> vector<16xf32>
      %swap3A = arith.index_cast %mul3A_767 : i32 to index
      %swap3A_779 = tpu.vector_load %arg6[%swap3A] {strides = array<i32>} : memref<32832xf32, #tpu.memory_space<vmem>>, vector<16xf32>,
      tpu.vector_store %arg6[%swap3A], %bitcast_convert_type3A_778 {strides = array<i32>} : memref<32832xf32, #tpu.memory_space<vmem>>, vector<16xf32>,
    }
    %while3A_537 = arith.constant 1 : i32
    scf.for %while3A_764 = %while3A_535 to %while3A_531 step %while3A_537  : i32 {
      %broadcast_in_dim3A_765 = vector.broadcast %while3A_764 : i32 to vector<16xi32>
      %mul3A_766 = arith.constant 16 : i32
      %mul3A_767 = arith.muli %while3A_764, %mul3A_766 : i32
      %lt3A = arith.cmpi slt, %broadcast_in_dim3A_765, %shift_right_logical3A_506 : vector<16xi32>
      %get3A = arith.index_cast %mul3A_767 : i32 to index
      %get3A_768 = tpu.vector_load %arg6[%get3A] {strides = array<i32>} : memref<32832xf32, #tpu.memory_space<vmem>>, vector<16xf32>,
      %bitcast_convert_type3A_769 = tpu.bitcast %get3A_768 : vector<16xf32> -> vector<16xi32>
      %shift_right_arithmetic3A_770 = arith.constant 31 : i32
      %shift_right_arithmetic3A_771 = vector.broadcast %shift_right_arithmetic3A_770 : i32 to vector<16xi32>
      %shift_right_arithmetic3A_772 = arith.shrsi %bitcast_convert_type3A_769, %shift_right_arithmetic3A_771 : vector<16xi32>
      %and3A_773 = arith.constant 2147483647 : i32
      %and3A_774 = vector.broadcast %and3A_773 : i32 to vector<16xi32>
      %and3A_775 = arith.andi %shift_right_arithmetic3A_772, %and3A_774 : vector<16xi32>
      %xor3A_776 = arith.xori %bitcast_convert_type3A_769, %and3A_775 : vector<16xi32>
      %select_n3A_777 = arith.select %lt3A, %xor3A_776, %xor3A_527 : vector<16xi1>, vector<16xi32>
      %bitcast_convert_type3A_778 = tpu.bitcast %select_n3A_777 : vector<16xi32> -> vector<16xf32>
      %swap3A = arith.index_cast %mul3A_767 : i32 to index
      %swap3A_779 = tpu.vector_load %arg6[%swap3A] {strides = array<i32>} : memref<32832xf32, #tpu.memory_space<vmem>>, vector<16xf32>,
      tpu.vector_store %arg6[%swap3A], %bitcast_convert_type3A_778 {strides = array<i32>} : memref<32832xf32, #tpu.memory_space<vmem>>, vector<16xf32>,
    }
    %scan3A_538 = arith.constant 0 : i32
    %scan3A_539 = arith.constant 0 : i32
    %scan3A_540 = arith.constant 32 : i32
    %scan3A_541 = arith.addi %scan3A_539, %scan3A_540 : i32
    %scan3A_542 = arith.constant 1 : i32
    %scan3A_543 = scf.for %scan3A_764 = %scan3A_539 to %scan3A_541 step %scan3A_542 iter_args(%scan3A_765 = %scan3A_538) -> (i32)  : i32 {
      %sub3A_766 = arith.constant 31 : i32
      %sub3A_767 = arith.subi %sub3A_766, %scan3A_764 : i32
      %shift_left3A = arith.constant 1 : i32
      %shift_left3A_768 = arith.shli %shift_left3A, %sub3A_767 : i32
      %or3A = arith.ori %scan3A_765, %shift_left3A_768 : i32
      %xor3A_769 = arith.constant -2147483648 : i32
      %xor3A_770 = arith.xori %or3A, %xor3A_769 : i32
      %jit3A = arith.constant 4 : i32
      %div3A = arith.divsi %and3A_519, %jit3A : i32
      %sign3A = arith.constant 0 : i32
      %sign3A_771 = arith.cmpi sgt, %and3A_519, %sign3A : i32
      %sign3A_772 = arith.extui %sign3A_771 : i1 to i32
      %sign3A_773 = arith.constant 0 : i32
      %sign3A_774 = arith.cmpi slt, %and3A_519, %sign3A_773 : i32
      %sign3A_775 = arith.extui %sign3A_774 : i1 to i32
      %sign3A_776 = arith.subi %sign3A_772, %sign3A_775 : i32
      %sign3A_777 = arith.constant 0 : i32
      %sign3A_778 = arith.cmpi sgt, %jit3A, %sign3A_777 : i32
      %sign3A_779 = arith.extui %sign3A_778 : i1 to i32
      %sign3A_780 = arith.constant 0 : i32
      %sign3A_781 = arith.cmpi slt, %jit3A, %sign3A_780 : i32
      %sign3A_782 = arith.extui %sign3A_781 : i1 to i32
      %sign3A_783 = arith.subi %sign3A_779, %sign3A_782 : i32
      %ne3A = arith.cmpi ne, %sign3A_776, %sign3A_783 : i32
      %rem3A = arith.remsi %and3A_519, %jit3A : i32
      %ne3A_784 = arith.constant 0 : i32
      %ne3A_785 = arith.cmpi ne, %rem3A, %ne3A_784 : i32
      %and3A_786 = arith.andi %ne3A, %ne3A_785 : i1
      %sub3A_787 = arith.constant 1 : i32
      %sub3A_788 = arith.subi %div3A, %sub3A_787 : i32
      %select_n3A_789 = arith.select %and3A_786, %sub3A_788, %div3A : i32
      %broadcast_in_dim3A_790 = arith.constant 0 : i32
      %broadcast_in_dim3A_791 = vector.broadcast %broadcast_in_dim3A_790 : i32 to vector<16xi32>
      %while3A_792 = arith.constant 0 : i32
      %while3A_793 = arith.subi %select_n3A_789, %while3A_792 : i32
      %while3A_794 = arith.addi %while3A_792, %while3A_793 : i32
      %while3A_795 = arith.constant 1 : i32
      %while3A_796 = arith.divsi %while3A_793, %while3A_795 : i32
      %while3A_797 = arith.muli %while3A_796, %while3A_795 : i32
      %while3A_798 = arith.addi %while3A_792, %while3A_797 : i32
      %while3A_799 = arith.constant 1 : i32
      %while3A_800 = scf.for %while3A_809 = %while3A_792 to %while3A_798 step %while3A_799 iter_args(%while3A_810 = %broadcast_in_dim3A_791) -> (vector<16xi32>)  : i32 {
        %mul3A_811 = arith.constant 4 : i32
        %mul3A_812 = arith.muli %while3A_809, %mul3A_811 : i32
        %mul3A_813 = arith.constant 16 : i32
        %mul3A_814 = arith.muli %mul3A_812, %mul3A_813 : i32
        %add3A_815 = arith.constant 0 : i32
        %add3A_816 = arith.addi %mul3A_814, %add3A_815 : i32
        %get3A = arith.index_cast %add3A_816 : i32 to index
        %get3A_817 = tpu.vector_load %arg6[%get3A] {strides = array<i32>} : memref<32832xf32, #tpu.memory_space<vmem>>, vector<16xf32>,
        %bitcast_convert_type3A_818 = tpu.bitcast %get3A_817 : vector<16xf32> -> vector<16xi32>
        %ge3A_819 = vector.broadcast %xor3A_770 : i32 to vector<16xi32>
        %ge3A_820 = arith.cmpi sge, %bitcast_convert_type3A_818, %ge3A_819 : vector<16xi32>
        %convert_element_type3A = arith.extui %ge3A_820 : vector<16xi1> to vector<16xi32>
        %add3A_821 = arith.addi %while3A_810, %convert_element_type3A : vector<16xi32>
        %add3A_822 = arith.constant 16 : i32
        %add3A_823 = arith.addi %mul3A_814, %add3A_822 : i32
        %get3A_824 = arith.index_cast %add3A_823 : i32 to index
        %get3A_825 = tpu.vector_load %arg6[%get3A_824] {strides = array<i32>} : memref<32832xf32, #tpu.memory_space<vmem>>, vector<16xf32>,
        %bitcast_convert_type3A_826 = tpu.bitcast %get3A_825 : vector<16xf32> -> vector<16xi32>
        %ge3A_827 = vector.broadcast %xor3A_770 : i32 to vector<16xi32>
        %ge3A_828 = arith.cmpi sge, %bitcast_convert_type3A_826, %ge3A_827 : vector<16xi32>
        %convert_element_type3A_829 = arith.extui %ge3A_828 : vector<16xi1> to vector<16xi32>
        %add3A_830 = arith.addi %add3A_821, %convert_element_type3A_829 : vector<16xi32>
        %add3A_831 = arith.constant 32 : i32
        %add3A_832 = arith.addi %mul3A_814, %add3A_831 : i32
        %get3A_833 = arith.index_cast %add3A_832 : i32 to index
        %get3A_834 = tpu.vector_load %arg6[%get3A_833] {strides = array<i32>} : memref<32832xf32, #tpu.memory_space<vmem>>, vector<16xf32>,
        %bitcast_convert_type3A_835 = tpu.bitcast %get3A_834 : vector<16xf32> -> vector<16xi32>
        %ge3A_836 = vector.broadcast %xor3A_770 : i32 to vector<16xi32>
        %ge3A_837 = arith.cmpi sge, %bitcast_convert_type3A_835, %ge3A_836 : vector<16xi32>
        %convert_element_type3A_838 = arith.extui %ge3A_837 : vector<16xi1> to vector<16xi32>
        %add3A_839 = arith.addi %add3A_830, %convert_element_type3A_838 : vector<16xi32>
        %add3A_840 = arith.constant 48 : i32
        %add3A_841 = arith.addi %mul3A_814, %add3A_840 : i32
        %get3A_842 = arith.index_cast %add3A_841 : i32 to index
        %get3A_843 = tpu.vector_load %arg6[%get3A_842] {strides = array<i32>} : memref<32832xf32, #tpu.memory_space<vmem>>, vector<16xf32>,
        %bitcast_convert_type3A_844 = tpu.bitcast %get3A_843 : vector<16xf32> -> vector<16xi32>
        %ge3A_845 = vector.broadcast %xor3A_770 : i32 to vector<16xi32>
        %ge3A_846 = arith.cmpi sge, %bitcast_convert_type3A_844, %ge3A_845 : vector<16xi32>
        %convert_element_type3A_847 = arith.extui %ge3A_846 : vector<16xi1> to vector<16xi32>
        %add3A_848 = arith.addi %add3A_839, %convert_element_type3A_847 : vector<16xi32>
        scf.yield %add3A_848 : vector<16xi32>
      }
      %while3A_801 = arith.constant 1 : i32
      %while3A_802 = scf.for %while3A_809 = %while3A_798 to %while3A_794 step %while3A_801 iter_args(%while3A_810 = %while3A_800) -> (vector<16xi32>)  : i32 {
        %mul3A_811 = arith.constant 4 : i32
        %mul3A_812 = arith.muli %while3A_809, %mul3A_811 : i32
        %mul3A_813 = arith.constant 16 : i32
        %mul3A_814 = arith.muli %mul3A_812, %mul3A_813 : i32
        %add3A_815 = arith.constant 0 : i32
        %add3A_816 = arith.addi %mul3A_814, %add3A_815 : i32
        %get3A = arith.index_cast %add3A_816 : i32 to index
        %get3A_817 = tpu.vector_load %arg6[%get3A] {strides = array<i32>} : memref<32832xf32, #tpu.memory_space<vmem>>, vector<16xf32>,
        %bitcast_convert_type3A_818 = tpu.bitcast %get3A_817 : vector<16xf32> -> vector<16xi32>
        %ge3A_819 = vector.broadcast %xor3A_770 : i32 to vector<16xi32>
        %ge3A_820 = arith.cmpi sge, %bitcast_convert_type3A_818, %ge3A_819 : vector<16xi32>
        %convert_element_type3A = arith.extui %ge3A_820 : vector<16xi1> to vector<16xi32>
        %add3A_821 = arith.addi %while3A_810, %convert_element_type3A : vector<16xi32>
        %add3A_822 = arith.constant 16 : i32
        %add3A_823 = arith.addi %mul3A_814, %add3A_822 : i32
        %get3A_824 = arith.index_cast %add3A_823 : i32 to index
        %get3A_825 = tpu.vector_load %arg6[%get3A_824] {strides = array<i32>} : memref<32832xf32, #tpu.memory_space<vmem>>, vector<16xf32>,
        %bitcast_convert_type3A_826 = tpu.bitcast %get3A_825 : vector<16xf32> -> vector<16xi32>
        %ge3A_827 = vector.broadcast %xor3A_770 : i32 to vector<16xi32>
        %ge3A_828 = arith.cmpi sge, %bitcast_convert_type3A_826, %ge3A_827 : vector<16xi32>
        %convert_element_type3A_829 = arith.extui %ge3A_828 : vector<16xi1> to vector<16xi32>
        %add3A_830 = arith.addi %add3A_821, %convert_element_type3A_829 : vector<16xi32>
        %add3A_831 = arith.constant 32 : i32
        %add3A_832 = arith.addi %mul3A_814, %add3A_831 : i32
        %get3A_833 = arith.index_cast %add3A_832 : i32 to index
        %get3A_834 = tpu.vector_load %arg6[%get3A_833] {strides = array<i32>} : memref<32832xf32, #tpu.memory_space<vmem>>, vector<16xf32>,
        %bitcast_convert_type3A_835 = tpu.bitcast %get3A_834 : vector<16xf32> -> vector<16xi32>
        %ge3A_836 = vector.broadcast %xor3A_770 : i32 to vector<16xi32>
        %ge3A_837 = arith.cmpi sge, %bitcast_convert_type3A_835, %ge3A_836 : vector<16xi32>
        %convert_element_type3A_838 = arith.extui %ge3A_837 : vector<16xi1> to vector<16xi32>
        %add3A_839 = arith.addi %add3A_830, %convert_element_type3A_838 : vector<16xi32>
        %add3A_840 = arith.constant 48 : i32
        %add3A_841 = arith.addi %mul3A_814, %add3A_840 : i32
        %get3A_842 = arith.index_cast %add3A_841 : i32 to index
        %get3A_843 = tpu.vector_load %arg6[%get3A_842] {strides = array<i32>} : memref<32832xf32, #tpu.memory_space<vmem>>, vector<16xf32>,
        %bitcast_convert_type3A_844 = tpu.bitcast %get3A_843 : vector<16xf32> -> vector<16xi32>
        %ge3A_845 = vector.broadcast %xor3A_770 : i32 to vector<16xi32>
        %ge3A_846 = arith.cmpi sge, %bitcast_convert_type3A_844, %ge3A_845 : vector<16xi32>
        %convert_element_type3A_847 = arith.extui %ge3A_846 : vector<16xi1> to vector<16xi32>
        %add3A_848 = arith.addi %add3A_839, %convert_element_type3A_847 : vector<16xi32>
        scf.yield %add3A_848 : vector<16xi32>
      }
      %reduce_sum3A = arith.constant true
      %reduce_sum3A_803 = vector.broadcast %reduce_sum3A : i1 to vector<16xi1>
      %reduce_sum3A_804 = tpu.scan <sum>, %while3A_802 masked %reduce_sum3A_803 : vector<16xi32>, vector<16xi1> -> vector<16xi32>
      %reduce_sum3A_805 = vector.extract %reduce_sum3A_804[15] : i32 from vector<16xi32>
      %ge3A_806 = arith.constant 64 : i32
      %ge3A_807 = arith.cmpi sge, %reduce_sum3A_805, %ge3A_806 : i32
      %select_n3A_808 = arith.select %ge3A_807, %or3A, %scan3A_765 : i32
      scf.yield %select_n3A_808 : i32
    }
    %scan3A_544 = arith.constant 32 : i32
    %xor3A_545 = arith.constant -2147483648 : i32
    %xor3A_546 = arith.xori %scan3A_543, %xor3A_545 : i32
    %broadcast_in_dim3A_547 = vector.broadcast %xor3A_546 : i32 to vector<16xi32>
    %ge3A_548 = arith.constant 0 : i32
    %ge3A_549 = vector.broadcast %ge3A_548 : i32 to vector<16xi32>
    %ge3A_550 = arith.cmpi sge, %broadcast_in_dim3A_547, %ge3A_549 : vector<16xi32>
    %xor3A_551 = arith.constant 2147483647 : i32
    %xor3A_552 = vector.broadcast %xor3A_551 : i32 to vector<16xi32>
    %xor3A_553 = arith.xori %broadcast_in_dim3A_547, %xor3A_552 : vector<16xi32>
    %select_n3A_554 = arith.select %ge3A_550, %broadcast_in_dim3A_547, %xor3A_553 : vector<16xi1>, vector<16xi32>
    %bitcast_convert_type3A_555 = tpu.bitcast %select_n3A_554 : vector<16xi32> -> vector<16xf32>
    %broadcast_in_dim3A_556 = arith.constant 0.000000e+00 : f32
    %broadcast_in_dim3A_557 = vector.broadcast %broadcast_in_dim3A_556 : f32 to vector<16xf32>
    %scan3A_558 = arith.constant 0 : i32
    %scan3A_559 = arith.constant 0 : i32
    %scan3A_560 = arith.constant 256 : i32
    %scan3A_561 = arith.addi %scan3A_559, %scan3A_560 : i32
    %scan3A_562 = arith.constant 1 : i32
    scf.for %scan3A_764 = %scan3A_559 to %scan3A_561 step %scan3A_562  : i32 {
      %mul3A_765 = arith.constant 8 : i32
      %mul3A_766 = arith.muli %scan3A_764, %mul3A_765 : i32
      %mul3A_767 = arith.constant 16 : i32
      %mul3A_768 = arith.muli %mul3A_766, %mul3A_767 : i32
      %add3A_769 = arith.constant 0 : i32
      %add3A_770 = arith.addi %mul3A_768, %add3A_769 : i32
      %get3A = arith.index_cast %add3A_770 : i32 to index
      %get3A_771 = tpu.vector_load %arg4[%get3A] {strides = array<i32>} : memref<32768xf32, #tpu.memory_space<vmem>>, vector<16xf32>,
      %ge3A_772 = arith.cmpf oge, %get3A_771, %bitcast_convert_type3A_555 : vector<16xf32>
      %select_n3A_773 = arith.select %ge3A_772, %get3A_771, %broadcast_in_dim3A_557 : vector<16xi1>, vector<16xf32>
      %swap3A = arith.index_cast %add3A_770 : i32 to index
      %swap3A_774 = tpu.vector_load %arg4[%swap3A] {strides = array<i32>} : memref<32768xf32, #tpu.memory_space<vmem>>, vector<16xf32>,
      tpu.vector_store %arg4[%swap3A], %select_n3A_773 {strides = array<i32>} : memref<32768xf32, #tpu.memory_space<vmem>>, vector<16xf32>,
      %add3A_775 = arith.constant 16 : i32
      %add3A_776 = arith.addi %mul3A_768, %add3A_775 : i32
      %get3A_777 = arith.index_cast %add3A_776 : i32 to index
      %get3A_778 = tpu.vector_load %arg4[%get3A_777] {strides = array<i32>} : memref<32768xf32, #tpu.memory_space<vmem>>, vector<16xf32>,
      %ge3A_779 = arith.cmpf oge, %get3A_778, %bitcast_convert_type3A_555 : vector<16xf32>
      %select_n3A_780 = arith.select %ge3A_779, %get3A_778, %broadcast_in_dim3A_557 : vector<16xi1>, vector<16xf32>
      %swap3A_781 = arith.index_cast %add3A_776 : i32 to index
      %swap3A_782 = tpu.vector_load %arg4[%swap3A_781] {strides = array<i32>} : memref<32768xf32, #tpu.memory_space<vmem>>, vector<16xf32>,
      tpu.vector_store %arg4[%swap3A_781], %select_n3A_780 {strides = array<i32>} : memref<32768xf32, #tpu.memory_space<vmem>>, vector<16xf32>,
      %add3A_783 = arith.constant 32 : i32
      %add3A_784 = arith.addi %mul3A_768, %add3A_783 : i32
      %get3A_785 = arith.index_cast %add3A_784 : i32 to index
      %get3A_786 = tpu.vector_load %arg4[%get3A_785] {strides = array<i32>} : memref<32768xf32, #tpu.memory_space<vmem>>, vector<16xf32>,
      %ge3A_787 = arith.cmpf oge, %get3A_786, %bitcast_convert_type3A_555 : vector<16xf32>
      %select_n3A_788 = arith.select %ge3A_787, %get3A_786, %broadcast_in_dim3A_557 : vector<16xi1>, vector<16xf32>
      %swap3A_789 = arith.index_cast %add3A_784 : i32 to index
      %swap3A_790 = tpu.vector_load %arg4[%swap3A_789] {strides = array<i32>} : memref<32768xf32, #tpu.memory_space<vmem>>, vector<16xf32>,
      tpu.vector_store %arg4[%swap3A_789], %select_n3A_788 {strides = array<i32>} : memref<32768xf32, #tpu.memory_space<vmem>>, vector<16xf32>,
      %add3A_791 = arith.constant 48 : i32
      %add3A_792 = arith.addi %mul3A_768, %add3A_791 : i32
      %get3A_793 = arith.index_cast %add3A_792 : i32 to index
      %get3A_794 = tpu.vector_load %arg4[%get3A_793] {strides = array<i32>} : memref<32768xf32, #tpu.memory_space<vmem>>, vector<16xf32>,
      %ge3A_795 = arith.cmpf oge, %get3A_794, %bitcast_convert_type3A_555 : vector<16xf32>
      %select_n3A_796 = arith.select %ge3A_795, %get3A_794, %broadcast_in_dim3A_557 : vector<16xi1>, vector<16xf32>
      %swap3A_797 = arith.index_cast %add3A_792 : i32 to index
      %swap3A_798 = tpu.vector_load %arg4[%swap3A_797] {strides = array<i32>} : memref<32768xf32, #tpu.memory_space<vmem>>, vector<16xf32>,
      tpu.vector_store %arg4[%swap3A_797], %select_n3A_796 {strides = array<i32>} : memref<32768xf32, #tpu.memory_space<vmem>>, vector<16xf32>,
      %add3A_799 = arith.constant 64 : i32
      %add3A_800 = arith.addi %mul3A_768, %add3A_799 : i32
      %get3A_801 = arith.index_cast %add3A_800 : i32 to index
      %get3A_802 = tpu.vector_load %arg4[%get3A_801] {strides = array<i32>} : memref<32768xf32, #tpu.memory_space<vmem>>, vector<16xf32>,
      %ge3A_803 = arith.cmpf oge, %get3A_802, %bitcast_convert_type3A_555 : vector<16xf32>
      %select_n3A_804 = arith.select %ge3A_803, %get3A_802, %broadcast_in_dim3A_557 : vector<16xi1>, vector<16xf32>
      %swap3A_805 = arith.index_cast %add3A_800 : i32 to index
      %swap3A_806 = tpu.vector_load %arg4[%swap3A_805] {strides = array<i32>} : memref<32768xf32, #tpu.memory_space<vmem>>, vector<16xf32>,
      tpu.vector_store %arg4[%swap3A_805], %select_n3A_804 {strides = array<i32>} : memref<32768xf32, #tpu.memory_space<vmem>>, vector<16xf32>,
      %add3A_807 = arith.constant 80 : i32
      %add3A_808 = arith.addi %mul3A_768, %add3A_807 : i32
      %get3A_809 = arith.index_cast %add3A_808 : i32 to index
      %get3A_810 = tpu.vector_load %arg4[%get3A_809] {strides = array<i32>} : memref<32768xf32, #tpu.memory_space<vmem>>, vector<16xf32>,
      %ge3A_811 = arith.cmpf oge, %get3A_810, %bitcast_convert_type3A_555 : vector<16xf32>
      %select_n3A_812 = arith.select %ge3A_811, %get3A_810, %broadcast_in_dim3A_557 : vector<16xi1>, vector<16xf32>
      %swap3A_813 = arith.index_cast %add3A_808 : i32 to index
      %swap3A_814 = tpu.vector_load %arg4[%swap3A_813] {strides = array<i32>} : memref<32768xf32, #tpu.memory_space<vmem>>, vector<16xf32>,
      tpu.vector_store %arg4[%swap3A_813], %select_n3A_812 {strides = array<i32>} : memref<32768xf32, #tpu.memory_space<vmem>>, vector<16xf32>,
      %add3A_815 = arith.constant 96 : i32
      %add3A_816 = arith.addi %mul3A_768, %add3A_815 : i32
      %get3A_817 = arith.index_cast %add3A_816 : i32 to index
      %get3A_818 = tpu.vector_load %arg4[%get3A_817] {strides = array<i32>} : memref<32768xf32, #tpu.memory_space<vmem>>, vector<16xf32>,
      %ge3A_819 = arith.cmpf oge, %get3A_818, %bitcast_convert_type3A_555 : vector<16xf32>
      %select_n3A_820 = arith.select %ge3A_819, %get3A_818, %broadcast_in_dim3A_557 : vector<16xi1>, vector<16xf32>
      %swap3A_821 = arith.index_cast %add3A_816 : i32 to index
      %swap3A_822 = tpu.vector_load %arg4[%swap3A_821] {strides = array<i32>} : memref<32768xf32, #tpu.memory_space<vmem>>, vector<16xf32>,
      tpu.vector_store %arg4[%swap3A_821], %select_n3A_820 {strides = array<i32>} : memref<32768xf32, #tpu.memory_space<vmem>>, vector<16xf32>,
      %add3A_823 = arith.constant 112 : i32
      %add3A_824 = arith.addi %mul3A_768, %add3A_823 : i32
      %get3A_825 = arith.index_cast %add3A_824 : i32 to index
      %get3A_826 = tpu.vector_load %arg4[%get3A_825] {strides = array<i32>} : memref<32768xf32, #tpu.memory_space<vmem>>, vector<16xf32>,
      %ge3A_827 = arith.cmpf oge, %get3A_826, %bitcast_convert_type3A_555 : vector<16xf32>
      %select_n3A_828 = arith.select %ge3A_827, %get3A_826, %broadcast_in_dim3A_557 : vector<16xi1>, vector<16xf32>
      %swap3A_829 = arith.index_cast %add3A_824 : i32 to index
      %swap3A_830 = tpu.vector_load %arg4[%swap3A_829] {strides = array<i32>} : memref<32768xf32, #tpu.memory_space<vmem>>, vector<16xf32>,
      tpu.vector_store %arg4[%swap3A_829], %select_n3A_828 {strides = array<i32>} : memref<32768xf32, #tpu.memory_space<vmem>>, vector<16xf32>,
    }
    %scan3A_563 = arith.constant 256 : i32
    %mul3A_564 = arith.constant 4 : i32
    %mul3A_565 = arith.muli %add3A, %mul3A_564 : i32
    %add3A_566 = arith.constant 2 : i32
    %add3A_567 = arith.addi %mul3A_565, %add3A_566 : i32
    %dma_start3A_568 = arith.constant 0 : i32
    %dma_start3A_569 = tpu.memref_slice %arg3[%add3A_567, %dma_start3A_568] : memref<128x32768xf32, #tpu.memory_space<hbm>> -> memref<1x32768xf32, #tpu.memory_space<hbm>>
    %dma_start3A_570 = tpu.memref_squeeze %dma_start3A_569 : memref<1x32768xf32, #tpu.memory_space<hbm>> -> memref<32768xf32, #tpu.memory_space<hbm>>
    %dma_start3A_571 = arith.constant 0 : i32
    %dma_start3A_572 = tpu.memref_slice %arg3[%add3A_567, %dma_start3A_571] : memref<128x32768xf32, #tpu.memory_space<hbm>> -> memref<1x32768xf32, #tpu.memory_space<hbm>>
    %dma_start3A_573 = tpu.memref_squeeze %dma_start3A_572 : memref<1x32768xf32, #tpu.memory_space<hbm>> -> memref<32768xf32, #tpu.memory_space<hbm>>
    tpu.enqueue_dma source(%arg4 : memref<32768xf32, #tpu.memory_space<vmem>>) target(%dma_start3A_573 : memref<32768xf32, #tpu.memory_space<hbm>>) target_semaphore(%arg9 : memref<!tpu.dma_semaphore, #tpu.memory_space<semaphore_mem>>)
    %dma_wait3A_574 = arith.constant 0 : i32
    %dma_wait3A_575 = tpu.memref_slice %arg2[%add3A_389, %dma_wait3A_574] : memref<128x32768xf32, #tpu.memory_space<hbm>> -> memref<1x32768xf32, #tpu.memory_space<hbm>>
    %dma_wait3A_576 = tpu.memref_squeeze %dma_wait3A_575 : memref<1x32768xf32, #tpu.memory_space<hbm>> -> memref<32768xf32, #tpu.memory_space<hbm>>
    %dma_wait3A_577 = arith.constant 0 : i32
    %dma_wait3A_578 = tpu.memref_slice %arg2[%add3A_389, %dma_wait3A_577] : memref<128x32768xf32, #tpu.memory_space<hbm>> -> memref<1x32768xf32, #tpu.memory_space<hbm>>
    %dma_wait3A_579 = tpu.memref_squeeze %dma_wait3A_578 : memref<1x32768xf32, #tpu.memory_space<hbm>> -> memref<32768xf32, #tpu.memory_space<hbm>>
    tpu.wait_dma2 semaphore(%arg8 : memref<!tpu.dma_semaphore, #tpu.memory_space<semaphore_mem>>) src(%dma_wait3A_579 : memref<32768xf32, #tpu.memory_space<hbm>>) dst(%arg5 : memref<32768xf32, #tpu.memory_space<vmem>>)
    %broadcast_in_dim3A_580 = arith.constant 0xFF800000 : f32
    %broadcast_in_dim3A_581 = vector.broadcast %broadcast_in_dim3A_580 : f32 to vector<16xf32>
    %scan3A_582 = arith.constant 0 : i32
    %scan3A_583 = arith.constant 128 : i32
    %scan3A_584 = arith.addi %scan3A_582, %scan3A_583 : i32
    %scan3A_585 = arith.constant 1 : i32
    %scan3A_586:8 = scf.for %scan3A_764 = %scan3A_582 to %scan3A_584 step %scan3A_585 iter_args(%scan3A_765 = %broadcast_in_dim3A_581, %scan3A_766 = %broadcast_in_dim3A_581, %scan3A_767 = %broadcast_in_dim3A_581, %scan3A_768 = %broadcast_in_dim3A_581, %scan3A_769 = %broadcast_in_dim3A_581, %scan3A_770 = %broadcast_in_dim3A_581, %scan3A_771 = %broadcast_in_dim3A_581, %scan3A_772 = %broadcast_in_dim3A_581) -> (vector<16xf32>, vector<16xf32>, vector<16xf32>, vector<16xf32>, vector<16xf32>, vector<16xf32>, vector<16xf32>, vector<16xf32>)  : i32 {
      %mul3A_773 = arith.constant 16 : i32
      %mul3A_774 = arith.muli %scan3A_764, %mul3A_773 : i32
      %mul3A_775 = arith.constant 16 : i32
      %mul3A_776 = arith.muli %mul3A_774, %mul3A_775 : i32
      %add3A_777 = arith.constant 0 : i32
      %add3A_778 = arith.addi %mul3A_776, %add3A_777 : i32
      %get3A = arith.index_cast %add3A_778 : i32 to index
      %get3A_779 = tpu.vector_load %arg5[%get3A] {strides = array<i32>} : memref<32768xf32, #tpu.memory_space<vmem>>, vector<16xf32>,
      %max3A = arith.maximumf %scan3A_765, %get3A_779 : vector<16xf32>
      %add3A_780 = arith.constant 128 : i32
      %add3A_781 = arith.addi %mul3A_776, %add3A_780 : i32
      %get3A_782 = arith.index_cast %add3A_781 : i32 to index
      %get3A_783 = tpu.vector_load %arg5[%get3A_782] {strides = array<i32>} : memref<32768xf32, #tpu.memory_space<vmem>>, vector<16xf32>,
      %max3A_784 = arith.maximumf %max3A, %get3A_783 : vector<16xf32>
      %add3A_785 = arith.constant 16 : i32
      %add3A_786 = arith.addi %mul3A_776, %add3A_785 : i32
      %get3A_787 = arith.index_cast %add3A_786 : i32 to index
      %get3A_788 = tpu.vector_load %arg5[%get3A_787] {strides = array<i32>} : memref<32768xf32, #tpu.memory_space<vmem>>, vector<16xf32>,
      %max3A_789 = arith.maximumf %scan3A_766, %get3A_788 : vector<16xf32>
      %add3A_790 = arith.constant 144 : i32
      %add3A_791 = arith.addi %mul3A_776, %add3A_790 : i32
      %get3A_792 = arith.index_cast %add3A_791 : i32 to index
      %get3A_793 = tpu.vector_load %arg5[%get3A_792] {strides = array<i32>} : memref<32768xf32, #tpu.memory_space<vmem>>, vector<16xf32>,
      %max3A_794 = arith.maximumf %max3A_789, %get3A_793 : vector<16xf32>
      %add3A_795 = arith.constant 32 : i32
      %add3A_796 = arith.addi %mul3A_776, %add3A_795 : i32
      %get3A_797 = arith.index_cast %add3A_796 : i32 to index
      %get3A_798 = tpu.vector_load %arg5[%get3A_797] {strides = array<i32>} : memref<32768xf32, #tpu.memory_space<vmem>>, vector<16xf32>,
      %max3A_799 = arith.maximumf %scan3A_767, %get3A_798 : vector<16xf32>
      %add3A_800 = arith.constant 160 : i32
      %add3A_801 = arith.addi %mul3A_776, %add3A_800 : i32
      %get3A_802 = arith.index_cast %add3A_801 : i32 to index
      %get3A_803 = tpu.vector_load %arg5[%get3A_802] {strides = array<i32>} : memref<32768xf32, #tpu.memory_space<vmem>>, vector<16xf32>,
      %max3A_804 = arith.maximumf %max3A_799, %get3A_803 : vector<16xf32>
      %add3A_805 = arith.constant 48 : i32
      %add3A_806 = arith.addi %mul3A_776, %add3A_805 : i32
      %get3A_807 = arith.index_cast %add3A_806 : i32 to index
      %get3A_808 = tpu.vector_load %arg5[%get3A_807] {strides = array<i32>} : memref<32768xf32, #tpu.memory_space<vmem>>, vector<16xf32>,
      %max3A_809 = arith.maximumf %scan3A_768, %get3A_808 : vector<16xf32>
      %add3A_810 = arith.constant 176 : i32
      %add3A_811 = arith.addi %mul3A_776, %add3A_810 : i32
      %get3A_812 = arith.index_cast %add3A_811 : i32 to index
      %get3A_813 = tpu.vector_load %arg5[%get3A_812] {strides = array<i32>} : memref<32768xf32, #tpu.memory_space<vmem>>, vector<16xf32>,
      %max3A_814 = arith.maximumf %max3A_809, %get3A_813 : vector<16xf32>
      %add3A_815 = arith.constant 64 : i32
      %add3A_816 = arith.addi %mul3A_776, %add3A_815 : i32
      %get3A_817 = arith.index_cast %add3A_816 : i32 to index
      %get3A_818 = tpu.vector_load %arg5[%get3A_817] {strides = array<i32>} : memref<32768xf32, #tpu.memory_space<vmem>>, vector<16xf32>,
      %max3A_819 = arith.maximumf %scan3A_769, %get3A_818 : vector<16xf32>
      %add3A_820 = arith.constant 192 : i32
      %add3A_821 = arith.addi %mul3A_776, %add3A_820 : i32
      %get3A_822 = arith.index_cast %add3A_821 : i32 to index
      %get3A_823 = tpu.vector_load %arg5[%get3A_822] {strides = array<i32>} : memref<32768xf32, #tpu.memory_space<vmem>>, vector<16xf32>,
      %max3A_824 = arith.maximumf %max3A_819, %get3A_823 : vector<16xf32>
      %add3A_825 = arith.constant 80 : i32
      %add3A_826 = arith.addi %mul3A_776, %add3A_825 : i32
      %get3A_827 = arith.index_cast %add3A_826 : i32 to index
      %get3A_828 = tpu.vector_load %arg5[%get3A_827] {strides = array<i32>} : memref<32768xf32, #tpu.memory_space<vmem>>, vector<16xf32>,
      %max3A_829 = arith.maximumf %scan3A_770, %get3A_828 : vector<16xf32>
      %add3A_830 = arith.constant 208 : i32
      %add3A_831 = arith.addi %mul3A_776, %add3A_830 : i32
      %get3A_832 = arith.index_cast %add3A_831 : i32 to index
      %get3A_833 = tpu.vector_load %arg5[%get3A_832] {strides = array<i32>} : memref<32768xf32, #tpu.memory_space<vmem>>, vector<16xf32>,
      %max3A_834 = arith.maximumf %max3A_829, %get3A_833 : vector<16xf32>
      %add3A_835 = arith.constant 96 : i32
      %add3A_836 = arith.addi %mul3A_776, %add3A_835 : i32
      %get3A_837 = arith.index_cast %add3A_836 : i32 to index
      %get3A_838 = tpu.vector_load %arg5[%get3A_837] {strides = array<i32>} : memref<32768xf32, #tpu.memory_space<vmem>>, vector<16xf32>,
      %max3A_839 = arith.maximumf %scan3A_771, %get3A_838 : vector<16xf32>
      %add3A_840 = arith.constant 224 : i32
      %add3A_841 = arith.addi %mul3A_776, %add3A_840 : i32
      %get3A_842 = arith.index_cast %add3A_841 : i32 to index
      %get3A_843 = tpu.vector_load %arg5[%get3A_842] {strides = array<i32>} : memref<32768xf32, #tpu.memory_space<vmem>>, vector<16xf32>,
      %max3A_844 = arith.maximumf %max3A_839, %get3A_843 : vector<16xf32>
      %add3A_845 = arith.constant 112 : i32
      %add3A_846 = arith.addi %mul3A_776, %add3A_845 : i32
      %get3A_847 = arith.index_cast %add3A_846 : i32 to index
      %get3A_848 = tpu.vector_load %arg5[%get3A_847] {strides = array<i32>} : memref<32768xf32, #tpu.memory_space<vmem>>, vector<16xf32>,
      %max3A_849 = arith.maximumf %scan3A_772, %get3A_848 : vector<16xf32>
      %add3A_850 = arith.constant 240 : i32
      %add3A_851 = arith.addi %mul3A_776, %add3A_850 : i32
      %get3A_852 = arith.index_cast %add3A_851 : i32 to index
      %get3A_853 = tpu.vector_load %arg5[%get3A_852] {strides = array<i32>} : memref<32768xf32, #tpu.memory_space<vmem>>, vector<16xf32>,
      %max3A_854 = arith.maximumf %max3A_849, %get3A_853 : vector<16xf32>
      scf.yield %max3A_784, %max3A_794, %max3A_804, %max3A_814, %max3A_824, %max3A_834, %max3A_844, %max3A_854 : vector<16xf32>, vector<16xf32>, vector<16xf32>, vector<16xf32>, vector<16xf32>, vector<16xf32>, vector<16xf32>, vector<16xf32>
    }
    %scan3A_587 = arith.constant 128 : i32
    %bitcast_convert_type3A_588 = tpu.bitcast %scan3A_586#0 : vector<16xf32> -> vector<16xi32>
    %shift_right_arithmetic3A_589 = arith.constant 31 : i32
    %shift_right_arithmetic3A_590 = vector.broadcast %shift_right_arithmetic3A_589 : i32 to vector<16xi32>
    %shift_right_arithmetic3A_591 = arith.shrsi %bitcast_convert_type3A_588, %shift_right_arithmetic3A_590 : vector<16xi32>
    %and3A_592 = arith.constant 2147483647 : i32
    %and3A_593 = vector.broadcast %and3A_592 : i32 to vector<16xi32>
    %and3A_594 = arith.andi %shift_right_arithmetic3A_591, %and3A_593 : vector<16xi32>
    %xor3A_595 = arith.xori %bitcast_convert_type3A_588, %and3A_594 : vector<16xi32>
    %bitcast_convert_type3A_596 = tpu.bitcast %scan3A_586#1 : vector<16xf32> -> vector<16xi32>
    %shift_right_arithmetic3A_597 = arith.constant 31 : i32
    %shift_right_arithmetic3A_598 = vector.broadcast %shift_right_arithmetic3A_597 : i32 to vector<16xi32>
    %shift_right_arithmetic3A_599 = arith.shrsi %bitcast_convert_type3A_596, %shift_right_arithmetic3A_598 : vector<16xi32>
    %and3A_600 = arith.constant 2147483647 : i32
    %and3A_601 = vector.broadcast %and3A_600 : i32 to vector<16xi32>
    %and3A_602 = arith.andi %shift_right_arithmetic3A_599, %and3A_601 : vector<16xi32>
    %xor3A_603 = arith.xori %bitcast_convert_type3A_596, %and3A_602 : vector<16xi32>
    %bitcast_convert_type3A_604 = tpu.bitcast %scan3A_586#2 : vector<16xf32> -> vector<16xi32>
    %shift_right_arithmetic3A_605 = arith.constant 31 : i32
    %shift_right_arithmetic3A_606 = vector.broadcast %shift_right_arithmetic3A_605 : i32 to vector<16xi32>
    %shift_right_arithmetic3A_607 = arith.shrsi %bitcast_convert_type3A_604, %shift_right_arithmetic3A_606 : vector<16xi32>
    %and3A_608 = arith.constant 2147483647 : i32
    %and3A_609 = vector.broadcast %and3A_608 : i32 to vector<16xi32>
    %and3A_610 = arith.andi %shift_right_arithmetic3A_607, %and3A_609 : vector<16xi32>
    %xor3A_611 = arith.xori %bitcast_convert_type3A_604, %and3A_610 : vector<16xi32>
    %bitcast_convert_type3A_612 = tpu.bitcast %scan3A_586#3 : vector<16xf32> -> vector<16xi32>
    %shift_right_arithmetic3A_613 = arith.constant 31 : i32
    %shift_right_arithmetic3A_614 = vector.broadcast %shift_right_arithmetic3A_613 : i32 to vector<16xi32>
    %shift_right_arithmetic3A_615 = arith.shrsi %bitcast_convert_type3A_612, %shift_right_arithmetic3A_614 : vector<16xi32>
    %and3A_616 = arith.constant 2147483647 : i32
    %and3A_617 = vector.broadcast %and3A_616 : i32 to vector<16xi32>
    %and3A_618 = arith.andi %shift_right_arithmetic3A_615, %and3A_617 : vector<16xi32>
    %xor3A_619 = arith.xori %bitcast_convert_type3A_612, %and3A_618 : vector<16xi32>
    %bitcast_convert_type3A_620 = tpu.bitcast %scan3A_586#4 : vector<16xf32> -> vector<16xi32>
    %shift_right_arithmetic3A_621 = arith.constant 31 : i32
    %shift_right_arithmetic3A_622 = vector.broadcast %shift_right_arithmetic3A_621 : i32 to vector<16xi32>
    %shift_right_arithmetic3A_623 = arith.shrsi %bitcast_convert_type3A_620, %shift_right_arithmetic3A_622 : vector<16xi32>
    %and3A_624 = arith.constant 2147483647 : i32
    %and3A_625 = vector.broadcast %and3A_624 : i32 to vector<16xi32>
    %and3A_626 = arith.andi %shift_right_arithmetic3A_623, %and3A_625 : vector<16xi32>
    %xor3A_627 = arith.xori %bitcast_convert_type3A_620, %and3A_626 : vector<16xi32>
    %bitcast_convert_type3A_628 = tpu.bitcast %scan3A_586#5 : vector<16xf32> -> vector<16xi32>
    %shift_right_arithmetic3A_629 = arith.constant 31 : i32
    %shift_right_arithmetic3A_630 = vector.broadcast %shift_right_arithmetic3A_629 : i32 to vector<16xi32>
    %shift_right_arithmetic3A_631 = arith.shrsi %bitcast_convert_type3A_628, %shift_right_arithmetic3A_630 : vector<16xi32>
    %and3A_632 = arith.constant 2147483647 : i32
    %and3A_633 = vector.broadcast %and3A_632 : i32 to vector<16xi32>
    %and3A_634 = arith.andi %shift_right_arithmetic3A_631, %and3A_633 : vector<16xi32>
    %xor3A_635 = arith.xori %bitcast_convert_type3A_628, %and3A_634 : vector<16xi32>
    %bitcast_convert_type3A_636 = tpu.bitcast %scan3A_586#6 : vector<16xf32> -> vector<16xi32>
    %shift_right_arithmetic3A_637 = arith.constant 31 : i32
    %shift_right_arithmetic3A_638 = vector.broadcast %shift_right_arithmetic3A_637 : i32 to vector<16xi32>
    %shift_right_arithmetic3A_639 = arith.shrsi %bitcast_convert_type3A_636, %shift_right_arithmetic3A_638 : vector<16xi32>
    %and3A_640 = arith.constant 2147483647 : i32
    %and3A_641 = vector.broadcast %and3A_640 : i32 to vector<16xi32>
    %and3A_642 = arith.andi %shift_right_arithmetic3A_639, %and3A_641 : vector<16xi32>
    %xor3A_643 = arith.xori %bitcast_convert_type3A_636, %and3A_642 : vector<16xi32>
    %bitcast_convert_type3A_644 = tpu.bitcast %scan3A_586#7 : vector<16xf32> -> vector<16xi32>
    %shift_right_arithmetic3A_645 = arith.constant 31 : i32
    %shift_right_arithmetic3A_646 = vector.broadcast %shift_right_arithmetic3A_645 : i32 to vector<16xi32>
    %shift_right_arithmetic3A_647 = arith.shrsi %bitcast_convert_type3A_644, %shift_right_arithmetic3A_646 : vector<16xi32>
    %and3A_648 = arith.constant 2147483647 : i32
    %and3A_649 = vector.broadcast %and3A_648 : i32 to vector<16xi32>
    %and3A_650 = arith.andi %shift_right_arithmetic3A_647, %and3A_649 : vector<16xi32>
    %xor3A_651 = arith.xori %bitcast_convert_type3A_644, %and3A_650 : vector<16xi32>
    %scan3A_652 = arith.constant 0 : i32
    %scan3A_653 = arith.constant 0 : i32
    %scan3A_654 = arith.constant 32 : i32
    %scan3A_655 = arith.addi %scan3A_653, %scan3A_654 : i32
    %scan3A_656 = arith.constant 1 : i32
    %scan3A_657 = scf.for %scan3A_764 = %scan3A_653 to %scan3A_655 step %scan3A_656 iter_args(%scan3A_765 = %scan3A_652) -> (i32)  : i32 {
      %sub3A_766 = arith.constant 31 : i32
      %sub3A_767 = arith.subi %sub3A_766, %scan3A_764 : i32
      %shift_left3A = arith.constant 1 : i32
      %shift_left3A_768 = arith.shli %shift_left3A, %sub3A_767 : i32
      %or3A = arith.ori %scan3A_765, %shift_left3A_768 : i32
      %xor3A_769 = arith.constant -2147483648 : i32
      %xor3A_770 = arith.xori %or3A, %xor3A_769 : i32
      %broadcast_in_dim3A_771 = arith.constant 0 : i32
      %broadcast_in_dim3A_772 = vector.broadcast %broadcast_in_dim3A_771 : i32 to vector<16xi32>
      %ge3A_773 = vector.broadcast %xor3A_770 : i32 to vector<16xi32>
      %ge3A_774 = arith.cmpi sge, %xor3A_595, %ge3A_773 : vector<16xi32>
      %convert_element_type3A = arith.extui %ge3A_774 : vector<16xi1> to vector<16xi32>
      %add3A_775 = arith.addi %broadcast_in_dim3A_772, %convert_element_type3A : vector<16xi32>
      %ge3A_776 = vector.broadcast %xor3A_770 : i32 to vector<16xi32>
      %ge3A_777 = arith.cmpi sge, %xor3A_603, %ge3A_776 : vector<16xi32>
      %convert_element_type3A_778 = arith.extui %ge3A_777 : vector<16xi1> to vector<16xi32>
      %add3A_779 = arith.addi %add3A_775, %convert_element_type3A_778 : vector<16xi32>
      %ge3A_780 = vector.broadcast %xor3A_770 : i32 to vector<16xi32>
      %ge3A_781 = arith.cmpi sge, %xor3A_611, %ge3A_780 : vector<16xi32>
      %convert_element_type3A_782 = arith.extui %ge3A_781 : vector<16xi1> to vector<16xi32>
      %add3A_783 = arith.addi %add3A_779, %convert_element_type3A_782 : vector<16xi32>
      %ge3A_784 = vector.broadcast %xor3A_770 : i32 to vector<16xi32>
      %ge3A_785 = arith.cmpi sge, %xor3A_619, %ge3A_784 : vector<16xi32>
      %convert_element_type3A_786 = arith.extui %ge3A_785 : vector<16xi1> to vector<16xi32>
      %add3A_787 = arith.addi %add3A_783, %convert_element_type3A_786 : vector<16xi32>
      %ge3A_788 = vector.broadcast %xor3A_770 : i32 to vector<16xi32>
      %ge3A_789 = arith.cmpi sge, %xor3A_627, %ge3A_788 : vector<16xi32>
      %convert_element_type3A_790 = arith.extui %ge3A_789 : vector<16xi1> to vector<16xi32>
      %add3A_791 = arith.addi %add3A_787, %convert_element_type3A_790 : vector<16xi32>
      %ge3A_792 = vector.broadcast %xor3A_770 : i32 to vector<16xi32>
      %ge3A_793 = arith.cmpi sge, %xor3A_635, %ge3A_792 : vector<16xi32>
      %convert_element_type3A_794 = arith.extui %ge3A_793 : vector<16xi1> to vector<16xi32>
      %add3A_795 = arith.addi %add3A_791, %convert_element_type3A_794 : vector<16xi32>
      %ge3A_796 = vector.broadcast %xor3A_770 : i32 to vector<16xi32>
      %ge3A_797 = arith.cmpi sge, %xor3A_643, %ge3A_796 : vector<16xi32>
      %convert_element_type3A_798 = arith.extui %ge3A_797 : vector<16xi1> to vector<16xi32>
      %add3A_799 = arith.addi %add3A_795, %convert_element_type3A_798 : vector<16xi32>
      %ge3A_800 = vector.broadcast %xor3A_770 : i32 to vector<16xi32>
      %ge3A_801 = arith.cmpi sge, %xor3A_651, %ge3A_800 : vector<16xi32>
      %convert_element_type3A_802 = arith.extui %ge3A_801 : vector<16xi1> to vector<16xi32>
      %add3A_803 = arith.addi %add3A_799, %convert_element_type3A_802 : vector<16xi32>
      %reduce_sum3A = arith.constant true
      %reduce_sum3A_804 = vector.broadcast %reduce_sum3A : i1 to vector<16xi1>
      %reduce_sum3A_805 = tpu.scan <sum>, %add3A_803 masked %reduce_sum3A_804 : vector<16xi32>, vector<16xi1> -> vector<16xi32>
      %reduce_sum3A_806 = vector.extract %reduce_sum3A_805[15] : i32 from vector<16xi32>
      %ge3A_807 = arith.constant 64 : i32
      %ge3A_808 = arith.cmpi sge, %reduce_sum3A_806, %ge3A_807 : i32
      %select_n3A_809 = arith.select %ge3A_808, %or3A, %scan3A_765 : i32
      scf.yield %select_n3A_809 : i32
    }
    %scan3A_658 = arith.constant 32 : i32
    %xor3A_659 = arith.constant -2147483648 : i32
    %xor3A_660 = arith.xori %scan3A_657, %xor3A_659 : i32
    %broadcast_in_dim3A_661 = vector.broadcast %xor3A_660 : i32 to vector<16xi32>
    %ge3A_662 = arith.constant 0 : i32
    %ge3A_663 = vector.broadcast %ge3A_662 : i32 to vector<16xi32>
    %ge3A_664 = arith.cmpi sge, %broadcast_in_dim3A_661, %ge3A_663 : vector<16xi32>
    %xor3A_665 = arith.constant 2147483647 : i32
    %xor3A_666 = vector.broadcast %xor3A_665 : i32 to vector<16xi32>
    %xor3A_667 = arith.xori %broadcast_in_dim3A_661, %xor3A_666 : vector<16xi32>
    %select_n3A_668 = arith.select %ge3A_664, %broadcast_in_dim3A_661, %xor3A_667 : vector<16xi1>, vector<16xi32>
    %bitcast_convert_type3A_669 = tpu.bitcast %select_n3A_668 : vector<16xi32> -> vector<16xf32>
    %iota3A_670 = tpu.iota {dimensions = array<i32: 0>} : vector<16xi32>
    %broadcast_in_dim3A_671 = arith.constant 16 : i32
    %broadcast_in_dim3A_672 = vector.broadcast %broadcast_in_dim3A_671 : i32 to vector<16xi32>
    %broadcast_in_dim3A_673 = arith.constant 0 : i32
    %broadcast_in_dim3A_674 = vector.broadcast %broadcast_in_dim3A_673 : i32 to vector<16xi32>
    %scan3A_675 = arith.constant 0 : i32
    %scan3A_676 = arith.constant 256 : i32
    %scan3A_677 = arith.addi %scan3A_675, %scan3A_676 : i32
    %scan3A_678 = arith.constant 1 : i32
    %scan3A_679 = scf.for %scan3A_764 = %scan3A_675 to %scan3A_677 step %scan3A_678 iter_args(%scan3A_765 = %iota3A_670) -> (vector<16xi32>)  : i32 {
      %mul3A_766 = arith.constant 8 : i32
      %mul3A_767 = arith.muli %scan3A_764, %mul3A_766 : i32
      %mul3A_768 = arith.constant 16 : i32
      %mul3A_769 = arith.muli %mul3A_767, %mul3A_768 : i32
      %add3A_770 = arith.constant 0 : i32
      %add3A_771 = arith.addi %mul3A_769, %add3A_770 : i32
      %get3A = arith.index_cast %add3A_771 : i32 to index
      %get3A_772 = tpu.vector_load %arg5[%get3A] {strides = array<i32>} : memref<32768xf32, #tpu.memory_space<vmem>>, vector<16xf32>,
      %ge3A_773 = arith.cmpf oge, %get3A_772, %bitcast_convert_type3A_669 : vector<16xf32>
      tpu.vector_store_idx %arg6[%scan3A_765], %get3A_772 masked %ge3A_773 : memref<32832xf32, #tpu.memory_space<vmem>>[vector<16xi32>], vector<16xf32>, vector<16xi1>
      %select_n3A_774 = arith.select %ge3A_773, %broadcast_in_dim3A_672, %broadcast_in_dim3A_674 : vector<16xi1>, vector<16xi32>
      %add3A_775 = arith.addi %scan3A_765, %select_n3A_774 : vector<16xi32>
      %add3A_776 = arith.constant 16 : i32
      %add3A_777 = arith.addi %mul3A_769, %add3A_776 : i32
      %get3A_778 = arith.index_cast %add3A_777 : i32 to index
      %get3A_779 = tpu.vector_load %arg5[%get3A_778] {strides = array<i32>} : memref<32768xf32, #tpu.memory_space<vmem>>, vector<16xf32>,
      %ge3A_780 = arith.cmpf oge, %get3A_779, %bitcast_convert_type3A_669 : vector<16xf32>
      tpu.vector_store_idx %arg6[%add3A_775], %get3A_779 masked %ge3A_780 : memref<32832xf32, #tpu.memory_space<vmem>>[vector<16xi32>], vector<16xf32>, vector<16xi1>
      %select_n3A_781 = arith.select %ge3A_780, %broadcast_in_dim3A_672, %broadcast_in_dim3A_674 : vector<16xi1>, vector<16xi32>
      %add3A_782 = arith.addi %add3A_775, %select_n3A_781 : vector<16xi32>
      %add3A_783 = arith.constant 32 : i32
      %add3A_784 = arith.addi %mul3A_769, %add3A_783 : i32
      %get3A_785 = arith.index_cast %add3A_784 : i32 to index
      %get3A_786 = tpu.vector_load %arg5[%get3A_785] {strides = array<i32>} : memref<32768xf32, #tpu.memory_space<vmem>>, vector<16xf32>,
      %ge3A_787 = arith.cmpf oge, %get3A_786, %bitcast_convert_type3A_669 : vector<16xf32>
      tpu.vector_store_idx %arg6[%add3A_782], %get3A_786 masked %ge3A_787 : memref<32832xf32, #tpu.memory_space<vmem>>[vector<16xi32>], vector<16xf32>, vector<16xi1>
      %select_n3A_788 = arith.select %ge3A_787, %broadcast_in_dim3A_672, %broadcast_in_dim3A_674 : vector<16xi1>, vector<16xi32>
      %add3A_789 = arith.addi %add3A_782, %select_n3A_788 : vector<16xi32>
      %add3A_790 = arith.constant 48 : i32
      %add3A_791 = arith.addi %mul3A_769, %add3A_790 : i32
      %get3A_792 = arith.index_cast %add3A_791 : i32 to index
      %get3A_793 = tpu.vector_load %arg5[%get3A_792] {strides = array<i32>} : memref<32768xf32, #tpu.memory_space<vmem>>, vector<16xf32>,
      %ge3A_794 = arith.cmpf oge, %get3A_793, %bitcast_convert_type3A_669 : vector<16xf32>
      tpu.vector_store_idx %arg6[%add3A_789], %get3A_793 masked %ge3A_794 : memref<32832xf32, #tpu.memory_space<vmem>>[vector<16xi32>], vector<16xf32>, vector<16xi1>
      %select_n3A_795 = arith.select %ge3A_794, %broadcast_in_dim3A_672, %broadcast_in_dim3A_674 : vector<16xi1>, vector<16xi32>
      %add3A_796 = arith.addi %add3A_789, %select_n3A_795 : vector<16xi32>
      %add3A_797 = arith.constant 64 : i32
      %add3A_798 = arith.addi %mul3A_769, %add3A_797 : i32
      %get3A_799 = arith.index_cast %add3A_798 : i32 to index
      %get3A_800 = tpu.vector_load %arg5[%get3A_799] {strides = array<i32>} : memref<32768xf32, #tpu.memory_space<vmem>>, vector<16xf32>,
      %ge3A_801 = arith.cmpf oge, %get3A_800, %bitcast_convert_type3A_669 : vector<16xf32>
      tpu.vector_store_idx %arg6[%add3A_796], %get3A_800 masked %ge3A_801 : memref<32832xf32, #tpu.memory_space<vmem>>[vector<16xi32>], vector<16xf32>, vector<16xi1>
      %select_n3A_802 = arith.select %ge3A_801, %broadcast_in_dim3A_672, %broadcast_in_dim3A_674 : vector<16xi1>, vector<16xi32>
      %add3A_803 = arith.addi %add3A_796, %select_n3A_802 : vector<16xi32>
      %add3A_804 = arith.constant 80 : i32
      %add3A_805 = arith.addi %mul3A_769, %add3A_804 : i32
      %get3A_806 = arith.index_cast %add3A_805 : i32 to index
      %get3A_807 = tpu.vector_load %arg5[%get3A_806] {strides = array<i32>} : memref<32768xf32, #tpu.memory_space<vmem>>, vector<16xf32>,
      %ge3A_808 = arith.cmpf oge, %get3A_807, %bitcast_convert_type3A_669 : vector<16xf32>
      tpu.vector_store_idx %arg6[%add3A_803], %get3A_807 masked %ge3A_808 : memref<32832xf32, #tpu.memory_space<vmem>>[vector<16xi32>], vector<16xf32>, vector<16xi1>
      %select_n3A_809 = arith.select %ge3A_808, %broadcast_in_dim3A_672, %broadcast_in_dim3A_674 : vector<16xi1>, vector<16xi32>
      %add3A_810 = arith.addi %add3A_803, %select_n3A_809 : vector<16xi32>
      %add3A_811 = arith.constant 96 : i32
      %add3A_812 = arith.addi %mul3A_769, %add3A_811 : i32
      %get3A_813 = arith.index_cast %add3A_812 : i32 to index
      %get3A_814 = tpu.vector_load %arg5[%get3A_813] {strides = array<i32>} : memref<32768xf32, #tpu.memory_space<vmem>>, vector<16xf32>,
      %ge3A_815 = arith.cmpf oge, %get3A_814, %bitcast_convert_type3A_669 : vector<16xf32>
      tpu.vector_store_idx %arg6[%add3A_810], %get3A_814 masked %ge3A_815 : memref<32832xf32, #tpu.memory_space<vmem>>[vector<16xi32>], vector<16xf32>, vector<16xi1>
      %select_n3A_816 = arith.select %ge3A_815, %broadcast_in_dim3A_672, %broadcast_in_dim3A_674 : vector<16xi1>, vector<16xi32>
      %add3A_817 = arith.addi %add3A_810, %select_n3A_816 : vector<16xi32>
      %add3A_818 = arith.constant 112 : i32
      %add3A_819 = arith.addi %mul3A_769, %add3A_818 : i32
      %get3A_820 = arith.index_cast %add3A_819 : i32 to index
      %get3A_821 = tpu.vector_load %arg5[%get3A_820] {strides = array<i32>} : memref<32768xf32, #tpu.memory_space<vmem>>, vector<16xf32>,
      %ge3A_822 = arith.cmpf oge, %get3A_821, %bitcast_convert_type3A_669 : vector<16xf32>
      tpu.vector_store_idx %arg6[%add3A_817], %get3A_821 masked %ge3A_822 : memref<32832xf32, #tpu.memory_space<vmem>>[vector<16xi32>], vector<16xf32>, vector<16xi1>
      %select_n3A_823 = arith.select %ge3A_822, %broadcast_in_dim3A_672, %broadcast_in_dim3A_674 : vector<16xi1>, vector<16xi32>
      %add3A_824 = arith.addi %add3A_817, %select_n3A_823 : vector<16xi32>
      scf.yield %add3A_824 : vector<16xi32>
    }
    %scan3A_680 = arith.constant 256 : i32
    %sub3A_681 = arith.subi %scan3A_679, %iota3A_670 : vector<16xi32>
    %shift_right_logical3A_682 = arith.constant 4 : i32
    %shift_right_logical3A_683 = vector.broadcast %shift_right_logical3A_682 : i32 to vector<16xi32>
    %shift_right_logical3A_684 = arith.shrui %sub3A_681, %shift_right_logical3A_683 : vector<16xi32>
    %broadcast_in_dim3A_685 = arith.constant true
    %broadcast_in_dim3A_686 = vector.broadcast %broadcast_in_dim3A_685 : i1 to vector<16xi1>
    %masked_cummax3A_687 = arith.constant -2147483648 : i32
    %masked_cummax3A_688 = vector.broadcast %masked_cummax3A_687 : i32 to vector<16xi32>
    %masked_cummax3A_689 = arith.xori %shift_right_logical3A_684, %masked_cummax3A_688 : vector<16xi32>
    %masked_cummax3A_690 = tpu.scan <max>, %masked_cummax3A_689 masked %broadcast_in_dim3A_686 : vector<16xi32>, vector<16xi1> -> vector<16xi32>
    %masked_cummax3A_691 = arith.xori %masked_cummax3A_690, %masked_cummax3A_688 : vector<16xi32>
    %slice3A_692 = vector.extract_strided_slice %masked_cummax3A_691 {offsets = [15], sizes = [1], strides = [1]} : vector<16xi32> to vector<1xi32>
    %squeeze3A_693 = vector.extract %slice3A_692[0] : i32 from vector<1xi32>
    %add3A_694 = arith.constant 3 : i32
    %add3A_695 = arith.addi %squeeze3A_693, %add3A_694 : i32
    %and3A_696 = arith.constant -4 : i32
    %and3A_697 = arith.andi %add3A_695, %and3A_696 : i32
    %bitcast_convert_type3A_698 = tpu.bitcast %broadcast_in_dim3A_581 : vector<16xf32> -> vector<16xi32>
    %shift_right_arithmetic3A_699 = arith.constant 31 : i32
    %shift_right_arithmetic3A_700 = vector.broadcast %shift_right_arithmetic3A_699 : i32 to vector<16xi32>
    %shift_right_arithmetic3A_701 = arith.shrsi %bitcast_convert_type3A_698, %shift_right_arithmetic3A_700 : vector<16xi32>
    %and3A_702 = arith.constant 2147483647 : i32
    %and3A_703 = vector.broadcast %and3A_702 : i32 to vector<16xi32>
    %and3A_704 = arith.andi %shift_right_arithmetic3A_701, %and3A_703 : vector<16xi32>
    %xor3A_705 = arith.xori %bitcast_convert_type3A_698, %and3A_704 : vector<16xi32>
    %while3A_706 = arith.constant 0 : i32
    %while3A_707 = arith.constant 0 : i32
    %while3A_708 = arith.subi %and3A_697, %while3A_707 : i32
    %while3A_709 = arith.addi %while3A_707, %while3A_708 : i32
    %while3A_710 = arith.constant 1 : i32
    %while3A_711 = arith.divsi %while3A_708, %while3A_710 : i32
    %while3A_712 = arith.muli %while3A_711, %while3A_710 : i32
    %while3A_713 = arith.addi %while3A_707, %while3A_712 : i32
    %while3A_714 = arith.constant 1 : i32
    scf.for %while3A_764 = %while3A_707 to %while3A_713 step %while3A_714  : i32 {
      %broadcast_in_dim3A_765 = vector.broadcast %while3A_764 : i32 to vector<16xi32>
      %mul3A_766 = arith.constant 16 : i32
      %mul3A_767 = arith.muli %while3A_764, %mul3A_766 : i32
      %lt3A = arith.cmpi slt, %broadcast_in_dim3A_765, %shift_right_logical3A_684 : vector<16xi32>
      %get3A = arith.index_cast %mul3A_767 : i32 to index
      %get3A_768 = tpu.vector_load %arg6[%get3A] {strides = array<i32>} : memref<32832xf32, #tpu.memory_space<vmem>>, vector<16xf32>,
      %bitcast_convert_type3A_769 = tpu.bitcast %get3A_768 : vector<16xf32> -> vector<16xi32>
      %shift_right_arithmetic3A_770 = arith.constant 31 : i32
      %shift_right_arithmetic3A_771 = vector.broadcast %shift_right_arithmetic3A_770 : i32 to vector<16xi32>
      %shift_right_arithmetic3A_772 = arith.shrsi %bitcast_convert_type3A_769, %shift_right_arithmetic3A_771 : vector<16xi32>
      %and3A_773 = arith.constant 2147483647 : i32
      %and3A_774 = vector.broadcast %and3A_773 : i32 to vector<16xi32>
      %and3A_775 = arith.andi %shift_right_arithmetic3A_772, %and3A_774 : vector<16xi32>
      %xor3A_776 = arith.xori %bitcast_convert_type3A_769, %and3A_775 : vector<16xi32>
      %select_n3A_777 = arith.select %lt3A, %xor3A_776, %xor3A_705 : vector<16xi1>, vector<16xi32>
      %bitcast_convert_type3A_778 = tpu.bitcast %select_n3A_777 : vector<16xi32> -> vector<16xf32>
      %swap3A = arith.index_cast %mul3A_767 : i32 to index
      %swap3A_779 = tpu.vector_load %arg6[%swap3A] {strides = array<i32>} : memref<32832xf32, #tpu.memory_space<vmem>>, vector<16xf32>,
      tpu.vector_store %arg6[%swap3A], %bitcast_convert_type3A_778 {strides = array<i32>} : memref<32832xf32, #tpu.memory_space<vmem>>, vector<16xf32>,
    }
    %while3A_715 = arith.constant 1 : i32
    scf.for %while3A_764 = %while3A_713 to %while3A_709 step %while3A_715  : i32 {
      %broadcast_in_dim3A_765 = vector.broadcast %while3A_764 : i32 to vector<16xi32>
      %mul3A_766 = arith.constant 16 : i32
      %mul3A_767 = arith.muli %while3A_764, %mul3A_766 : i32
      %lt3A = arith.cmpi slt, %broadcast_in_dim3A_765, %shift_right_logical3A_684 : vector<16xi32>
      %get3A = arith.index_cast %mul3A_767 : i32 to index
      %get3A_768 = tpu.vector_load %arg6[%get3A] {strides = array<i32>} : memref<32832xf32, #tpu.memory_space<vmem>>, vector<16xf32>,
      %bitcast_convert_type3A_769 = tpu.bitcast %get3A_768 : vector<16xf32> -> vector<16xi32>
      %shift_right_arithmetic3A_770 = arith.constant 31 : i32
      %shift_right_arithmetic3A_771 = vector.broadcast %shift_right_arithmetic3A_770 : i32 to vector<16xi32>
      %shift_right_arithmetic3A_772 = arith.shrsi %bitcast_convert_type3A_769, %shift_right_arithmetic3A_771 : vector<16xi32>
      %and3A_773 = arith.constant 2147483647 : i32
      %and3A_774 = vector.broadcast %and3A_773 : i32 to vector<16xi32>
      %and3A_775 = arith.andi %shift_right_arithmetic3A_772, %and3A_774 : vector<16xi32>
      %xor3A_776 = arith.xori %bitcast_convert_type3A_769, %and3A_775 : vector<16xi32>
      %select_n3A_777 = arith.select %lt3A, %xor3A_776, %xor3A_705 : vector<16xi1>, vector<16xi32>
      %bitcast_convert_type3A_778 = tpu.bitcast %select_n3A_777 : vector<16xi32> -> vector<16xf32>
      %swap3A = arith.index_cast %mul3A_767 : i32 to index
      %swap3A_779 = tpu.vector_load %arg6[%swap3A] {strides = array<i32>} : memref<32832xf32, #tpu.memory_space<vmem>>, vector<16xf32>,
      tpu.vector_store %arg6[%swap3A], %bitcast_convert_type3A_778 {strides = array<i32>} : memref<32832xf32, #tpu.memory_space<vmem>>, vector<16xf32>,
    }
    %scan3A_716 = arith.constant 0 : i32
    %scan3A_717 = arith.constant 0 : i32
    %scan3A_718 = arith.constant 32 : i32
    %scan3A_719 = arith.addi %scan3A_717, %scan3A_718 : i32
    %scan3A_720 = arith.constant 1 : i32
    %scan3A_721 = scf.for %scan3A_764 = %scan3A_717 to %scan3A_719 step %scan3A_720 iter_args(%scan3A_765 = %scan3A_716) -> (i32)  : i32 {
      %sub3A_766 = arith.constant 31 : i32
      %sub3A_767 = arith.subi %sub3A_766, %scan3A_764 : i32
      %shift_left3A = arith.constant 1 : i32
      %shift_left3A_768 = arith.shli %shift_left3A, %sub3A_767 : i32
      %or3A = arith.ori %scan3A_765, %shift_left3A_768 : i32
      %xor3A_769 = arith.constant -2147483648 : i32
      %xor3A_770 = arith.xori %or3A, %xor3A_769 : i32
      %jit3A = arith.constant 4 : i32
      %div3A = arith.divsi %and3A_697, %jit3A : i32
      %sign3A = arith.constant 0 : i32
      %sign3A_771 = arith.cmpi sgt, %and3A_697, %sign3A : i32
      %sign3A_772 = arith.extui %sign3A_771 : i1 to i32
      %sign3A_773 = arith.constant 0 : i32
      %sign3A_774 = arith.cmpi slt, %and3A_697, %sign3A_773 : i32
      %sign3A_775 = arith.extui %sign3A_774 : i1 to i32
      %sign3A_776 = arith.subi %sign3A_772, %sign3A_775 : i32
      %sign3A_777 = arith.constant 0 : i32
      %sign3A_778 = arith.cmpi sgt, %jit3A, %sign3A_777 : i32
      %sign3A_779 = arith.extui %sign3A_778 : i1 to i32
      %sign3A_780 = arith.constant 0 : i32
      %sign3A_781 = arith.cmpi slt, %jit3A, %sign3A_780 : i32
      %sign3A_782 = arith.extui %sign3A_781 : i1 to i32
      %sign3A_783 = arith.subi %sign3A_779, %sign3A_782 : i32
      %ne3A = arith.cmpi ne, %sign3A_776, %sign3A_783 : i32
      %rem3A = arith.remsi %and3A_697, %jit3A : i32
      %ne3A_784 = arith.constant 0 : i32
      %ne3A_785 = arith.cmpi ne, %rem3A, %ne3A_784 : i32
      %and3A_786 = arith.andi %ne3A, %ne3A_785 : i1
      %sub3A_787 = arith.constant 1 : i32
      %sub3A_788 = arith.subi %div3A, %sub3A_787 : i32
      %select_n3A_789 = arith.select %and3A_786, %sub3A_788, %div3A : i32
      %broadcast_in_dim3A_790 = arith.constant 0 : i32
      %broadcast_in_dim3A_791 = vector.broadcast %broadcast_in_dim3A_790 : i32 to vector<16xi32>
      %while3A_792 = arith.constant 0 : i32
      %while3A_793 = arith.subi %select_n3A_789, %while3A_792 : i32
      %while3A_794 = arith.addi %while3A_792, %while3A_793 : i32
      %while3A_795 = arith.constant 1 : i32
      %while3A_796 = arith.divsi %while3A_793, %while3A_795 : i32
      %while3A_797 = arith.muli %while3A_796, %while3A_795 : i32
      %while3A_798 = arith.addi %while3A_792, %while3A_797 : i32
      %while3A_799 = arith.constant 1 : i32
      %while3A_800 = scf.for %while3A_809 = %while3A_792 to %while3A_798 step %while3A_799 iter_args(%while3A_810 = %broadcast_in_dim3A_791) -> (vector<16xi32>)  : i32 {
        %mul3A_811 = arith.constant 4 : i32
        %mul3A_812 = arith.muli %while3A_809, %mul3A_811 : i32
        %mul3A_813 = arith.constant 16 : i32
        %mul3A_814 = arith.muli %mul3A_812, %mul3A_813 : i32
        %add3A_815 = arith.constant 0 : i32
        %add3A_816 = arith.addi %mul3A_814, %add3A_815 : i32
        %get3A = arith.index_cast %add3A_816 : i32 to index
        %get3A_817 = tpu.vector_load %arg6[%get3A] {strides = array<i32>} : memref<32832xf32, #tpu.memory_space<vmem>>, vector<16xf32>,
        %bitcast_convert_type3A_818 = tpu.bitcast %get3A_817 : vector<16xf32> -> vector<16xi32>
        %ge3A_819 = vector.broadcast %xor3A_770 : i32 to vector<16xi32>
        %ge3A_820 = arith.cmpi sge, %bitcast_convert_type3A_818, %ge3A_819 : vector<16xi32>
        %convert_element_type3A = arith.extui %ge3A_820 : vector<16xi1> to vector<16xi32>
        %add3A_821 = arith.addi %while3A_810, %convert_element_type3A : vector<16xi32>
        %add3A_822 = arith.constant 16 : i32
        %add3A_823 = arith.addi %mul3A_814, %add3A_822 : i32
        %get3A_824 = arith.index_cast %add3A_823 : i32 to index
        %get3A_825 = tpu.vector_load %arg6[%get3A_824] {strides = array<i32>} : memref<32832xf32, #tpu.memory_space<vmem>>, vector<16xf32>,
        %bitcast_convert_type3A_826 = tpu.bitcast %get3A_825 : vector<16xf32> -> vector<16xi32>
        %ge3A_827 = vector.broadcast %xor3A_770 : i32 to vector<16xi32>
        %ge3A_828 = arith.cmpi sge, %bitcast_convert_type3A_826, %ge3A_827 : vector<16xi32>
        %convert_element_type3A_829 = arith.extui %ge3A_828 : vector<16xi1> to vector<16xi32>
        %add3A_830 = arith.addi %add3A_821, %convert_element_type3A_829 : vector<16xi32>
        %add3A_831 = arith.constant 32 : i32
        %add3A_832 = arith.addi %mul3A_814, %add3A_831 : i32
        %get3A_833 = arith.index_cast %add3A_832 : i32 to index
        %get3A_834 = tpu.vector_load %arg6[%get3A_833] {strides = array<i32>} : memref<32832xf32, #tpu.memory_space<vmem>>, vector<16xf32>,
        %bitcast_convert_type3A_835 = tpu.bitcast %get3A_834 : vector<16xf32> -> vector<16xi32>
        %ge3A_836 = vector.broadcast %xor3A_770 : i32 to vector<16xi32>
        %ge3A_837 = arith.cmpi sge, %bitcast_convert_type3A_835, %ge3A_836 : vector<16xi32>
        %convert_element_type3A_838 = arith.extui %ge3A_837 : vector<16xi1> to vector<16xi32>
        %add3A_839 = arith.addi %add3A_830, %convert_element_type3A_838 : vector<16xi32>
        %add3A_840 = arith.constant 48 : i32
        %add3A_841 = arith.addi %mul3A_814, %add3A_840 : i32
        %get3A_842 = arith.index_cast %add3A_841 : i32 to index
        %get3A_843 = tpu.vector_load %arg6[%get3A_842] {strides = array<i32>} : memref<32832xf32, #tpu.memory_space<vmem>>, vector<16xf32>,
        %bitcast_convert_type3A_844 = tpu.bitcast %get3A_843 : vector<16xf32> -> vector<16xi32>
        %ge3A_845 = vector.broadcast %xor3A_770 : i32 to vector<16xi32>
        %ge3A_846 = arith.cmpi sge, %bitcast_convert_type3A_844, %ge3A_845 : vector<16xi32>
        %convert_element_type3A_847 = arith.extui %ge3A_846 : vector<16xi1> to vector<16xi32>
        %add3A_848 = arith.addi %add3A_839, %convert_element_type3A_847 : vector<16xi32>
        scf.yield %add3A_848 : vector<16xi32>
      }
      %while3A_801 = arith.constant 1 : i32
      %while3A_802 = scf.for %while3A_809 = %while3A_798 to %while3A_794 step %while3A_801 iter_args(%while3A_810 = %while3A_800) -> (vector<16xi32>)  : i32 {
        %mul3A_811 = arith.constant 4 : i32
        %mul3A_812 = arith.muli %while3A_809, %mul3A_811 : i32
        %mul3A_813 = arith.constant 16 : i32
        %mul3A_814 = arith.muli %mul3A_812, %mul3A_813 : i32
        %add3A_815 = arith.constant 0 : i32
        %add3A_816 = arith.addi %mul3A_814, %add3A_815 : i32
        %get3A = arith.index_cast %add3A_816 : i32 to index
        %get3A_817 = tpu.vector_load %arg6[%get3A] {strides = array<i32>} : memref<32832xf32, #tpu.memory_space<vmem>>, vector<16xf32>,
        %bitcast_convert_type3A_818 = tpu.bitcast %get3A_817 : vector<16xf32> -> vector<16xi32>
        %ge3A_819 = vector.broadcast %xor3A_770 : i32 to vector<16xi32>
        %ge3A_820 = arith.cmpi sge, %bitcast_convert_type3A_818, %ge3A_819 : vector<16xi32>
        %convert_element_type3A = arith.extui %ge3A_820 : vector<16xi1> to vector<16xi32>
        %add3A_821 = arith.addi %while3A_810, %convert_element_type3A : vector<16xi32>
        %add3A_822 = arith.constant 16 : i32
        %add3A_823 = arith.addi %mul3A_814, %add3A_822 : i32
        %get3A_824 = arith.index_cast %add3A_823 : i32 to index
        %get3A_825 = tpu.vector_load %arg6[%get3A_824] {strides = array<i32>} : memref<32832xf32, #tpu.memory_space<vmem>>, vector<16xf32>,
        %bitcast_convert_type3A_826 = tpu.bitcast %get3A_825 : vector<16xf32> -> vector<16xi32>
        %ge3A_827 = vector.broadcast %xor3A_770 : i32 to vector<16xi32>
        %ge3A_828 = arith.cmpi sge, %bitcast_convert_type3A_826, %ge3A_827 : vector<16xi32>
        %convert_element_type3A_829 = arith.extui %ge3A_828 : vector<16xi1> to vector<16xi32>
        %add3A_830 = arith.addi %add3A_821, %convert_element_type3A_829 : vector<16xi32>
        %add3A_831 = arith.constant 32 : i32
        %add3A_832 = arith.addi %mul3A_814, %add3A_831 : i32
        %get3A_833 = arith.index_cast %add3A_832 : i32 to index
        %get3A_834 = tpu.vector_load %arg6[%get3A_833] {strides = array<i32>} : memref<32832xf32, #tpu.memory_space<vmem>>, vector<16xf32>,
        %bitcast_convert_type3A_835 = tpu.bitcast %get3A_834 : vector<16xf32> -> vector<16xi32>
        %ge3A_836 = vector.broadcast %xor3A_770 : i32 to vector<16xi32>
        %ge3A_837 = arith.cmpi sge, %bitcast_convert_type3A_835, %ge3A_836 : vector<16xi32>
        %convert_element_type3A_838 = arith.extui %ge3A_837 : vector<16xi1> to vector<16xi32>
        %add3A_839 = arith.addi %add3A_830, %convert_element_type3A_838 : vector<16xi32>
        %add3A_840 = arith.constant 48 : i32
        %add3A_841 = arith.addi %mul3A_814, %add3A_840 : i32
        %get3A_842 = arith.index_cast %add3A_841 : i32 to index
        %get3A_843 = tpu.vector_load %arg6[%get3A_842] {strides = array<i32>} : memref<32832xf32, #tpu.memory_space<vmem>>, vector<16xf32>,
        %bitcast_convert_type3A_844 = tpu.bitcast %get3A_843 : vector<16xf32> -> vector<16xi32>
        %ge3A_845 = vector.broadcast %xor3A_770 : i32 to vector<16xi32>
        %ge3A_846 = arith.cmpi sge, %bitcast_convert_type3A_844, %ge3A_845 : vector<16xi32>
        %convert_element_type3A_847 = arith.extui %ge3A_846 : vector<16xi1> to vector<16xi32>
        %add3A_848 = arith.addi %add3A_839, %convert_element_type3A_847 : vector<16xi32>
        scf.yield %add3A_848 : vector<16xi32>
      }
      %reduce_sum3A = arith.constant true
      %reduce_sum3A_803 = vector.broadcast %reduce_sum3A : i1 to vector<16xi1>
      %reduce_sum3A_804 = tpu.scan <sum>, %while3A_802 masked %reduce_sum3A_803 : vector<16xi32>, vector<16xi1> -> vector<16xi32>
      %reduce_sum3A_805 = vector.extract %reduce_sum3A_804[15] : i32 from vector<16xi32>
      %ge3A_806 = arith.constant 64 : i32
      %ge3A_807 = arith.cmpi sge, %reduce_sum3A_805, %ge3A_806 : i32
      %select_n3A_808 = arith.select %ge3A_807, %or3A, %scan3A_765 : i32
      scf.yield %select_n3A_808 : i32
    }
    %scan3A_722 = arith.constant 32 : i32
    %xor3A_723 = arith.constant -2147483648 : i32
    %xor3A_724 = arith.xori %scan3A_721, %xor3A_723 : i32
    %broadcast_in_dim3A_725 = vector.broadcast %xor3A_724 : i32 to vector<16xi32>
    %ge3A_726 = arith.constant 0 : i32
    %ge3A_727 = vector.broadcast %ge3A_726 : i32 to vector<16xi32>
    %ge3A_728 = arith.cmpi sge, %broadcast_in_dim3A_725, %ge3A_727 : vector<16xi32>
    %xor3A_729 = arith.constant 2147483647 : i32
    %xor3A_730 = vector.broadcast %xor3A_729 : i32 to vector<16xi32>
    %xor3A_731 = arith.xori %broadcast_in_dim3A_725, %xor3A_730 : vector<16xi32>
    %select_n3A_732 = arith.select %ge3A_728, %broadcast_in_dim3A_725, %xor3A_731 : vector<16xi1>, vector<16xi32>
    %bitcast_convert_type3A_733 = tpu.bitcast %select_n3A_732 : vector<16xi32> -> vector<16xf32>
    %broadcast_in_dim3A_734 = arith.constant 0.000000e+00 : f32
    %broadcast_in_dim3A_735 = vector.broadcast %broadcast_in_dim3A_734 : f32 to vector<16xf32>
    %scan3A_736 = arith.constant 0 : i32
    %scan3A_737 = arith.constant 0 : i32
    %scan3A_738 = arith.constant 256 : i32
    %scan3A_739 = arith.addi %scan3A_737, %scan3A_738 : i32
    %scan3A_740 = arith.constant 1 : i32
    scf.for %scan3A_764 = %scan3A_737 to %scan3A_739 step %scan3A_740  : i32 {
      %mul3A_765 = arith.constant 8 : i32
      %mul3A_766 = arith.muli %scan3A_764, %mul3A_765 : i32
      %mul3A_767 = arith.constant 16 : i32
      %mul3A_768 = arith.muli %mul3A_766, %mul3A_767 : i32
      %add3A_769 = arith.constant 0 : i32
      %add3A_770 = arith.addi %mul3A_768, %add3A_769 : i32
      %get3A = arith.index_cast %add3A_770 : i32 to index
      %get3A_771 = tpu.vector_load %arg5[%get3A] {strides = array<i32>} : memref<32768xf32, #tpu.memory_space<vmem>>, vector<16xf32>,
      %ge3A_772 = arith.cmpf oge, %get3A_771, %bitcast_convert_type3A_733 : vector<16xf32>
      %select_n3A_773 = arith.select %ge3A_772, %get3A_771, %broadcast_in_dim3A_735 : vector<16xi1>, vector<16xf32>
      %swap3A = arith.index_cast %add3A_770 : i32 to index
      %swap3A_774 = tpu.vector_load %arg5[%swap3A] {strides = array<i32>} : memref<32768xf32, #tpu.memory_space<vmem>>, vector<16xf32>,
      tpu.vector_store %arg5[%swap3A], %select_n3A_773 {strides = array<i32>} : memref<32768xf32, #tpu.memory_space<vmem>>, vector<16xf32>,
      %add3A_775 = arith.constant 16 : i32
      %add3A_776 = arith.addi %mul3A_768, %add3A_775 : i32
      %get3A_777 = arith.index_cast %add3A_776 : i32 to index
      %get3A_778 = tpu.vector_load %arg5[%get3A_777] {strides = array<i32>} : memref<32768xf32, #tpu.memory_space<vmem>>, vector<16xf32>,
      %ge3A_779 = arith.cmpf oge, %get3A_778, %bitcast_convert_type3A_733 : vector<16xf32>
      %select_n3A_780 = arith.select %ge3A_779, %get3A_778, %broadcast_in_dim3A_735 : vector<16xi1>, vector<16xf32>
      %swap3A_781 = arith.index_cast %add3A_776 : i32 to index
      %swap3A_782 = tpu.vector_load %arg5[%swap3A_781] {strides = array<i32>} : memref<32768xf32, #tpu.memory_space<vmem>>, vector<16xf32>,
      tpu.vector_store %arg5[%swap3A_781], %select_n3A_780 {strides = array<i32>} : memref<32768xf32, #tpu.memory_space<vmem>>, vector<16xf32>,
      %add3A_783 = arith.constant 32 : i32
      %add3A_784 = arith.addi %mul3A_768, %add3A_783 : i32
      %get3A_785 = arith.index_cast %add3A_784 : i32 to index
      %get3A_786 = tpu.vector_load %arg5[%get3A_785] {strides = array<i32>} : memref<32768xf32, #tpu.memory_space<vmem>>, vector<16xf32>,
      %ge3A_787 = arith.cmpf oge, %get3A_786, %bitcast_convert_type3A_733 : vector<16xf32>
      %select_n3A_788 = arith.select %ge3A_787, %get3A_786, %broadcast_in_dim3A_735 : vector<16xi1>, vector<16xf32>
      %swap3A_789 = arith.index_cast %add3A_784 : i32 to index
      %swap3A_790 = tpu.vector_load %arg5[%swap3A_789] {strides = array<i32>} : memref<32768xf32, #tpu.memory_space<vmem>>, vector<16xf32>,
      tpu.vector_store %arg5[%swap3A_789], %select_n3A_788 {strides = array<i32>} : memref<32768xf32, #tpu.memory_space<vmem>>, vector<16xf32>,
      %add3A_791 = arith.constant 48 : i32
      %add3A_792 = arith.addi %mul3A_768, %add3A_791 : i32
      %get3A_793 = arith.index_cast %add3A_792 : i32 to index
      %get3A_794 = tpu.vector_load %arg5[%get3A_793] {strides = array<i32>} : memref<32768xf32, #tpu.memory_space<vmem>>, vector<16xf32>,
      %ge3A_795 = arith.cmpf oge, %get3A_794, %bitcast_convert_type3A_733 : vector<16xf32>
      %select_n3A_796 = arith.select %ge3A_795, %get3A_794, %broadcast_in_dim3A_735 : vector<16xi1>, vector<16xf32>
      %swap3A_797 = arith.index_cast %add3A_792 : i32 to index
      %swap3A_798 = tpu.vector_load %arg5[%swap3A_797] {strides = array<i32>} : memref<32768xf32, #tpu.memory_space<vmem>>, vector<16xf32>,
      tpu.vector_store %arg5[%swap3A_797], %select_n3A_796 {strides = array<i32>} : memref<32768xf32, #tpu.memory_space<vmem>>, vector<16xf32>,
      %add3A_799 = arith.constant 64 : i32
      %add3A_800 = arith.addi %mul3A_768, %add3A_799 : i32
      %get3A_801 = arith.index_cast %add3A_800 : i32 to index
      %get3A_802 = tpu.vector_load %arg5[%get3A_801] {strides = array<i32>} : memref<32768xf32, #tpu.memory_space<vmem>>, vector<16xf32>,
      %ge3A_803 = arith.cmpf oge, %get3A_802, %bitcast_convert_type3A_733 : vector<16xf32>
      %select_n3A_804 = arith.select %ge3A_803, %get3A_802, %broadcast_in_dim3A_735 : vector<16xi1>, vector<16xf32>
      %swap3A_805 = arith.index_cast %add3A_800 : i32 to index
      %swap3A_806 = tpu.vector_load %arg5[%swap3A_805] {strides = array<i32>} : memref<32768xf32, #tpu.memory_space<vmem>>, vector<16xf32>,
      tpu.vector_store %arg5[%swap3A_805], %select_n3A_804 {strides = array<i32>} : memref<32768xf32, #tpu.memory_space<vmem>>, vector<16xf32>,
      %add3A_807 = arith.constant 80 : i32
      %add3A_808 = arith.addi %mul3A_768, %add3A_807 : i32
      %get3A_809 = arith.index_cast %add3A_808 : i32 to index
      %get3A_810 = tpu.vector_load %arg5[%get3A_809] {strides = array<i32>} : memref<32768xf32, #tpu.memory_space<vmem>>, vector<16xf32>,
      %ge3A_811 = arith.cmpf oge, %get3A_810, %bitcast_convert_type3A_733 : vector<16xf32>
      %select_n3A_812 = arith.select %ge3A_811, %get3A_810, %broadcast_in_dim3A_735 : vector<16xi1>, vector<16xf32>
      %swap3A_813 = arith.index_cast %add3A_808 : i32 to index
      %swap3A_814 = tpu.vector_load %arg5[%swap3A_813] {strides = array<i32>} : memref<32768xf32, #tpu.memory_space<vmem>>, vector<16xf32>,
      tpu.vector_store %arg5[%swap3A_813], %select_n3A_812 {strides = array<i32>} : memref<32768xf32, #tpu.memory_space<vmem>>, vector<16xf32>,
      %add3A_815 = arith.constant 96 : i32
      %add3A_816 = arith.addi %mul3A_768, %add3A_815 : i32
      %get3A_817 = arith.index_cast %add3A_816 : i32 to index
      %get3A_818 = tpu.vector_load %arg5[%get3A_817] {strides = array<i32>} : memref<32768xf32, #tpu.memory_space<vmem>>, vector<16xf32>,
      %ge3A_819 = arith.cmpf oge, %get3A_818, %bitcast_convert_type3A_733 : vector<16xf32>
      %select_n3A_820 = arith.select %ge3A_819, %get3A_818, %broadcast_in_dim3A_735 : vector<16xi1>, vector<16xf32>
      %swap3A_821 = arith.index_cast %add3A_816 : i32 to index
      %swap3A_822 = tpu.vector_load %arg5[%swap3A_821] {strides = array<i32>} : memref<32768xf32, #tpu.memory_space<vmem>>, vector<16xf32>,
      tpu.vector_store %arg5[%swap3A_821], %select_n3A_820 {strides = array<i32>} : memref<32768xf32, #tpu.memory_space<vmem>>, vector<16xf32>,
      %add3A_823 = arith.constant 112 : i32
      %add3A_824 = arith.addi %mul3A_768, %add3A_823 : i32
      %get3A_825 = arith.index_cast %add3A_824 : i32 to index
      %get3A_826 = tpu.vector_load %arg5[%get3A_825] {strides = array<i32>} : memref<32768xf32, #tpu.memory_space<vmem>>, vector<16xf32>,
      %ge3A_827 = arith.cmpf oge, %get3A_826, %bitcast_convert_type3A_733 : vector<16xf32>
      %select_n3A_828 = arith.select %ge3A_827, %get3A_826, %broadcast_in_dim3A_735 : vector<16xi1>, vector<16xf32>
      %swap3A_829 = arith.index_cast %add3A_824 : i32 to index
      %swap3A_830 = tpu.vector_load %arg5[%swap3A_829] {strides = array<i32>} : memref<32768xf32, #tpu.memory_space<vmem>>, vector<16xf32>,
      tpu.vector_store %arg5[%swap3A_829], %select_n3A_828 {strides = array<i32>} : memref<32768xf32, #tpu.memory_space<vmem>>, vector<16xf32>,
    }
    %scan3A_741 = arith.constant 256 : i32
    %mul3A_742 = arith.constant 4 : i32
    %mul3A_743 = arith.muli %add3A, %mul3A_742 : i32
    %add3A_744 = arith.constant 3 : i32
    %add3A_745 = arith.addi %mul3A_743, %add3A_744 : i32
    %dma_start3A_746 = arith.constant 0 : i32
    %dma_start3A_747 = tpu.memref_slice %arg3[%add3A_745, %dma_start3A_746] : memref<128x32768xf32, #tpu.memory_space<hbm>> -> memref<1x32768xf32, #tpu.memory_space<hbm>>
    %dma_start3A_748 = tpu.memref_squeeze %dma_start3A_747 : memref<1x32768xf32, #tpu.memory_space<hbm>> -> memref<32768xf32, #tpu.memory_space<hbm>>
    %dma_start3A_749 = arith.constant 0 : i32
    %dma_start3A_750 = tpu.memref_slice %arg3[%add3A_745, %dma_start3A_749] : memref<128x32768xf32, #tpu.memory_space<hbm>> -> memref<1x32768xf32, #tpu.memory_space<hbm>>
    %dma_start3A_751 = tpu.memref_squeeze %dma_start3A_750 : memref<1x32768xf32, #tpu.memory_space<hbm>> -> memref<32768xf32, #tpu.memory_space<hbm>>
    tpu.enqueue_dma source(%arg5 : memref<32768xf32, #tpu.memory_space<vmem>>) target(%dma_start3A_751 : memref<32768xf32, #tpu.memory_space<hbm>>) target_semaphore(%arg10 : memref<!tpu.dma_semaphore, #tpu.memory_space<semaphore_mem>>)
    %dma_wait3A_752 = arith.constant 0 : i32
    %dma_wait3A_753 = tpu.memref_slice %arg3[%add3A_567, %dma_wait3A_752] : memref<128x32768xf32, #tpu.memory_space<hbm>> -> memref<1x32768xf32, #tpu.memory_space<hbm>>
    %dma_wait3A_754 = tpu.memref_squeeze %dma_wait3A_753 : memref<1x32768xf32, #tpu.memory_space<hbm>> -> memref<32768xf32, #tpu.memory_space<hbm>>
    %dma_wait3A_755 = arith.constant 0 : i32
    %dma_wait3A_756 = tpu.memref_slice %arg3[%add3A_567, %dma_wait3A_755] : memref<128x32768xf32, #tpu.memory_space<hbm>> -> memref<1x32768xf32, #tpu.memory_space<hbm>>
    %dma_wait3A_757 = tpu.memref_squeeze %dma_wait3A_756 : memref<1x32768xf32, #tpu.memory_space<hbm>> -> memref<32768xf32, #tpu.memory_space<hbm>>
    tpu.wait_dma2 semaphore(%arg9 : memref<!tpu.dma_semaphore, #tpu.memory_space<semaphore_mem>>) src(%arg4 : memref<32768xf32, #tpu.memory_space<vmem>>) dst(%dma_wait3A_757 : memref<32768xf32, #tpu.memory_space<hbm>>)
    %dma_wait3A_758 = arith.constant 0 : i32
    %dma_wait3A_759 = tpu.memref_slice %arg3[%add3A_745, %dma_wait3A_758] : memref<128x32768xf32, #tpu.memory_space<hbm>> -> memref<1x32768xf32, #tpu.memory_space<hbm>>
    %dma_wait3A_760 = tpu.memref_squeeze %dma_wait3A_759 : memref<1x32768xf32, #tpu.memory_space<hbm>> -> memref<32768xf32, #tpu.memory_space<hbm>>
    %dma_wait3A_761 = arith.constant 0 : i32
    %dma_wait3A_762 = tpu.memref_slice %arg3[%add3A_745, %dma_wait3A_761] : memref<128x32768xf32, #tpu.memory_space<hbm>> -> memref<1x32768xf32, #tpu.memory_space<hbm>>
    %dma_wait3A_763 = tpu.memref_squeeze %dma_wait3A_762 : memref<1x32768xf32, #tpu.memory_space<hbm>> -> memref<32768xf32, #tpu.memory_space<hbm>>
    tpu.wait_dma2 semaphore(%arg10 : memref<!tpu.dma_semaphore, #tpu.memory_space<semaphore_mem>>) src(%arg5 : memref<32768xf32, #tpu.memory_space<vmem>>) dst(%dma_wait3A_763 : memref<32768xf32, #tpu.memory_space<hbm>>)
    return
  }
}

</mosaic_0001>

<sc_bundles>
// kernel: kernel.3.cloned.1.call-start
scs
__scs_entry_jumppad:
0x0: {  	(pc) =	sbr.rel $0x88, $3  }
0x1: {  	(tag) =	ssettag $0x0;
	lr =	simm.s32 $0x1  }
0x2: {  	[smem:$0x3FA0] =	sst lr;
	_ =	strace $0xD0000000  }
0x3: {  	_ = 	snop  }
0x4: {  	_ = 	snop  }
0x5: {  	_ = 	snop  }
0x6: {  	_ = 	snop  }
0x7: {  	_ = 	snop  }
__scs_overlays_trampoline_lowered:
0x8: {  	[smem:$0x3FAF] =	sst s0  }
0x9: {  	[smem:$0x3FB0] =	sst s1  }
0xa: {  	[smem:$0x3FB1] =	sst s2  }
0xb: {  	[smem:$0x3FB2] =	sst s3  }
0xc: {  	[smem:$0x3FB3] =	sst s4  }
0xd: {  	[smem:$0x3FB4] =	sst s5  }
0xe: {  	[smem:$0x3FB5] =	sst s6  }
0xf: {  	[smem:$0x3FB6] =	sst s7  }
0x10: {  	[smem:$0x3FB7] =	sst s8  }
0x11: {  	[smem:$0x3FB8] =	sst s9;
	s0 =	simm.s32 @!p0 $0x0  }
0x12: {  	s1 =	sld [smem:$0x3F9E];
	s0 =	simm.s32 @p0 $0x1  }
0x13: {  	[smem:$0x3FB9] =	sst s0;
	s0 =	simm.s32 @!p1 $0x0  }
0x14: {  	s2 =	sld [smem:$0x3F9D];
	s0 =	simm.s32 @p1 $0x1  }
0x15: {  	[smem:$0x3FBA] =	sst s0;
	s0 =	simm.s32 @!p2 $0x0  }
0x16: {  	s3 =	sld [smem:$0x3FDB];
	s0 =	simm.s32 @p2 $0x1  }
0x17: {  	s4 =	simm.s32 $0x1BF5;
	[smem:$0x3FBC] =	sst s0  }
0x18: {  	s0 =	sld [smem:$0x3F9F];
	_ =	swait.ge [sflag:s4], $0x0  }
0x19: {  	s7 =	sld [smem:$0x3FA0]  }
0x1a: {  	s8 =	sadd.s32 $0xFFFFE003, lr  }
0x1b: {  	s9 =	sadd.s32 $0xFFFFFEF7, lr;
	s5 =	simm.s32 $0xFFFFFFFF;
	p2 =	slt.u32 s8, $0xFFFFF086  }
0x1c: {  	p1 =	slt.u32 s9, $0xF7A;
	s5 =	simm.s32 @!p2 $0x0  }
0x1d: {  	s5 =	simm.s32 @p1 $0x1;
	p0 =	seq.s32 s7, s2  }
0x1e: {  	s7 =	smul.u32 @!p0 $0xF7A, s2;
	p2 =	seq.s32 @!p0 s5, $0x0  }
0x1f: {  	s9 =	smul.u32 $0xF7A, s1;
	s8 =	simm.s32 @!p0 $0x1BF5;
	p2 =	por !p2, p0  }
0x20: {  	[sflag:s8] =	ssyncset.s32 @!p0 $0xFFFFF086;
	s6 =	sadd.s32 @!p0 s3, s7;
	s7 =	simm.s32 @!p0 $0x108  }
0x21: {  	s3 =	sadd.s32 s3, s9;
	s6 =	sadd.s32 @!p0 $0x88, s6;
	s7 =	simm.s32 @p2 $0x1082  }
0x22: {  	[simem:s7], [sflag:s8] =	dma.local @!p0 [hbm:s6], $0xF7A  }
0x23: {  	s9 =	sor.u32 $0xD0000000, s2;
	s6 =	simm.s32 $0x108;
	_ =	swait.ge @!p0 [sflag:s8], $0x0  }
0x24: {  	s3 =	sadd.s32 $0x88, s3;
	s6 =	simm.s32 @!p1 $0x1082;
	[sflag:s4] =	ssyncset.s32 $0xFFFFF086  }
0x25: {  	[simem:s6], [sflag:s4] =	dma.local [hbm:s3], $0xF7A  }
0x26: {  	[smem:$0x3FA0] =	sst s1;
	(tag) =	ssettag s2;
	_ =	strace s9  }
0x27: {  	s1 =	sld [smem:$0x3FB0]  }
0x28: {  	s2 =	sld [smem:$0x3FB1]  }
0x29: {  	s4 =	sld [smem:$0x3FB3]  }
0x2a: {  	p0 =	seq.s32 s5, $0x0;
	s5 =	sld [smem:$0x3FB4]  }
0x2b: {  	s6 =	sld [smem:$0x3FB5]  }
0x2c: {  	s7 =	sld [smem:$0x3FB6]  }
0x2d: {  	s3 =	simm.s32 $0x108;
	s8 =	sld [smem:$0x3FB7]  }
0x2e: {  	s3 =	simm.s32 @!p0 $0x1082;
	s9 =	sld [smem:$0x3FB8]  }
0x2f: {  	lr =	sadd.s32 s0, s3;
	s0 =	sld [smem:$0x3FAF]  }
0x30: {  	s3 =	sld [smem:$0x3FB2]  }
0x31: {  	[smem:$0x3FBB] =	sst s10  }
0x32: {  	s10 =	sld [smem:$0x3FB9];
	_ =	sdelay $0x3  }
0x33: {  	p0 =	seq.s32 s10, $0x1;
	s10 =	sld [smem:$0x3FBB];
	_ =	sdelay $0x3  }
0x34: {  	[smem:$0x3FBB] =	sst s10  }
0x35: {  	s10 =	sld [smem:$0x3FBA];
	_ =	sdelay $0x3  }
0x36: {  	p1 =	seq.s32 s10, $0x1;
	s10 =	sld [smem:$0x3FBB];
	_ =	sdelay $0x3  }
0x37: {  	[smem:$0x3FBB] =	sst s10  }
0x38: {  	s10 =	sld [smem:$0x3FBC]  }
0x39: {  	_ = 	snop;
	(pc) =	sbr.ind lr, $3  }
0x3a: {  	_ = 	snop  }
0x3b: {  	_ = 	snop  }
0x3c: {  	p2 =	seq.s32 s10, $0x1;
	s10 =	sld [smem:$0x3FBB]  }
0x3d: {  	_ =	shalt  }
0x3e: {  	_ =	shalt  }
0x3f: {  	_ =	shalt  }
0x40: {  	_ =	shalt  }
0x41: {  	_ =	shalt  }
0x42: {  	_ =	shalt  }
0x43: {  	_ =	shalt  }
0x44: {  	_ =	shalt  }
0x45: {  	_ =	shalt  }
0x46: {  	_ =	shalt  }
0x47: {  	_ =	shalt  }
0x48: {  	_ =	shalt  }
0x49: {  	_ =	shalt  }
0x4a: {  	_ =	shalt  }
0x4b: {  	_ =	shalt  }
0x4c: {  	_ =	shalt  }
0x4d: {  	_ =	shalt  }
0x4e: {  	_ =	shalt  }
0x4f: {  	_ =	shalt  }
0x50: {  	_ =	shalt  }
0x51: {  	_ =	shalt  }
0x52: {  	_ =	shalt  }
0x53: {  	_ =	shalt  }
0x54: {  	_ =	shalt  }
0x55: {  	_ =	shalt  }
0x56: {  	_ =	shalt  }
0x57: {  	_ =	shalt  }
0x58: {  	_ =	shalt  }
0x59: {  	_ =	shalt  }
0x5a: {  	_ =	shalt  }
0x5b: {  	_ =	shalt  }
0x5c: {  	_ =	shalt  }
0x5d: {  	_ =	shalt  }
0x5e: {  	_ =	shalt  }
0x5f: {  	_ =	shalt  }
0x60: {  	_ =	shalt  }
0x61: {  	_ =	shalt  }
0x62: {  	_ =	shalt  }
0x63: {  	_ =	shalt  }
0x64: {  	_ =	shalt  }
0x65: {  	_ =	shalt  }
0x66: {  	_ =	shalt  }
0x67: {  	_ =	shalt  }
0x68: {  	_ =	shalt  }
0x69: {  	_ =	shalt  }
0x6a: {  	_ =	shalt  }
0x6b: {  	_ =	shalt  }
0x6c: {  	_ =	shalt  }
0x6d: {  	_ =	shalt  }
0x6e: {  	_ =	shalt  }
0x6f: {  	_ =	shalt  }
0x70: {  	_ =	shalt  }
0x71: {  	_ =	shalt  }
0x72: {  	_ =	shalt  }
0x73: {  	_ =	shalt  }
0x74: {  	_ =	shalt  }
0x75: {  	_ =	shalt  }
0x76: {  	_ =	shalt  }
0x77: {  	_ =	shalt  }
0x78: {  	_ =	shalt  }
0x79: {  	_ =	shalt  }
0x7a: {  	_ =	shalt  }
0x7b: {  	_ =	shalt  }
0x7c: {  	_ =	shalt  }
0x7d: {  	_ =	shalt  }
0x7e: {  	_ =	shalt  }
0x7f: {  	_ =	shalt  }
0x80: {  	_ =	shalt  }
0x81: {  	_ =	shalt  }
0x82: {  	_ =	shalt  }
0x83: {  	_ =	shalt  }
0x84: {  	_ =	shalt  }
0x85: {  	_ =	shalt  }
0x86: {  	_ =	shalt  }
0x87: {  	_ =	shalt  }
.Lfunc_end0:
.L_simem_size_0:
called_computation_lowered:
.L_overlay_start_0:
0x88: {  	s2 =	sld [smem:$0x3FD9]  }
0x89: {  	s3 =	sld [smem:$0x3FFE];
	_ =	sdelay $0x1  }
0x8a: {  	s1 =	srdreg.scid  }
0x8b: {  	s0 =	sand.u32 $0x1, s1  }
0x8c: {  	s18 =	sshll.u32 s0, $0xA;
	s2 =	sadd.s32 s3, s2  }
0x8d: {  	s2 =	sadd.s32 s2, s18  }
0x8e: {  	[smem:$0x3FC7] =	sst s2  }
0x8f: {  	_ = 	snop  }
0x90: {  	s2 =	sld [smem:$0x3FC9]  }
0x91: {  	s19 =	sld [smem:$0x3FD0];
	(tm) =	ssettm $0x1  }
0x92: {  	s4 =	sld [smem:$0x3FFB];
	_ =	sdelay $0x3  }
0x93: {  	_ =	strace s4  }
0x94: {  	s4 =	sld [smem:$0x3FFC];
	_ =	sdelay $0x3  }
0x95: {  	_ =	strace s4  }
0x96: {  	s4 =	sld [smem:$0x3FFD];
	_ =	sdelay $0x3  }
0x97: {  	_ =	strace s4  }
0x98: {  	_ =	strace $0x8FFFFFFF  }
0x99: {  	s20 =	sld [smem:$0x3FDB];
	_ =	sdelay $0x1  }
0x9a: {  	s5 =	simm.s32 $_scs_section_size  }
0x9b: {  	s6 =	simm.s32 $_size__tile_overlayer_lowered;
	s7 =	simm.s32 $_tile_overlayer_lowered  }
0x9c: {  	s23 =	simm.s32 $0x1BFF;
	s22 =	sshll.u32 s7, $0x1;
	s4 =	sadd.s32 s5, s20  }
0x9d: {  	s8 =	simm.s32 $0x0;
	s21 =	sshll.u32 s6, $0x1;
	s6 =	sadd.s32 s22, s4  }
0x9e: {  	[timem:s8], [sflag:s23] =	dma.local [hbm:s6], s21  }
0x9f: {  	_ =	swait.ge [sflag:s23], s21  }
0xa0: {  	s5 =	ssub.s32 $0x0, s21;
	[sflag:s23] =	ssyncset.done $0x0  }
0xa1: {  	[sflag:s23] =	ssyncadd.s32 s5;
	_ =	sdelay $0x1  }
0xa2: {  	s24 =	simm.s32 $0x1B8B  }
0xa3: {  	_ =	swait.ge [sflag:s24], $0x1  }
0xa4: {  	[sflag:s24] =	ssyncset.done $0x0  }
0xa5: {  	s25 =	simm.s32 $0x1B8E;
	[sflag:s24] =	ssyncadd.s32 $0xFFFFFFFF  }
0xa6: {  	s26 =	simm.s32 $execute0_lowered;
	[smem:$0x3FD2] =	sst s25  }
0xa7: {  	s5 =	sshll.u32 s26, $0x1;
	_ =	strace $0x80000046;
	[dreg:$0x1] =	wrdreg $0xFFFFFFFF  }
0xa8: {  	s28 =	simm.s32 $_size_execute0_lowered;
	s4 =	sadd.s32 s4, s5;
	[dreg:$0x0] =	wrdreg $0x0  }
0xa9: {  	s5 =	sshll.u32 s28, $0x1;
	[dreg:$0x2] =	wrdreg s4  }
0xaa: {  	[dreg:$0x3] =	wrdreg s5  }
0xab: {  	[dreg:$0x4] =	wrdreg $0xC0  }
0xac: {  	_ =	task [dreg:s8], $0x5FFFF  }
0xad: {  	[dreg:$0x1] =	wrdreg $0xFFFFFFFF  }
0xae: {  	[dreg:$0x0] =	wrdreg $0x60  }
0xaf: {  	[dreg:$0x2] =	wrdreg s2  }
0xb0: {  	[dreg:$0x3] =	wrdreg s19  }
0xb1: {  	[dreg:$0x4] =	wrdreg $0x9  }
0xb2: {  	_ =	task.clear_ibuf [dreg:s8], $0x5FFFF;
	_ =	strace $0x90000046  }
0xb3: {  	s29 =	simm.s32 $0x9;
	_ =	strace $0x80000048  }
0xb4: {  	_ =	swait.ge [sflag:s29], $0x1  }
0xb5: {  	[sflag:s29] =	ssyncadd.s32 $0xFFFFFFFF  }
0xb6: {  	_ =	strace $0x90000048  }
0xb7: {  	_ =	sfence  }
0xb8: {  	s30 =	sld [smem:$0x0];
	_ =	sdelay $0x2  }
0xb9: {  	s31 =	sshll.u32 s1, $0xD;
	s1 =	sshrl.u32 s1, $0x2  }
0xba: {  	s3 =	sand.u32 $0x4000, s31;
	s1 =	sadd.s32 s1, s30  }
0xbb: {  	s0 =	sor.u32 s3, s0;
	s1 =	sshll.u32 s1, $0x11  }
0xbc: {  	s0 =	sor.u32 s1, s0  }
0xbd: {  	s0 =	sadd.s32 $0x8F2B, s0  }
0xbe: {  	[sflag:s0] =	ssyncadd.remote.s32 $0x1  }
0xbf: {  	_ =	sfence.sel $0xFFFF  }
0xc0: {  	[dreg:$0x0] =	wrdreg $0xFFFFFFFF;
	(pc) =	sbr.abs _section_cstart, $3  }
0xc1: {  	[dreg:$0x1] =	wrdreg $0xFFFFFFFF  }
0xc2: {  	_ =	task.clear_ibuf [dreg:s8], $0x2FFFF;
	_ =	strace $0x9FFFFFFF  }
0xc3: {  	(tm) =	ssettm $0x7FFFFFFF  }
tec
execute0_lowered:
.L_overlay_start_1:
0x0: {  	(tag) =	ssettag $0x1  }
0x1: {  	s8 =	rddreg [dreg:$0x0]  }
0x2: {  	s10 =	rddreg [dreg:$0x1]  }
0x3: {  	s0 =	rddreg [dreg:$0x2];
	s3 =	srdreg.scid  }
0x4: {  	s2 =	simm.s32 $0x0;
	s1 =	stileid.u32;
	s14 =	simm.s32 $0x8000  }
0x5: {  	s15 =	simm.s32 $0x1;
	s16 =	simm.s32 $0x80000000;
	s17 =	simm.s32 $0x10000  }
0x6: {  	s18 =	simm.s32 $0x3;
	s19 =	simm.s32 $0x2;
	s20 =	simm.s32 $0x4  }
0x7: {  	s21 =	simm.s32 $0x0;
	s3 =	sand.u32 $0x1, s3;
	s5 =	sshll.u32 s1, $0xF  }
0x8: {  	[smem:$0x7FF] =	sst s2;
	s4 =	ssub.s32 $0x2, s3;
	s3 =	sshll.u32 s3, $0x6  }
0x9: {  	_ =	strace $0x80000047;
	s6 =	sshrl.u32 s4, $0x1;
	s7 =	sor.u32 s3, s5  }
0xa: {  	s11 =	ssub.s32 s4, s6;
	s9 =	sor.u32 $0x10, s7;
	s3 =	sadd.s32 s8, s7  }
0xb: {  	s12 =	sor.u32 $0x20, s7;
	s5 =	sadd.s32 s10, s7;
	s13 =	sor.u32 $0x30, s7  }
0xc: {  	s4 =	sadd.s32 s8, s9;
	s6 =	sadd.s32 s8, s12;
	s7 =	sadd.s32 s10, s9  }
0xd: {  	v1 =	vlaneseq.u32;
	s8 =	sadd.s32 s8, s13;
	s9 =	sadd.s32 s10, s12;
	s10 =	sadd.s32 s10, s13  }
0xe: {  	v0 =	vimm.s32 $0x0;
	v1 =	vmul.u32 $0xFFFFFFFF, v1;
	s11 =	smax.u32 s11, $0x1;
	s12 =	simm.s32 $0x80;
	s13 =	simm.s32 $0x400  }
.LBB2_1:
0xf: {  	[tilespmem:s2], [sflag:$0x1] =	stream.strided.gather [hbm4b:s3+s12], $0x8000, s13, s12, $0x38;
	[tilespmem:$0x18080] =	vst v63  }
0x10: {  	_ = 	snop  }
0x11: {  	[tilespmem:s14], [sflag:$0x2] =	stream.strided.gather [hbm4b:s4+s12], $0x8000, s13, s12, $0x38;
	[tilespmem:$0x18080] =	vst v63  }
0x12: {  	_ =	swait.ge [sflag:s15], $0x8000  }
0x13: {  	[sflag:s15] =	ssyncset.done $0x0  }
0x14: {  	s22 =	simm.s32 $0x0;
	[sflag:s15] =	ssyncadd.s32 $0xFFFF8000  }
0x15: {  	v6 =	vld [tilespmem:s22+$0x80]  }
0x16: {  	v7 =	vld [tilespmem:s22+$0x90]  }
0x17: {  	v3 =	vld [tilespmem:s22+$0xA0]  }
0x18: {  	v5 =	vld [tilespmem:s22+$0xB0]  }
0x19: {  	v8 =	vld [tilespmem:s22+$0xC0]  }
0x1a: {  	v4 =	vld [tilespmem:s22+$0xD0]  }
0x1b: {  	v2 =	vld [tilespmem:s22+$0xE0]  }
0x1c: {  	v22 =	vld [tilespmem:s22+$0x0]  }
0x1d: {  	v23 =	vld [tilespmem:s22+$0x10]  }
0x1e: {  	v19 =	vld [tilespmem:s22+$0x20]  }
0x1f: {  	v20 =	vld [tilespmem:s22+$0x30]  }
0x20: {  	v15 =	vimm.f32 $-Inf;
	v16 =	vimm.f32 $-Inf;
	v21 =	vld [tilespmem:s22+$0x40]  }
0x21: {  	v9 =	vimm.f32 $-Inf;
	v13 =	vimm.f32 $-Inf;
	v14 =	vimm.f32 $-Inf;
	v17 =	vld [tilespmem:s22+$0x50]  }
0x22: {  	s23 =	simm.s32 $0x400;
	v10 =	vimm.f32 $-Inf;
	v11 =	vimm.f32 $-Inf;
	v12 =	vimm.f32 $-Inf;
	v18 =	vld [tilespmem:s22+$0x60]  }
.LBB2_2:
0x23: {  	p0 =	sne.s32 s23, $0x1FC00;
	v24 =	vld [tilespmem:s22+$0x70]  }
0x24: {  	v15 =	vmax.f32 v15, v22;
	v16 =	vmax.f32 v16, v23;
	v22 =	vld [tilespmem:s22+$0xF0];
	s22 =	sshra.s32 s23, $0x2  }
0x25: {  	v15 =	vmax.f32 v15, v6;
	v16 =	vmax.f32 v16, v7;
	v6 =	vld [tilespmem:s22+$0x80]  }
0x26: {  	v9 =	vmax.f32 v9, v19;
	v13 =	vmax.f32 v13, v20;
	v14 =	vmax.f32 v14, v21;
	v7 =	vld [tilespmem:s22+$0x90]  }
0x27: {  	v9 =	vmax.f32 v9, v3;
	v13 =	vmax.f32 v13, v5;
	v14 =	vmax.f32 v14, v8;
	v3 =	vld [tilespmem:s22+$0xA0]  }
0x28: {  	v10 =	vmax.f32 v10, v17;
	v11 =	vmax.f32 v11, v18;
	v5 =	vld [tilespmem:s22+$0xB0];
	v12 =	vmax.f32 v12, v24  }
0x29: {  	v10 =	vmax.f32 v10, v4;
	v11 =	vmax.f32 v11, v2;
	v8 =	vld [tilespmem:s22+$0xC0];
	v12 =	vmax.f32 v12, v22  }
0x2a: {  	v4 =	vld [tilespmem:s22+$0xD0]  }
0x2b: {  	v2 =	vld [tilespmem:s22+$0xE0]  }
0x2c: {  	v22 =	vld [tilespmem:s22+$0x0]  }
0x2d: {  	v23 =	vld [tilespmem:s22+$0x10]  }
.Ltmp0:
0x2e: {  	v19 =	vld [tilespmem:s22+$0x20];
	(pc) =	sbr.rel @p0 .LBB2_2-.Ltmp0, $4  }
0x2f: {  	v20 =	vld [tilespmem:s22+$0x30]  }
0x30: {  	v21 =	vld [tilespmem:s22+$0x40]  }
0x31: {  	v17 =	vld [tilespmem:s22+$0x50]  }
0x32: {  	s23 =	sadd.s32 $0x400, s23;
	v18 =	vld [tilespmem:s22+$0x60]  }
0x33: {  	v24 =	vld [tilespmem:s22+$0x70];
	v15 =	vmax.f32 v15, v22  }
0x34: {  	v16 =	vmax.f32 v16, v23;
	v9 =	vmax.f32 v9, v19;
	v6 =	vmax.f32 v15, v6  }
0x35: {  	v60 =	vld [tilespmem:s22+$0xF0];
	v7 =	vmax.f32 v16, v7;
	v13 =	vmax.f32 v13, v20;
	v9 =	vmax.f32 v9, v3  }
0x36: {  	v14 =	vmax.f32 v14, v21;
	v5 =	vmax.f32 v13, v5;
	v3 =	vmax.f32 v10, v17  }
0x37: {  	v61 =	vmax.f32 v14, v8;
	v8 =	vmax.f32 v11, v18;
	v11 =	vmax.f32 v3, v4  }
0x38: {  	v3 =	vshra.s32 v6, $0x1F;
	v4 =	vshra.s32 v7, $0x1F;
	v10 =	vmax.f32 v12, v24  }
0x39: {  	v62 =	vmax.f32 v8, v2;
	v2 =	vand.u32 $0x7FFFFFFF, v3;
	v3 =	vand.u32 $0x7FFFFFFF, v4  }
0x3a: {  	v4 =	vshra.s32 v9, $0x1F;
	v10 =	vmax.f32 v10, v60;
	v2 =	vxor.u32 v6, v2  }
0x3b: {  	v3 =	vxor.u32 v7, v3;
	v6 =	vshra.s32 v5, $0x1F;
	v7 =	vshra.s32 v61, $0x1F  }
0x3c: {  	v4 =	vand.u32 $0x7FFFFFFF, v4;
	v6 =	vand.u32 $0x7FFFFFFF, v6;
	v7 =	vand.u32 $0x7FFFFFFF, v7  }
0x3d: {  	v8 =	vxor.u32 v9, v4;
	v9 =	vshra.s32 v10, $0x1F;
	v6 =	vxor.u32 v5, v6  }
0x3e: {  	v4 =	vxor.u32 v61, v7;
	v5 =	vshra.s32 v11, $0x1F;
	v7 =	vshra.s32 v62, $0x1F  }
0x3f: {  	v63 =	vand.u32 $0x7FFFFFFF, v9;
	v5 =	vand.u32 $0x7FFFFFFF, v5;
	v7 =	vand.u32 $0x7FFFFFFF, v7  }
0x40: {  	s22 =	simm.s32 $0x0;
	s25 =	simm.s32 $0x80000000;
	s23 =	simm.s32 $0x1;
	v9 =	vxor.u32 v11, v5;
	v7 =	vxor.u32 v62, v7;
	v5 =	vxor.u32 v10, v63  }
.LBB2_4:
0x41: {  	p0 =	sne.s32 s23, $0x1F;
	s24 =	sor.u32 s25, s22  }
0x42: {  	s25 =	sxor.u32 $0x80000000, s24  }
0x43: {  	vm0 =	vge.s32 v2, s25;
	vm1 =	vge.s32 v3, s25  }
0x44: {  	v10 =	vsel vm0, $0x1, v0;
	v11 =	vsel vm1, $0x1, v0;
	vm0 =	vge.s32 v8, s25  }
0x45: {  	v10 =	vadd.s32 v11, v10;
	v11 =	vsel vm0, $0x1, v0;
	vm0 =	vge.s32 v6, s25  }
0x46: {  	v10 =	vadd.s32 v11, v10;
	v11 =	vsel vm0, $0x1, v0;
	vm0 =	vge.s32 v4, s25  }
0x47: {  	v10 =	vadd.s32 v11, v10;
	v11 =	vsel vm0, $0x1, v0;
	vm0 =	vge.s32 v9, s25  }
0x48: {  	v10 =	vadd.s32 v11, v10;
	v11 =	vsel vm0, $0x1, v0;
	vm0 =	vge.s32 v7, s25  }
0x49: {  	v10 =	vadd.s32 v11, v10;
	v11 =	vsel vm0, $0x1, v0;
	vm0 =	vge.s32 v5, s25  }
0x4a: {  	v10 =	vadd.s32 v11, v10;
	v11 =	vsel vm0, $0x1, v0  }
0x4b: {  	v10 =	vadd.s32 v11, v10  }
0x4c: {  	(xrf0) =	vadd.scan.msk.s32 $0xffff, v10;
	_ =	sdelay $0x5  }
0x4d: {  	v10, _, _ =	vpop (xrf0)  }
0x4e: {  	(v2sf) =	vpush v10, $0xF;
	_ =	sdelay $0xc  }
.Ltmp1:
0x4f: {  	(pc) =	sbr.rel @p0 .LBB2_4-.Ltmp1, $4  }
0x50: {  	_ = 	snop  }
0x51: {  	s25 =	spop (v2sf)  }
0x52: {  	p1 =	sgt.s32 s25, $0x3F  }
0x53: {  	s25 =	sshrl.u32 s16, s23;
	s23 =	sadd.s32 $0x1, s23;
	s22 =	smov.u32 @p1 s24  }
0x54: {  	s23 =	sor.u32 s25, s22  }
0x55: {  	s24 =	sxor.u32 $0x80000000, s23  }
0x56: {  	vm0 =	vge.s32 v2, s24;
	vm1 =	vge.s32 v3, s24  }
0x57: {  	vm9 =	vge.s32 v8, s24;
	v2 =	vsel vm0, $0x1, v0;
	v3 =	vsel vm1, $0x1, v0  }
0x58: {  	vm10 =	vge.s32 v6, s24;
	v2 =	vadd.s32 v3, v2;
	v3 =	vsel vm9, $0x1, v0  }
0x59: {  	vm11 =	vge.s32 v4, s24;
	v2 =	vadd.s32 v3, v2;
	v3 =	vsel vm10, $0x1, v0  }
0x5a: {  	vm12 =	vge.s32 v9, s24;
	v2 =	vadd.s32 v3, v2;
	v3 =	vsel vm11, $0x1, v0  }
0x5b: {  	vm13 =	vge.s32 v7, s24;
	v2 =	vadd.s32 v3, v2;
	v3 =	vsel vm12, $0x1, v0  }
0x5c: {  	vm14 =	vge.s32 v5, s24;
	v2 =	vadd.s32 v3, v2;
	v3 =	vsel vm13, $0x1, v0  }
0x5d: {  	v2 =	vadd.s32 v3, v2;
	v3 =	vsel vm14, $0x1, v0  }
0x5e: {  	v2 =	vadd.s32 v3, v2  }
0x5f: {  	(xrf0) =	vadd.scan.msk.s32 $0xffff, v2;
	_ =	sdelay $0x5  }
0x60: {  	v2, _, _ =	vpop (xrf0)  }
0x61: {  	(v2sf) =	vpush v2, $0xF;
	_ =	sdelay $0xe  }
0x62: {  	s31 =	spop (v2sf)  }
0x63: {  	p0 =	sgt.s32 s31, $0x3F  }
0x64: {  	s22 =	smov.u32 @p0 s23  }
0x65: {  	s22 =	sxor.u32 $0x80000000, s22  }
0x66: {  	v2 =	vmov s22  }
0x67: {  	v3 =	vxor.u32 $0x7FFFFFFF, v2;
	vm15 =	vlt.s32 v2, $0x0  }
0x68: {  	v2 =	vnsel vm15, s22, v3;
	v3 =	vlaneseq.u32;
	s22 =	simm.s32 $0x0  }
.LBB2_6:
0x69: {  	s23 =	sshra.s32 s22, $0x2  }
0x6a: {  	v4 =	vld [tilespmem:s23+$0x0];
	_ =	sdelay $0x4  }
0x6b: {  	vm0 =	vge.f32 v4, v2;
	_ =	sdelay $0x5  }
0x6c: {  	[tilespmem:v3+s17+$0x0] =	vst.idx.msk vm0, v4  }
0x6d: {  	v4 =	vld [tilespmem:s23+$0x10];
	_ =	sdelay $0x4  }
0x6e: {  	v5 =	vsel vm0, $0x10, v0;
	vm9 =	vge.f32 v4, v2  }
0x6f: {  	v3 =	vadd.s32 v3, v5;
	_ =	sdelay $0x4  }
0x70: {  	[tilespmem:v3+s17+$0x0] =	vst.idx.msk vm9, v4  }
0x71: {  	v4 =	vld [tilespmem:s23+$0x20];
	_ =	sdelay $0x4  }
0x72: {  	v5 =	vsel vm9, $0x10, v0;
	vm10 =	vge.f32 v4, v2  }
0x73: {  	v3 =	vadd.s32 v3, v5;
	_ =	sdelay $0x4  }
0x74: {  	[tilespmem:v3+s17+$0x0] =	vst.idx.msk vm10, v4  }
0x75: {  	v4 =	vld [tilespmem:s23+$0x30];
	_ =	sdelay $0x4  }
0x76: {  	v5 =	vsel vm10, $0x10, v0;
	vm11 =	vge.f32 v4, v2  }
0x77: {  	v3 =	vadd.s32 v3, v5;
	_ =	sdelay $0x4  }
0x78: {  	[tilespmem:v3+s17+$0x0] =	vst.idx.msk vm11, v4  }
0x79: {  	v4 =	vld [tilespmem:s23+$0x40];
	_ =	sdelay $0x4  }
0x7a: {  	v5 =	vsel vm11, $0x10, v0;
	vm12 =	vge.f32 v4, v2  }
0x7b: {  	v3 =	vadd.s32 v3, v5;
	_ =	sdelay $0x4  }
0x7c: {  	[tilespmem:v3+s17+$0x0] =	vst.idx.msk vm12, v4  }
0x7d: {  	v4 =	vld [tilespmem:s23+$0x50];
	_ =	sdelay $0x4  }
0x7e: {  	v5 =	vsel vm12, $0x10, v0;
	vm13 =	vge.f32 v4, v2  }
0x7f: {  	v3 =	vadd.s32 v3, v5;
	_ =	sdelay $0x4  }
0x80: {  	[tilespmem:v3+s17+$0x0] =	vst.idx.msk vm13, v4  }
0x81: {  	v4 =	vld [tilespmem:s23+$0x60];
	_ =	sdelay $0x4  }
0x82: {  	v5 =	vsel vm13, $0x10, v0;
	vm14 =	vge.f32 v4, v2  }
0x83: {  	v3 =	vadd.s32 v3, v5;
	_ =	sdelay $0x4  }
0x84: {  	[tilespmem:v3+s17+$0x0] =	vst.idx.msk vm14, v4  }
0x85: {  	v4 =	vld [tilespmem:s23+$0x70];
	_ =	sdelay $0x4  }
0x86: {  	v5 =	vsel vm14, $0x10, v0;
	vm15 =	vge.f32 v4, v2  }
0x87: {  	p0 =	sne.s32 s22, $0x1FE00;
	v3 =	vadd.s32 v3, v5  }
.Ltmp2:
0x88: {  	_ = 	snop;
	(pc) =	sbr.rel @p0 .LBB2_6-.Ltmp2, $3  }
0x89: {  	_ =	sdelay $0x1  }
0x8a: {  	v5 =	vsel vm15, $0x10, v0  }
0x8b: {  	s22 =	sadd.s32 $0x200, s22;
	[tilespmem:v3+s17+$0x0] =	vst.idx.msk vm15, v4;
	v3 =	vadd.s32 v3, v5  }
0x8c: {  	v2 =	vadd.s32 v1, v3  }
0x8d: {  	v2 =	vshrl.u32 v2, $0x4  }
0x8e: {  	v3 =	vor.u32 $0x80000000, v2  }
0x8f: {  	(xrf0) =	vmax.scan.msk.u32 $0xffff, v3;
	_ =	sdelay $0x5  }
0x90: {  	v3, _, _ =	vpop (xrf0)  }
0x91: {  	(v2sf) =	vpush v3, $0xF;
	_ =	sdelay $0xe  }
0x92: {  	s22 =	spop (v2sf)  }
0x93: {  	s22 =	sadd.s32 $0x80000003, s22  }
0x94: {  	p0 =	sgt.s32 s22, $0x3  }
.Ltmp3:
0x95: {  	_ = 	snop;
	(pc) =	sbr.rel @!p0 .LBB2_11-.Ltmp3, $1  }
0x96: {  	_ =	sdelay $0x3  }
0x97: {  	s24 =	simm.s32 $0x10000  }
0x98: {  	v3 =	vld [tilespmem:s24+$0x0];
	_ =	sdelay $0x1  }
0x99: {  	s23 =	sand.u32 $0xFFFFFFFC, s22  }
0x9a: {  	p0 =	seq.s32 s23, $0x1  }
.Ltmp4:
0x9b: {  	_ = 	snop;
	(pc) =	sbr.rel @p0 .LBB2_10-.Ltmp4, $4  }
0x9c: {  	s25 =	simm.s32 $0x0;
	v4 =	vshra.s32 v3, $0x1F  }
0x9d: {  	v5 =	vmov s25;
	v4 =	vand.u32 $0x7FFFFFFF, v4  }
0x9e: {  	vm0 =	vlt.u32 v5, v2;
	v3 =	vxor.u32 v3, v4  }
0x9f: {  	s25 =	simm.s32 $0x1;
	v3 =	vnsel vm0, $0x807FFFFF, v3  }
.LBB2_9:
0xa0: {  	[tilespmem:s24+$0x0] =	vst v3;
	s24 =	sadd.s32 $0x10, s24;
	s26 =	smov.u32 s25;
	s25 =	sadd.s32 $0x1, s25  }
0xa1: {  	v3 =	vld [tilespmem:s24+$0x0];
	p0 =	seq.s32 s23, s25;
	_ =	sdelay $0x3  }
.Ltmp5:
0xa2: {  	(pc) =	sbr.rel @!p0 .LBB2_9-.Ltmp5, $4  }
0xa3: {  	v4 =	vshra.s32 v3, $0x1F  }
0xa4: {  	v5 =	vmov s26;
	v4 =	vand.u32 $0x7FFFFFFF, v4  }
0xa5: {  	vm0 =	vlt.u32 v5, v2;
	v3 =	vxor.u32 v3, v4  }
0xa6: {  	v3 =	vnsel vm0, $0x807FFFFF, v3  }
.LBB2_10:
0xa7: {  	[tilespmem:s24+$0x0] =	vst v3  }
.LBB2_11:
.Ltmp6:
0xa8: {  	(pc) =	sbr.rel .LBB2_12-.Ltmp6, $3  }
0xa9: {  	_ =	sdelay $0x1  }
0xaa: {  	s22 =	sshra.s32 s22, $0x2  }
0xab: {  	s23 =	simm.s32 $0x0;
	s24 =	simm.s32 $0x0;
	p0 =	slt.s32 s22, $0x1  }
.LBB2_13:
0xac: {  	v2 =	vimm.s32 $0x0  }
.LBB2_17:
0xad: {  	(xrf0) =	vadd.scan.msk.s32 $0xffff, v2;
	_ =	sdelay $0x5  }
0xae: {  	v2, _, _ =	vpop (xrf0)  }
0xaf: {  	(v2sf) =	vpush v2, $0xF;
	_ =	sdelay $0xa  }
0xb0: {  	s24 =	sadd.s32 $0x1, s24  }
0xb1: {  	p2 =	sne.s32 s24, $0x20  }
.Ltmp7:
0xb2: {  	_ = 	snop;
	(pc) =	sbr.rel @!p2 .LBB2_18-.Ltmp7, $4  }
0xb3: {  	_ = 	snop  }
0xb4: {  	s26 =	spop (v2sf)  }
0xb5: {  	p1 =	sgt.s32 s26, $0x3F  }
0xb6: {  	s23 =	smov.u32 @p1 s25  }
.LBB2_12:
.Ltmp8:
0xb7: {  	(pc) =	sbr.rel @p0 .LBB2_13-.Ltmp8, $3  }
0xb8: {  	_ =	sdelay $0x1  }
0xb9: {  	s25 =	sshrl.u32 s16, s24  }
0xba: {  	s25 =	sor.u32 s25, s23  }
0xbb: {  	s28 =	simm.s32 $0x10020  }
0xbc: {  	p1 =	sne.s32 s22, $0x1;
	v7 =	vld [tilespmem:s28+$0xFFFFFFE0]  }
.Ltmp9:
0xbd: {  	v3 =	vld [tilespmem:s28+$0xFFFFFFF0];
	(pc) =	sbr.rel @!p1 .LBB2_16-.Ltmp9, $4  }
0xbe: {  	v4 =	vld [tilespmem:s28+$0x0]  }
0xbf: {  	s26 =	sxor.u32 $0x80000000, s25;
	v5 =	vld [tilespmem:s28+$0x10]  }
0xc0: {  	v2 =	vmov s26  }
0xc1: {  	v6 =	vimm.s32 $0x0;
	s26 =	sadd.s32 $0xFFFFFFFF, s22;
	s28 =	simm.s32 $0x10060;
	vm0 =	vge.s32 v7, v2  }
.LBB2_15:
0xc2: {  	v7 =	vld [tilespmem:s28+$0xFFFFFFE0];
	p1 =	sne.s32 s26, $0x1;
	s26 =	sadd.s32 $0xFFFFFFFF, s26;
	v8 =	vsel vm0, $0x1, v0;
	vm0 =	vge.s32 v3, v2  }
.Ltmp10:
0xc3: {  	v3 =	vld [tilespmem:s28+$0xFFFFFFF0];
	v6 =	vadd.s32 v8, v6;
	v8 =	vsel vm0, $0x1, v0;
	vm0 =	vge.s32 v4, v2;
	(pc) =	sbr.rel @p1 .LBB2_15-.Ltmp10, $4  }
0xc4: {  	v4 =	vld [tilespmem:s28+$0x0];
	v6 =	vadd.s32 v8, v6;
	v8 =	vsel vm0, $0x1, v0;
	vm0 =	vge.s32 v5, v2  }
0xc5: {  	v5 =	vld [tilespmem:s28+$0x10];
	v6 =	vadd.s32 v8, v6;
	v8 =	vsel vm0, $0x1, v0  }
0xc6: {  	v6 =	vadd.s32 v8, v6  }
0xc7: {  	s28 =	sadd.s32 $0x40, s28;
	vm0 =	vge.s32 v7, v2  }
.LBB2_16:
.Ltmp11:
0xc8: {  	v7 =	vsel vm0, $0x1, v0;
	vm13 =	vge.s32 v3, v2;
	(pc) =	sbr.rel .LBB2_17-.Ltmp11, $4  }
0xc9: {  	v3 =	vadd.s32 v7, v6;
	v63 =	vsel vm13, $0x1, v0;
	vm14 =	vge.s32 v4, v2  }
0xca: {  	v3 =	vadd.s32 v63, v3;
	v4 =	vsel vm14, $0x1, v0;
	vm15 =	vge.s32 v5, v2  }
0xcb: {  	v2 =	vadd.s32 v4, v3;
	v3 =	vsel vm15, $0x1, v0  }
0xcc: {  	v2 =	vadd.s32 v3, v2  }
.LBB2_18:
0xcd: {  	s22 =	simm.s32 $0x0  }
0xce: {  	v7 =	vld [tilespmem:s22+$0x0]  }
0xcf: {  	s23 =	sxor.u32 $0x80000000, s23;
	v8 =	vld [tilespmem:s22+$0x10]  }
0xd0: {  	v2 =	vmov s23;
	v5 =	vld [tilespmem:s22+$0x20]  }
0xd1: {  	v6 =	vld [tilespmem:s22+$0x30];
	v3 =	vxor.u32 $0x7FFFFFFF, v2;
	vm0 =	vlt.s32 v2, $0x0  }
0xd2: {  	v2 =	vnsel vm0, s23, v3;
	v3 =	vld [tilespmem:s22+$0x40]  }
0xd3: {  	v4 =	vld [tilespmem:s22+$0x50];
	vm0 =	vge.f32 v7, v2  }
0xd4: {  	s23 =	simm.s32 $0x200;
	v9 =	vnsel vm0, $0x0, v7;
	vm0 =	vge.f32 v8, v2;
	v7 =	vld [tilespmem:s22+$0x60]  }
.LBB2_19:
0xd5: {  	s24 =	sshra.s32 s23, $0x2;
	p0 =	sne.s32 s23, $0x1FE00;
	[tilespmem:s22+$0x0] =	vst v9;
	v8 =	vnsel vm0, $0x0, v8;
	vm0 =	vge.f32 v5, v2;
	v9 =	vld [tilespmem:s22+$0x70]  }
0xd6: {  	v10 =	vld [tilespmem:s24+$0x0];
	[tilespmem:s22+$0x10] =	vst v8;
	v5 =	vnsel vm0, $0x0, v5;
	vm0 =	vge.f32 v6, v2  }
0xd7: {  	v8 =	vld [tilespmem:s24+$0x10];
	[tilespmem:s22+$0x20] =	vst v5;
	v6 =	vnsel vm0, $0x0, v6;
	vm0 =	vge.f32 v3, v2  }
.Ltmp12:
0xd8: {  	v5 =	vld [tilespmem:s24+$0x20];
	[tilespmem:s22+$0x30] =	vst v6;
	v3 =	vnsel vm0, $0x0, v3;
	vm0 =	vge.f32 v4, v2;
	(pc) =	sbr.rel @p0 .LBB2_19-.Ltmp12, $4  }
0xd9: {  	v6 =	vld [tilespmem:s24+$0x30];
	[tilespmem:s22+$0x40] =	vst v3;
	v4 =	vnsel vm0, $0x0, v4;
	vm0 =	vge.f32 v7, v2  }
0xda: {  	v3 =	vld [tilespmem:s24+$0x40];
	[tilespmem:s22+$0x50] =	vst v4;
	v7 =	vnsel vm0, $0x0, v7;
	vm0 =	vge.f32 v9, v2  }
0xdb: {  	vm1 =	vge.f32 v10, v2;
	v4 =	vld [tilespmem:s24+$0x50];
	[tilespmem:s22+$0x60] =	vst v7;
	v11 =	vnsel vm0, $0x0, v9  }
0xdc: {  	s23 =	sadd.s32 $0x200, s23;
	v9 =	vnsel vm1, $0x0, v10;
	vm0 =	vge.f32 v8, v2;
	v7 =	vld [tilespmem:s24+$0x60];
	[tilespmem:s22+$0x70] =	vst v11;
	s22 =	smov.u32 s24  }
0xdd: {  	[tilespmem:s22+$0x0] =	vst v9;
	v8 =	vnsel vm0, $0x0, v8;
	vm10 =	vge.f32 v5, v2;
	v9 =	vld [tilespmem:s22+$0x70]  }
0xde: {  	[tilespmem:s22+$0x10] =	vst v8;
	v5 =	vnsel vm10, $0x0, v5;
	vm11 =	vge.f32 v6, v2  }
0xdf: {  	[tilespmem:s22+$0x20] =	vst v5;
	v5 =	vnsel vm11, $0x0, v6;
	vm12 =	vge.f32 v3, v2  }
0xe0: {  	[tilespmem:s22+$0x30] =	vst v5;
	v3 =	vnsel vm12, $0x0, v3;
	vm13 =	vge.f32 v4, v2  }
0xe1: {  	[tilespmem:s22+$0x40] =	vst v3;
	v3 =	vnsel vm13, $0x0, v4;
	vm14 =	vge.f32 v7, v2  }
0xe2: {  	[tilespmem:s22+$0x50] =	vst v3;
	v3 =	vnsel vm14, $0x0, v7;
	vm15 =	vge.f32 v9, v2  }
0xe3: {  	[tilespmem:s22+$0x60] =	vst v3;
	v2 =	vnsel vm15, $0x0, v9  }
0xe4: {  	s31 =	simm.s32 $0x0;
	[tilespmem:s22+$0x70] =	vst v2  }
0xe5: {  	[hbm4b:s5+s12] =	stream.strided.scatter [tilespmem:s31], [sflag:$0x3], $0x8000, s13, s12, $0x38;
	[tilespmem:$0x18080] =	vst v63  }
0xe6: {  	_ =	swait.ge [sflag:s18], $0x8000  }
0xe7: {  	[sflag:s18] =	ssyncset.done $0x0  }
0xe8: {  	[sflag:s18] =	ssyncadd.s32 $0xFFFF8000  }
0xe9: {  	[tilespmem:s31], [sflag:$0x1] =	stream.strided.gather [hbm4b:s6+s12], $0x8000, s13, s12, $0x38;
	[tilespmem:$0x18080] =	vst v63  }
0xea: {  	_ =	swait.ge [sflag:s19], $0x8000  }
0xeb: {  	[sflag:s19] =	ssyncset.done $0x0  }
0xec: {  	s22 =	simm.s32 $0x0;
	[sflag:s19] =	ssyncadd.s32 $0xFFFF8000  }
0xed: {  	v6 =	vld [tilespmem:s22+$0x8080]  }
0xee: {  	v7 =	vld [tilespmem:s22+$0x8090]  }
0xef: {  	v3 =	vld [tilespmem:s22+$0x80A0]  }
0xf0: {  	v5 =	vld [tilespmem:s22+$0x80B0]  }
0xf1: {  	v8 =	vld [tilespmem:s22+$0x80C0]  }
0xf2: {  	v4 =	vld [tilespmem:s22+$0x80D0]  }
0xf3: {  	v2 =	vld [tilespmem:s22+$0x80E0]  }
0xf4: {  	v22 =	vld [tilespmem:s22+$0x8000]  }
0xf5: {  	v23 =	vld [tilespmem:s22+$0x8010]  }
0xf6: {  	v19 =	vld [tilespmem:s22+$0x8020]  }
0xf7: {  	v20 =	vld [tilespmem:s22+$0x8030]  }
0xf8: {  	v15 =	vimm.f32 $-Inf;
	v16 =	vimm.f32 $-Inf;
	v21 =	vld [tilespmem:s22+$0x8040]  }
0xf9: {  	v13 =	vimm.f32 $-Inf;
	v14 =	vimm.f32 $-Inf;
	v10 =	vimm.f32 $-Inf;
	v17 =	vld [tilespmem:s22+$0x8050]  }
0xfa: {  	s23 =	simm.s32 $0x400;
	v11 =	vimm.f32 $-Inf;
	v12 =	vimm.f32 $-Inf;
	v9 =	vimm.f32 $-Inf;
	v18 =	vld [tilespmem:s22+$0x8060]  }
.LBB2_21:
0xfb: {  	p0 =	sne.s32 s23, $0x1FC00;
	v24 =	vld [tilespmem:s22+$0x8070]  }
0xfc: {  	v15 =	vmax.f32 v15, v22;
	v16 =	vmax.f32 v16, v23;
	v22 =	vld [tilespmem:s22+$0x80F0];
	s22 =	sshra.s32 s23, $0x2  }
0xfd: {  	v15 =	vmax.f32 v15, v6;
	v16 =	vmax.f32 v16, v7;
	v6 =	vld [tilespmem:s22+$0x8080]  }
0xfe: {  	v9 =	vmax.f32 v9, v19;
	v13 =	vmax.f32 v13, v20;
	v14 =	vmax.f32 v14, v21;
	v7 =	vld [tilespmem:s22+$0x8090]  }
0xff: {  	v9 =	vmax.f32 v9, v3;
	v13 =	vmax.f32 v13, v5;
	v14 =	vmax.f32 v14, v8;
	v3 =	vld [tilespmem:s22+$0x80A0]  }
0x100: {  	v10 =	vmax.f32 v10, v17;
	v11 =	vmax.f32 v11, v18;
	v5 =	vld [tilespmem:s22+$0x80B0];
	v12 =	vmax.f32 v12, v24  }
0x101: {  	v10 =	vmax.f32 v10, v4;
	v11 =	vmax.f32 v11, v2;
	v8 =	vld [tilespmem:s22+$0x80C0];
	v12 =	vmax.f32 v12, v22  }
0x102: {  	v4 =	vld [tilespmem:s22+$0x80D0]  }
0x103: {  	v2 =	vld [tilespmem:s22+$0x80E0]  }
0x104: {  	v22 =	vld [tilespmem:s22+$0x8000]  }
0x105: {  	v23 =	vld [tilespmem:s22+$0x8010]  }
.Ltmp13:
0x106: {  	v19 =	vld [tilespmem:s22+$0x8020];
	(pc) =	sbr.rel @p0 .LBB2_21-.Ltmp13, $4  }
0x107: {  	v20 =	vld [tilespmem:s22+$0x8030]  }
0x108: {  	v21 =	vld [tilespmem:s22+$0x8040]  }
0x109: {  	v17 =	vld [tilespmem:s22+$0x8050]  }
0x10a: {  	s23 =	sadd.s32 $0x400, s23;
	v18 =	vld [tilespmem:s22+$0x8060]  }
0x10b: {  	v24 =	vld [tilespmem:s22+$0x8070];
	v15 =	vmax.f32 v15, v22  }
0x10c: {  	v16 =	vmax.f32 v16, v23;
	v9 =	vmax.f32 v9, v19;
	v6 =	vmax.f32 v15, v6  }
0x10d: {  	v60 =	vld [tilespmem:s22+$0x80F0];
	v7 =	vmax.f32 v16, v7;
	v13 =	vmax.f32 v13, v20;
	v9 =	vmax.f32 v9, v3  }
0x10e: {  	v14 =	vmax.f32 v14, v21;
	v5 =	vmax.f32 v13, v5;
	v3 =	vmax.f32 v10, v17  }
0x10f: {  	v61 =	vmax.f32 v14, v8;
	v8 =	vmax.f32 v11, v18;
	v11 =	vmax.f32 v3, v4  }
0x110: {  	v3 =	vshra.s32 v6, $0x1F;
	v4 =	vshra.s32 v7, $0x1F;
	v10 =	vmax.f32 v12, v24  }
0x111: {  	v62 =	vmax.f32 v8, v2;
	v2 =	vand.u32 $0x7FFFFFFF, v3;
	v3 =	vand.u32 $0x7FFFFFFF, v4  }
0x112: {  	v4 =	vshra.s32 v9, $0x1F;
	v10 =	vmax.f32 v10, v60;
	v2 =	vxor.u32 v6, v2  }
0x113: {  	v3 =	vxor.u32 v7, v3;
	v6 =	vshra.s32 v5, $0x1F;
	v7 =	vshra.s32 v61, $0x1F  }
0x114: {  	v4 =	vand.u32 $0x7FFFFFFF, v4;
	v6 =	vand.u32 $0x7FFFFFFF, v6;
	v7 =	vand.u32 $0x7FFFFFFF, v7  }
0x115: {  	v8 =	vxor.u32 v9, v4;
	v9 =	vshra.s32 v10, $0x1F;
	v6 =	vxor.u32 v5, v6  }
0x116: {  	v4 =	vxor.u32 v61, v7;
	v5 =	vshra.s32 v11, $0x1F;
	v7 =	vshra.s32 v62, $0x1F  }
0x117: {  	v63 =	vand.u32 $0x7FFFFFFF, v9;
	v5 =	vand.u32 $0x7FFFFFFF, v5;
	v7 =	vand.u32 $0x7FFFFFFF, v7  }
0x118: {  	s22 =	simm.s32 $0x0;
	s25 =	simm.s32 $0x80000000;
	s23 =	simm.s32 $0x1;
	v9 =	vxor.u32 v11, v5;
	v7 =	vxor.u32 v62, v7;
	v5 =	vxor.u32 v10, v63  }
.LBB2_23:
0x119: {  	p0 =	sne.s32 s23, $0x1F;
	s24 =	sor.u32 s25, s22  }
0x11a: {  	s25 =	sxor.u32 $0x80000000, s24  }
0x11b: {  	vm0 =	vge.s32 v2, s25;
	vm1 =	vge.s32 v3, s25  }
0x11c: {  	v10 =	vsel vm0, $0x1, v0;
	v11 =	vsel vm1, $0x1, v0;
	vm0 =	vge.s32 v8, s25  }
0x11d: {  	v10 =	vadd.s32 v11, v10;
	v11 =	vsel vm0, $0x1, v0;
	vm0 =	vge.s32 v6, s25  }
0x11e: {  	v10 =	vadd.s32 v11, v10;
	v11 =	vsel vm0, $0x1, v0;
	vm0 =	vge.s32 v4, s25  }
0x11f: {  	v10 =	vadd.s32 v11, v10;
	v11 =	vsel vm0, $0x1, v0;
	vm0 =	vge.s32 v9, s25  }
0x120: {  	v10 =	vadd.s32 v11, v10;
	v11 =	vsel vm0, $0x1, v0;
	vm0 =	vge.s32 v7, s25  }
0x121: {  	v10 =	vadd.s32 v11, v10;
	v11 =	vsel vm0, $0x1, v0;
	vm0 =	vge.s32 v5, s25  }
0x122: {  	v10 =	vadd.s32 v11, v10;
	v11 =	vsel vm0, $0x1, v0  }
0x123: {  	v10 =	vadd.s32 v11, v10  }
0x124: {  	(xrf0) =	vadd.scan.msk.s32 $0xffff, v10;
	_ =	sdelay $0x5  }
0x125: {  	v10, _, _ =	vpop (xrf0)  }
0x126: {  	(v2sf) =	vpush v10, $0xF;
	_ =	sdelay $0xc  }
.Ltmp14:
0x127: {  	(pc) =	sbr.rel @p0 .LBB2_23-.Ltmp14, $4  }
0x128: {  	_ = 	snop  }
0x129: {  	s25 =	spop (v2sf)  }
0x12a: {  	p1 =	sgt.s32 s25, $0x3F  }
0x12b: {  	s25 =	sshrl.u32 s16, s23;
	s23 =	sadd.s32 $0x1, s23;
	s22 =	smov.u32 @p1 s24  }
0x12c: {  	s23 =	sor.u32 s25, s22  }
0x12d: {  	s24 =	sxor.u32 $0x80000000, s23  }
0x12e: {  	vm0 =	vge.s32 v2, s24;
	vm1 =	vge.s32 v3, s24  }
0x12f: {  	vm9 =	vge.s32 v8, s24;
	v2 =	vsel vm0, $0x1, v0;
	v3 =	vsel vm1, $0x1, v0  }
0x130: {  	vm10 =	vge.s32 v6, s24;
	v2 =	vadd.s32 v3, v2;
	v3 =	vsel vm9, $0x1, v0  }
0x131: {  	vm11 =	vge.s32 v4, s24;
	v2 =	vadd.s32 v3, v2;
	v3 =	vsel vm10, $0x1, v0  }
0x132: {  	vm12 =	vge.s32 v9, s24;
	v2 =	vadd.s32 v3, v2;
	v3 =	vsel vm11, $0x1, v0  }
0x133: {  	vm13 =	vge.s32 v7, s24;
	v2 =	vadd.s32 v3, v2;
	v3 =	vsel vm12, $0x1, v0  }
0x134: {  	vm14 =	vge.s32 v5, s24;
	v2 =	vadd.s32 v3, v2;
	v3 =	vsel vm13, $0x1, v0  }
0x135: {  	v2 =	vadd.s32 v3, v2;
	v3 =	vsel vm14, $0x1, v0  }
0x136: {  	v2 =	vadd.s32 v3, v2  }
0x137: {  	(xrf0) =	vadd.scan.msk.s32 $0xffff, v2;
	_ =	sdelay $0x5  }
0x138: {  	v2, _, _ =	vpop (xrf0)  }
0x139: {  	(v2sf) =	vpush v2, $0xF;
	_ =	sdelay $0xe  }
0x13a: {  	s31 =	spop (v2sf)  }
0x13b: {  	p0 =	sgt.s32 s31, $0x3F  }
0x13c: {  	s22 =	smov.u32 @p0 s23  }
0x13d: {  	s22 =	sxor.u32 $0x80000000, s22  }
0x13e: {  	v2 =	vmov s22  }
0x13f: {  	v3 =	vxor.u32 $0x7FFFFFFF, v2;
	vm15 =	vlt.s32 v2, $0x0  }
0x140: {  	v2 =	vnsel vm15, s22, v3;
	v3 =	vlaneseq.u32;
	s22 =	simm.s32 $0x0  }
.LBB2_25:
0x141: {  	s23 =	sshra.s32 s22, $0x2  }
0x142: {  	v4 =	vld [tilespmem:s23+$0x8000];
	_ =	sdelay $0x4  }
0x143: {  	vm0 =	vge.f32 v4, v2;
	_ =	sdelay $0x5  }
0x144: {  	[tilespmem:v3+s17+$0x0] =	vst.idx.msk vm0, v4  }
0x145: {  	v4 =	vld [tilespmem:s23+$0x8010];
	_ =	sdelay $0x4  }
0x146: {  	v5 =	vsel vm0, $0x10, v0;
	vm9 =	vge.f32 v4, v2  }
0x147: {  	v3 =	vadd.s32 v3, v5;
	_ =	sdelay $0x4  }
0x148: {  	[tilespmem:v3+s17+$0x0] =	vst.idx.msk vm9, v4  }
0x149: {  	v4 =	vld [tilespmem:s23+$0x8020];
	_ =	sdelay $0x4  }
0x14a: {  	v5 =	vsel vm9, $0x10, v0;
	vm10 =	vge.f32 v4, v2  }
0x14b: {  	v3 =	vadd.s32 v3, v5;
	_ =	sdelay $0x4  }
0x14c: {  	[tilespmem:v3+s17+$0x0] =	vst.idx.msk vm10, v4  }
0x14d: {  	v4 =	vld [tilespmem:s23+$0x8030];
	_ =	sdelay $0x4  }
0x14e: {  	v5 =	vsel vm10, $0x10, v0;
	vm11 =	vge.f32 v4, v2  }
0x14f: {  	v3 =	vadd.s32 v3, v5;
	_ =	sdelay $0x4  }
0x150: {  	[tilespmem:v3+s17+$0x0] =	vst.idx.msk vm11, v4  }
0x151: {  	v4 =	vld [tilespmem:s23+$0x8040];
	_ =	sdelay $0x4  }
0x152: {  	v5 =	vsel vm11, $0x10, v0;
	vm12 =	vge.f32 v4, v2  }
0x153: {  	v3 =	vadd.s32 v3, v5;
	_ =	sdelay $0x4  }
0x154: {  	[tilespmem:v3+s17+$0x0] =	vst.idx.msk vm12, v4  }
0x155: {  	v4 =	vld [tilespmem:s23+$0x8050];
	_ =	sdelay $0x4  }
0x156: {  	v5 =	vsel vm12, $0x10, v0;
	vm13 =	vge.f32 v4, v2  }
0x157: {  	v3 =	vadd.s32 v3, v5;
	_ =	sdelay $0x4  }
0x158: {  	[tilespmem:v3+s17+$0x0] =	vst.idx.msk vm13, v4  }
0x159: {  	v4 =	vld [tilespmem:s23+$0x8060];
	_ =	sdelay $0x4  }
0x15a: {  	v5 =	vsel vm13, $0x10, v0;
	vm14 =	vge.f32 v4, v2  }
0x15b: {  	v3 =	vadd.s32 v3, v5;
	_ =	sdelay $0x4  }
0x15c: {  	[tilespmem:v3+s17+$0x0] =	vst.idx.msk vm14, v4  }
0x15d: {  	v4 =	vld [tilespmem:s23+$0x8070];
	_ =	sdelay $0x4  }
0x15e: {  	v5 =	vsel vm14, $0x10, v0;
	vm15 =	vge.f32 v4, v2  }
0x15f: {  	p0 =	sne.s32 s22, $0x1FE00;
	v3 =	vadd.s32 v3, v5  }
.Ltmp15:
0x160: {  	_ = 	snop;
	(pc) =	sbr.rel @p0 .LBB2_25-.Ltmp15, $3  }
0x161: {  	_ =	sdelay $0x1  }
0x162: {  	v5 =	vsel vm15, $0x10, v0  }
0x163: {  	s22 =	sadd.s32 $0x200, s22;
	[tilespmem:v3+s17+$0x0] =	vst.idx.msk vm15, v4;
	v3 =	vadd.s32 v3, v5  }
0x164: {  	v2 =	vadd.s32 v1, v3  }
0x165: {  	v2 =	vshrl.u32 v2, $0x4  }
0x166: {  	v3 =	vor.u32 $0x80000000, v2  }
0x167: {  	(xrf0) =	vmax.scan.msk.u32 $0xffff, v3;
	_ =	sdelay $0x5  }
0x168: {  	v3, _, _ =	vpop (xrf0)  }
0x169: {  	(v2sf) =	vpush v3, $0xF;
	_ =	sdelay $0xe  }
0x16a: {  	s22 =	spop (v2sf)  }
0x16b: {  	s22 =	sadd.s32 $0x80000003, s22  }
0x16c: {  	p0 =	sgt.s32 s22, $0x3  }
.Ltmp16:
0x16d: {  	_ = 	snop;
	(pc) =	sbr.rel @!p0 .LBB2_30-.Ltmp16, $1  }
0x16e: {  	_ =	sdelay $0x3  }
0x16f: {  	s24 =	simm.s32 $0x10000  }
0x170: {  	v3 =	vld [tilespmem:s24+$0x0];
	_ =	sdelay $0x1  }
0x171: {  	s23 =	sand.u32 $0xFFFFFFFC, s22  }
0x172: {  	p0 =	seq.s32 s23, $0x1  }
.Ltmp17:
0x173: {  	_ = 	snop;
	(pc) =	sbr.rel @p0 .LBB2_29-.Ltmp17, $4  }
0x174: {  	s25 =	simm.s32 $0x0;
	v4 =	vshra.s32 v3, $0x1F  }
0x175: {  	v5 =	vmov s25;
	v4 =	vand.u32 $0x7FFFFFFF, v4  }
0x176: {  	vm0 =	vlt.u32 v5, v2;
	v3 =	vxor.u32 v3, v4  }
0x177: {  	s25 =	simm.s32 $0x1;
	v3 =	vnsel vm0, $0x807FFFFF, v3  }
.LBB2_28:
0x178: {  	[tilespmem:s24+$0x0] =	vst v3;
	s24 =	sadd.s32 $0x10, s24;
	s26 =	smov.u32 s25;
	s25 =	sadd.s32 $0x1, s25  }
0x179: {  	v3 =	vld [tilespmem:s24+$0x0];
	p0 =	seq.s32 s23, s25;
	_ =	sdelay $0x3  }
.Ltmp18:
0x17a: {  	(pc) =	sbr.rel @!p0 .LBB2_28-.Ltmp18, $4  }
0x17b: {  	v4 =	vshra.s32 v3, $0x1F  }
0x17c: {  	v5 =	vmov s26;
	v4 =	vand.u32 $0x7FFFFFFF, v4  }
0x17d: {  	vm0 =	vlt.u32 v5, v2;
	v3 =	vxor.u32 v3, v4  }
0x17e: {  	v3 =	vnsel vm0, $0x807FFFFF, v3  }
.LBB2_29:
0x17f: {  	[tilespmem:s24+$0x0] =	vst v3  }
.LBB2_30:
.Ltmp19:
0x180: {  	(pc) =	sbr.rel .LBB2_31-.Ltmp19, $3  }
0x181: {  	_ =	sdelay $0x1  }
0x182: {  	s22 =	sshra.s32 s22, $0x2  }
0x183: {  	s23 =	simm.s32 $0x0;
	s24 =	simm.s32 $0x0;
	p0 =	slt.s32 s22, $0x1  }
.LBB2_32:
0x184: {  	v2 =	vimm.s32 $0x0  }
.LBB2_36:
0x185: {  	(xrf0) =	vadd.scan.msk.s32 $0xffff, v2;
	_ =	sdelay $0x5  }
0x186: {  	v2, _, _ =	vpop (xrf0)  }
0x187: {  	(v2sf) =	vpush v2, $0xF;
	_ =	sdelay $0xa  }
0x188: {  	s24 =	sadd.s32 $0x1, s24  }
0x189: {  	p2 =	sne.s32 s24, $0x20  }
.Ltmp20:
0x18a: {  	_ = 	snop;
	(pc) =	sbr.rel @!p2 .LBB2_37-.Ltmp20, $4  }
0x18b: {  	_ = 	snop  }
0x18c: {  	s26 =	spop (v2sf)  }
0x18d: {  	p1 =	sgt.s32 s26, $0x3F  }
0x18e: {  	s23 =	smov.u32 @p1 s25  }
.LBB2_31:
.Ltmp21:
0x18f: {  	(pc) =	sbr.rel @p0 .LBB2_32-.Ltmp21, $3  }
0x190: {  	_ =	sdelay $0x1  }
0x191: {  	s25 =	sshrl.u32 s16, s24  }
0x192: {  	s25 =	sor.u32 s25, s23  }
0x193: {  	s28 =	simm.s32 $0x10020  }
0x194: {  	p1 =	sne.s32 s22, $0x1;
	v7 =	vld [tilespmem:s28+$0xFFFFFFE0]  }
.Ltmp22:
0x195: {  	v3 =	vld [tilespmem:s28+$0xFFFFFFF0];
	(pc) =	sbr.rel @!p1 .LBB2_35-.Ltmp22, $4  }
0x196: {  	v4 =	vld [tilespmem:s28+$0x0]  }
0x197: {  	s26 =	sxor.u32 $0x80000000, s25;
	v5 =	vld [tilespmem:s28+$0x10]  }
0x198: {  	v2 =	vmov s26  }
0x199: {  	v6 =	vimm.s32 $0x0;
	s26 =	sadd.s32 $0xFFFFFFFF, s22;
	s28 =	simm.s32 $0x10060;
	vm0 =	vge.s32 v7, v2  }
.LBB2_34:
0x19a: {  	v7 =	vld [tilespmem:s28+$0xFFFFFFE0];
	p1 =	sne.s32 s26, $0x1;
	s26 =	sadd.s32 $0xFFFFFFFF, s26;
	v8 =	vsel vm0, $0x1, v0;
	vm0 =	vge.s32 v3, v2  }
.Ltmp23:
0x19b: {  	v3 =	vld [tilespmem:s28+$0xFFFFFFF0];
	v6 =	vadd.s32 v8, v6;
	v8 =	vsel vm0, $0x1, v0;
	vm0 =	vge.s32 v4, v2;
	(pc) =	sbr.rel @p1 .LBB2_34-.Ltmp23, $4  }
0x19c: {  	v4 =	vld [tilespmem:s28+$0x0];
	v6 =	vadd.s32 v8, v6;
	v8 =	vsel vm0, $0x1, v0;
	vm0 =	vge.s32 v5, v2  }
0x19d: {  	v5 =	vld [tilespmem:s28+$0x10];
	v6 =	vadd.s32 v8, v6;
	v8 =	vsel vm0, $0x1, v0  }
0x19e: {  	v6 =	vadd.s32 v8, v6  }
0x19f: {  	s28 =	sadd.s32 $0x40, s28;
	vm0 =	vge.s32 v7, v2  }
.LBB2_35:
.Ltmp24:
0x1a0: {  	v7 =	vsel vm0, $0x1, v0;
	vm13 =	vge.s32 v3, v2;
	(pc) =	sbr.rel .LBB2_36-.Ltmp24, $4  }
0x1a1: {  	v3 =	vadd.s32 v7, v6;
	v63 =	vsel vm13, $0x1, v0;
	vm14 =	vge.s32 v4, v2  }
0x1a2: {  	v3 =	vadd.s32 v63, v3;
	v4 =	vsel vm14, $0x1, v0;
	vm15 =	vge.s32 v5, v2  }
0x1a3: {  	v2 =	vadd.s32 v4, v3;
	v3 =	vsel vm15, $0x1, v0  }
0x1a4: {  	v2 =	vadd.s32 v3, v2  }
.LBB2_37:
0x1a5: {  	s22 =	simm.s32 $0x0  }
0x1a6: {  	v7 =	vld [tilespmem:s22+$0x8000]  }
0x1a7: {  	s23 =	sxor.u32 $0x80000000, s23;
	v8 =	vld [tilespmem:s22+$0x8010]  }
0x1a8: {  	v2 =	vmov s23;
	v5 =	vld [tilespmem:s22+$0x8020]  }
0x1a9: {  	v6 =	vld [tilespmem:s22+$0x8030];
	v3 =	vxor.u32 $0x7FFFFFFF, v2;
	vm0 =	vlt.s32 v2, $0x0  }
0x1aa: {  	v2 =	vnsel vm0, s23, v3;
	v3 =	vld [tilespmem:s22+$0x8040]  }
0x1ab: {  	v4 =	vld [tilespmem:s22+$0x8050];
	vm0 =	vge.f32 v7, v2  }
0x1ac: {  	s23 =	simm.s32 $0x200;
	v9 =	vnsel vm0, $0x0, v7;
	vm0 =	vge.f32 v8, v2;
	v7 =	vld [tilespmem:s22+$0x8060]  }
.LBB2_38:
0x1ad: {  	s24 =	sshra.s32 s23, $0x2;
	p0 =	sne.s32 s23, $0x1FE00;
	[tilespmem:s22+$0x8000] =	vst v9;
	v8 =	vnsel vm0, $0x0, v8;
	vm0 =	vge.f32 v5, v2;
	v9 =	vld [tilespmem:s22+$0x8070]  }
0x1ae: {  	v10 =	vld [tilespmem:s24+$0x8000];
	[tilespmem:s22+$0x8010] =	vst v8;
	v5 =	vnsel vm0, $0x0, v5;
	vm0 =	vge.f32 v6, v2  }
0x1af: {  	v8 =	vld [tilespmem:s24+$0x8010];
	[tilespmem:s22+$0x8020] =	vst v5;
	v6 =	vnsel vm0, $0x0, v6;
	vm0 =	vge.f32 v3, v2  }
.Ltmp25:
0x1b0: {  	v5 =	vld [tilespmem:s24+$0x8020];
	[tilespmem:s22+$0x8030] =	vst v6;
	v3 =	vnsel vm0, $0x0, v3;
	vm0 =	vge.f32 v4, v2;
	(pc) =	sbr.rel @p0 .LBB2_38-.Ltmp25, $4  }
0x1b1: {  	v6 =	vld [tilespmem:s24+$0x8030];
	[tilespmem:s22+$0x8040] =	vst v3;
	v4 =	vnsel vm0, $0x0, v4;
	vm0 =	vge.f32 v7, v2  }
0x1b2: {  	v3 =	vld [tilespmem:s24+$0x8040];
	[tilespmem:s22+$0x8050] =	vst v4;
	v7 =	vnsel vm0, $0x0, v7;
	vm0 =	vge.f32 v9, v2  }
0x1b3: {  	vm1 =	vge.f32 v10, v2;
	v4 =	vld [tilespmem:s24+$0x8050];
	[tilespmem:s22+$0x8060] =	vst v7;
	v11 =	vnsel vm0, $0x0, v9  }
0x1b4: {  	s23 =	sadd.s32 $0x200, s23;
	v9 =	vnsel vm1, $0x0, v10;
	vm0 =	vge.f32 v8, v2;
	v7 =	vld [tilespmem:s24+$0x8060];
	[tilespmem:s22+$0x8070] =	vst v11;
	s22 =	smov.u32 s24  }
0x1b5: {  	[tilespmem:s22+$0x8000] =	vst v9;
	v8 =	vnsel vm0, $0x0, v8;
	vm10 =	vge.f32 v5, v2;
	v9 =	vld [tilespmem:s22+$0x8070]  }
0x1b6: {  	[tilespmem:s22+$0x8010] =	vst v8;
	v5 =	vnsel vm10, $0x0, v5;
	vm11 =	vge.f32 v6, v2  }
0x1b7: {  	[tilespmem:s22+$0x8020] =	vst v5;
	v5 =	vnsel vm11, $0x0, v6;
	vm12 =	vge.f32 v3, v2  }
0x1b8: {  	[tilespmem:s22+$0x8030] =	vst v5;
	v3 =	vnsel vm12, $0x0, v3;
	vm13 =	vge.f32 v4, v2  }
0x1b9: {  	[tilespmem:s22+$0x8040] =	vst v3;
	v3 =	vnsel vm13, $0x0, v4;
	vm14 =	vge.f32 v7, v2  }
0x1ba: {  	[tilespmem:s22+$0x8050] =	vst v3;
	v3 =	vnsel vm14, $0x0, v7;
	vm15 =	vge.f32 v9, v2  }
0x1bb: {  	[tilespmem:s22+$0x8060] =	vst v3;
	v2 =	vnsel vm15, $0x0, v9  }
0x1bc: {  	[tilespmem:s22+$0x8070] =	vst v2  }
0x1bd: {  	[hbm4b:s7+s12] =	stream.strided.scatter [tilespmem:s14], [sflag:$0x4], $0x8000, s13, s12, $0x38;
	[tilespmem:$0x18080] =	vst v63  }
0x1be: {  	_ =	swait.ge [sflag:s20], $0x8000  }
0x1bf: {  	[sflag:s20] =	ssyncset.done $0x0  }
0x1c0: {  	[sflag:s20] =	ssyncadd.s32 $0xFFFF8000  }
0x1c1: {  	[tilespmem:s14], [sflag:$0x2] =	stream.strided.gather [hbm4b:s8+s12], $0x8000, s13, s12, $0x38;
	[tilespmem:$0x18080] =	vst v63  }
0x1c2: {  	_ =	swait.ge [sflag:s15], $0x8000  }
0x1c3: {  	[sflag:s15] =	ssyncset.done $0x0  }
0x1c4: {  	s22 =	simm.s32 $0x0;
	[sflag:s15] =	ssyncadd.s32 $0xFFFF8000  }
0x1c5: {  	v6 =	vld [tilespmem:s22+$0x80]  }
0x1c6: {  	v7 =	vld [tilespmem:s22+$0x90]  }
0x1c7: {  	v3 =	vld [tilespmem:s22+$0xA0]  }
0x1c8: {  	v5 =	vld [tilespmem:s22+$0xB0]  }
0x1c9: {  	v8 =	vld [tilespmem:s22+$0xC0]  }
0x1ca: {  	v4 =	vld [tilespmem:s22+$0xD0]  }
0x1cb: {  	v2 =	vld [tilespmem:s22+$0xE0]  }
0x1cc: {  	v22 =	vld [tilespmem:s22+$0x0]  }
0x1cd: {  	v23 =	vld [tilespmem:s22+$0x10]  }
0x1ce: {  	v19 =	vld [tilespmem:s22+$0x20]  }
0x1cf: {  	v20 =	vld [tilespmem:s22+$0x30]  }
0x1d0: {  	v15 =	vimm.f32 $-Inf;
	v16 =	vimm.f32 $-Inf;
	v21 =	vld [tilespmem:s22+$0x40]  }
0x1d1: {  	v13 =	vimm.f32 $-Inf;
	v14 =	vimm.f32 $-Inf;
	v10 =	vimm.f32 $-Inf;
	v17 =	vld [tilespmem:s22+$0x50]  }
0x1d2: {  	s23 =	simm.s32 $0x400;
	v11 =	vimm.f32 $-Inf;
	v12 =	vimm.f32 $-Inf;
	v9 =	vimm.f32 $-Inf;
	v18 =	vld [tilespmem:s22+$0x60]  }
.LBB2_40:
0x1d3: {  	p0 =	sne.s32 s23, $0x1FC00;
	v24 =	vld [tilespmem:s22+$0x70]  }
0x1d4: {  	v15 =	vmax.f32 v15, v22;
	v16 =	vmax.f32 v16, v23;
	v22 =	vld [tilespmem:s22+$0xF0];
	s22 =	sshra.s32 s23, $0x2  }
0x1d5: {  	v15 =	vmax.f32 v15, v6;
	v16 =	vmax.f32 v16, v7;
	v6 =	vld [tilespmem:s22+$0x80]  }
0x1d6: {  	v9 =	vmax.f32 v9, v19;
	v13 =	vmax.f32 v13, v20;
	v14 =	vmax.f32 v14, v21;
	v7 =	vld [tilespmem:s22+$0x90]  }
0x1d7: {  	v9 =	vmax.f32 v9, v3;
	v13 =	vmax.f32 v13, v5;
	v14 =	vmax.f32 v14, v8;
	v3 =	vld [tilespmem:s22+$0xA0]  }
0x1d8: {  	v10 =	vmax.f32 v10, v17;
	v11 =	vmax.f32 v11, v18;
	v5 =	vld [tilespmem:s22+$0xB0];
	v12 =	vmax.f32 v12, v24  }
0x1d9: {  	v10 =	vmax.f32 v10, v4;
	v11 =	vmax.f32 v11, v2;
	v8 =	vld [tilespmem:s22+$0xC0];
	v12 =	vmax.f32 v12, v22  }
0x1da: {  	v4 =	vld [tilespmem:s22+$0xD0]  }
0x1db: {  	v2 =	vld [tilespmem:s22+$0xE0]  }
0x1dc: {  	v22 =	vld [tilespmem:s22+$0x0]  }
0x1dd: {  	v23 =	vld [tilespmem:s22+$0x10]  }
.Ltmp26:
0x1de: {  	v19 =	vld [tilespmem:s22+$0x20];
	(pc) =	sbr.rel @p0 .LBB2_40-.Ltmp26, $4  }
0x1df: {  	v20 =	vld [tilespmem:s22+$0x30]  }
0x1e0: {  	v21 =	vld [tilespmem:s22+$0x40]  }
0x1e1: {  	v17 =	vld [tilespmem:s22+$0x50]  }
0x1e2: {  	s23 =	sadd.s32 $0x400, s23;
	v18 =	vld [tilespmem:s22+$0x60]  }
0x1e3: {  	v24 =	vld [tilespmem:s22+$0x70];
	v15 =	vmax.f32 v15, v22  }
0x1e4: {  	v16 =	vmax.f32 v16, v23;
	v9 =	vmax.f32 v9, v19;
	v6 =	vmax.f32 v15, v6  }
0x1e5: {  	v60 =	vld [tilespmem:s22+$0xF0];
	v7 =	vmax.f32 v16, v7;
	v13 =	vmax.f32 v13, v20;
	v9 =	vmax.f32 v9, v3  }
0x1e6: {  	v14 =	vmax.f32 v14, v21;
	v5 =	vmax.f32 v13, v5;
	v3 =	vmax.f32 v10, v17  }
0x1e7: {  	v61 =	vmax.f32 v14, v8;
	v8 =	vmax.f32 v11, v18;
	v11 =	vmax.f32 v3, v4  }
0x1e8: {  	v3 =	vshra.s32 v6, $0x1F;
	v4 =	vshra.s32 v7, $0x1F;
	v10 =	vmax.f32 v12, v24  }
0x1e9: {  	v62 =	vmax.f32 v8, v2;
	v2 =	vand.u32 $0x7FFFFFFF, v3;
	v3 =	vand.u32 $0x7FFFFFFF, v4  }
0x1ea: {  	v4 =	vshra.s32 v9, $0x1F;
	v10 =	vmax.f32 v10, v60;
	v2 =	vxor.u32 v6, v2  }
0x1eb: {  	v3 =	vxor.u32 v7, v3;
	v6 =	vshra.s32 v5, $0x1F;
	v7 =	vshra.s32 v61, $0x1F  }
0x1ec: {  	v4 =	vand.u32 $0x7FFFFFFF, v4;
	v6 =	vand.u32 $0x7FFFFFFF, v6;
	v7 =	vand.u32 $0x7FFFFFFF, v7  }
0x1ed: {  	v8 =	vxor.u32 v9, v4;
	v9 =	vshra.s32 v10, $0x1F;
	v6 =	vxor.u32 v5, v6  }
0x1ee: {  	v4 =	vxor.u32 v61, v7;
	v5 =	vshra.s32 v11, $0x1F;
	v7 =	vshra.s32 v62, $0x1F  }
0x1ef: {  	v63 =	vand.u32 $0x7FFFFFFF, v9;
	v5 =	vand.u32 $0x7FFFFFFF, v5;
	v7 =	vand.u32 $0x7FFFFFFF, v7  }
0x1f0: {  	s22 =	simm.s32 $0x0;
	s25 =	simm.s32 $0x80000000;
	s23 =	simm.s32 $0x1;
	v9 =	vxor.u32 v11, v5;
	v7 =	vxor.u32 v62, v7;
	v5 =	vxor.u32 v10, v63  }
.LBB2_42:
0x1f1: {  	p0 =	sne.s32 s23, $0x1F;
	s24 =	sor.u32 s25, s22  }
0x1f2: {  	s25 =	sxor.u32 $0x80000000, s24  }
0x1f3: {  	vm0 =	vge.s32 v2, s25;
	vm1 =	vge.s32 v3, s25  }
0x1f4: {  	v10 =	vsel vm0, $0x1, v0;
	v11 =	vsel vm1, $0x1, v0;
	vm0 =	vge.s32 v8, s25  }
0x1f5: {  	v10 =	vadd.s32 v11, v10;
	v11 =	vsel vm0, $0x1, v0;
	vm0 =	vge.s32 v6, s25  }
0x1f6: {  	v10 =	vadd.s32 v11, v10;
	v11 =	vsel vm0, $0x1, v0;
	vm0 =	vge.s32 v4, s25  }
0x1f7: {  	v10 =	vadd.s32 v11, v10;
	v11 =	vsel vm0, $0x1, v0;
	vm0 =	vge.s32 v9, s25  }
0x1f8: {  	v10 =	vadd.s32 v11, v10;
	v11 =	vsel vm0, $0x1, v0;
	vm0 =	vge.s32 v7, s25  }
0x1f9: {  	v10 =	vadd.s32 v11, v10;
	v11 =	vsel vm0, $0x1, v0;
	vm0 =	vge.s32 v5, s25  }
0x1fa: {  	v10 =	vadd.s32 v11, v10;
	v11 =	vsel vm0, $0x1, v0  }
0x1fb: {  	v10 =	vadd.s32 v11, v10  }
0x1fc: {  	(xrf0) =	vadd.scan.msk.s32 $0xffff, v10;
	_ =	sdelay $0x5  }
0x1fd: {  	v10, _, _ =	vpop (xrf0)  }
0x1fe: {  	(v2sf) =	vpush v10, $0xF;
	_ =	sdelay $0xc  }
.Ltmp27:
0x1ff: {  	(pc) =	sbr.rel @p0 .LBB2_42-.Ltmp27, $4  }
0x200: {  	_ = 	snop  }
0x201: {  	s25 =	spop (v2sf)  }
0x202: {  	p1 =	sgt.s32 s25, $0x3F  }
0x203: {  	s25 =	sshrl.u32 s16, s23;
	s23 =	sadd.s32 $0x1, s23;
	s22 =	smov.u32 @p1 s24  }
0x204: {  	s23 =	sor.u32 s25, s22  }
0x205: {  	s24 =	sxor.u32 $0x80000000, s23  }
0x206: {  	vm0 =	vge.s32 v2, s24;
	vm1 =	vge.s32 v3, s24  }
0x207: {  	vm9 =	vge.s32 v8, s24;
	v2 =	vsel vm0, $0x1, v0;
	v3 =	vsel vm1, $0x1, v0  }
0x208: {  	vm10 =	vge.s32 v6, s24;
	v2 =	vadd.s32 v3, v2;
	v3 =	vsel vm9, $0x1, v0  }
0x209: {  	vm11 =	vge.s32 v4, s24;
	v2 =	vadd.s32 v3, v2;
	v3 =	vsel vm10, $0x1, v0  }
0x20a: {  	vm12 =	vge.s32 v9, s24;
	v2 =	vadd.s32 v3, v2;
	v3 =	vsel vm11, $0x1, v0  }
0x20b: {  	vm13 =	vge.s32 v7, s24;
	v2 =	vadd.s32 v3, v2;
	v3 =	vsel vm12, $0x1, v0  }
0x20c: {  	vm14 =	vge.s32 v5, s24;
	v2 =	vadd.s32 v3, v2;
	v3 =	vsel vm13, $0x1, v0  }
0x20d: {  	v2 =	vadd.s32 v3, v2;
	v3 =	vsel vm14, $0x1, v0  }
0x20e: {  	v2 =	vadd.s32 v3, v2  }
0x20f: {  	(xrf0) =	vadd.scan.msk.s32 $0xffff, v2;
	_ =	sdelay $0x5  }
0x210: {  	v2, _, _ =	vpop (xrf0)  }
0x211: {  	(v2sf) =	vpush v2, $0xF;
	_ =	sdelay $0xe  }
0x212: {  	s31 =	spop (v2sf)  }
0x213: {  	p0 =	sgt.s32 s31, $0x3F  }
0x214: {  	s22 =	smov.u32 @p0 s23  }
0x215: {  	s22 =	sxor.u32 $0x80000000, s22  }
0x216: {  	v2 =	vmov s22  }
0x217: {  	v3 =	vxor.u32 $0x7FFFFFFF, v2;
	vm15 =	vlt.s32 v2, $0x0  }
0x218: {  	v2 =	vnsel vm15, s22, v3;
	v3 =	vlaneseq.u32;
	s22 =	simm.s32 $0x0  }
.LBB2_44:
0x219: {  	s23 =	sshra.s32 s22, $0x2  }
0x21a: {  	v4 =	vld [tilespmem:s23+$0x0];
	_ =	sdelay $0x4  }
0x21b: {  	vm0 =	vge.f32 v4, v2;
	_ =	sdelay $0x5  }
0x21c: {  	[tilespmem:v3+s17+$0x0] =	vst.idx.msk vm0, v4  }
0x21d: {  	v4 =	vld [tilespmem:s23+$0x10];
	_ =	sdelay $0x4  }
0x21e: {  	v5 =	vsel vm0, $0x10, v0;
	vm9 =	vge.f32 v4, v2  }
0x21f: {  	v3 =	vadd.s32 v3, v5;
	_ =	sdelay $0x4  }
0x220: {  	[tilespmem:v3+s17+$0x0] =	vst.idx.msk vm9, v4  }
0x221: {  	v4 =	vld [tilespmem:s23+$0x20];
	_ =	sdelay $0x4  }
0x222: {  	v5 =	vsel vm9, $0x10, v0;
	vm10 =	vge.f32 v4, v2  }
0x223: {  	v3 =	vadd.s32 v3, v5;
	_ =	sdelay $0x4  }
0x224: {  	[tilespmem:v3+s17+$0x0] =	vst.idx.msk vm10, v4  }
0x225: {  	v4 =	vld [tilespmem:s23+$0x30];
	_ =	sdelay $0x4  }
0x226: {  	v5 =	vsel vm10, $0x10, v0;
	vm11 =	vge.f32 v4, v2  }
0x227: {  	v3 =	vadd.s32 v3, v5;
	_ =	sdelay $0x4  }
0x228: {  	[tilespmem:v3+s17+$0x0] =	vst.idx.msk vm11, v4  }
0x229: {  	v4 =	vld [tilespmem:s23+$0x40];
	_ =	sdelay $0x4  }
0x22a: {  	v5 =	vsel vm11, $0x10, v0;
	vm12 =	vge.f32 v4, v2  }
0x22b: {  	v3 =	vadd.s32 v3, v5;
	_ =	sdelay $0x4  }
0x22c: {  	[tilespmem:v3+s17+$0x0] =	vst.idx.msk vm12, v4  }
0x22d: {  	v4 =	vld [tilespmem:s23+$0x50];
	_ =	sdelay $0x4  }
0x22e: {  	v5 =	vsel vm12, $0x10, v0;
	vm13 =	vge.f32 v4, v2  }
0x22f: {  	v3 =	vadd.s32 v3, v5;
	_ =	sdelay $0x4  }
0x230: {  	[tilespmem:v3+s17+$0x0] =	vst.idx.msk vm13, v4  }
0x231: {  	v4 =	vld [tilespmem:s23+$0x60];
	_ =	sdelay $0x4  }
0x232: {  	v5 =	vsel vm13, $0x10, v0;
	vm14 =	vge.f32 v4, v2  }
0x233: {  	v3 =	vadd.s32 v3, v5;
	_ =	sdelay $0x4  }
0x234: {  	[tilespmem:v3+s17+$0x0] =	vst.idx.msk vm14, v4  }
0x235: {  	v4 =	vld [tilespmem:s23+$0x70];
	_ =	sdelay $0x4  }
0x236: {  	v5 =	vsel vm14, $0x10, v0;
	vm15 =	vge.f32 v4, v2  }
0x237: {  	p0 =	sne.s32 s22, $0x1FE00;
	v3 =	vadd.s32 v3, v5  }
.Ltmp28:
0x238: {  	_ = 	snop;
	(pc) =	sbr.rel @p0 .LBB2_44-.Ltmp28, $3  }
0x239: {  	_ =	sdelay $0x1  }
0x23a: {  	v5 =	vsel vm15, $0x10, v0  }
0x23b: {  	s22 =	sadd.s32 $0x200, s22;
	[tilespmem:v3+s17+$0x0] =	vst.idx.msk vm15, v4;
	v3 =	vadd.s32 v3, v5  }
0x23c: {  	v2 =	vadd.s32 v1, v3  }
0x23d: {  	v2 =	vshrl.u32 v2, $0x4  }
0x23e: {  	v3 =	vor.u32 $0x80000000, v2  }
0x23f: {  	(xrf0) =	vmax.scan.msk.u32 $0xffff, v3;
	_ =	sdelay $0x5  }
0x240: {  	v3, _, _ =	vpop (xrf0)  }
0x241: {  	(v2sf) =	vpush v3, $0xF;
	_ =	sdelay $0xe  }
0x242: {  	s22 =	spop (v2sf)  }
0x243: {  	s22 =	sadd.s32 $0x80000003, s22  }
0x244: {  	p0 =	sgt.s32 s22, $0x3  }
.Ltmp29:
0x245: {  	_ = 	snop;
	(pc) =	sbr.rel @!p0 .LBB2_49-.Ltmp29, $1  }
0x246: {  	_ =	sdelay $0x3  }
0x247: {  	s24 =	simm.s32 $0x10000  }
0x248: {  	v3 =	vld [tilespmem:s24+$0x0];
	_ =	sdelay $0x1  }
0x249: {  	s23 =	sand.u32 $0xFFFFFFFC, s22  }
0x24a: {  	p0 =	seq.s32 s23, $0x1  }
.Ltmp30:
0x24b: {  	_ = 	snop;
	(pc) =	sbr.rel @p0 .LBB2_48-.Ltmp30, $4  }
0x24c: {  	s25 =	simm.s32 $0x0;
	v4 =	vshra.s32 v3, $0x1F  }
0x24d: {  	v5 =	vmov s25;
	v4 =	vand.u32 $0x7FFFFFFF, v4  }
0x24e: {  	vm0 =	vlt.u32 v5, v2;
	v3 =	vxor.u32 v3, v4  }
0x24f: {  	s25 =	simm.s32 $0x1;
	v3 =	vnsel vm0, $0x807FFFFF, v3  }
.LBB2_47:
0x250: {  	[tilespmem:s24+$0x0] =	vst v3;
	s24 =	sadd.s32 $0x10, s24;
	s26 =	smov.u32 s25;
	s25 =	sadd.s32 $0x1, s25  }
0x251: {  	v3 =	vld [tilespmem:s24+$0x0];
	p0 =	seq.s32 s23, s25;
	_ =	sdelay $0x3  }
.Ltmp31:
0x252: {  	(pc) =	sbr.rel @!p0 .LBB2_47-.Ltmp31, $4  }
0x253: {  	v4 =	vshra.s32 v3, $0x1F  }
0x254: {  	v5 =	vmov s26;
	v4 =	vand.u32 $0x7FFFFFFF, v4  }
0x255: {  	vm0 =	vlt.u32 v5, v2;
	v3 =	vxor.u32 v3, v4  }
0x256: {  	v3 =	vnsel vm0, $0x807FFFFF, v3  }
.LBB2_48:
0x257: {  	[tilespmem:s24+$0x0] =	vst v3  }
.LBB2_49:
.Ltmp32:
0x258: {  	(pc) =	sbr.rel .LBB2_50-.Ltmp32, $3  }
0x259: {  	_ =	sdelay $0x1  }
0x25a: {  	s22 =	sshra.s32 s22, $0x2  }
0x25b: {  	s23 =	simm.s32 $0x0;
	s24 =	simm.s32 $0x0;
	p0 =	slt.s32 s22, $0x1  }
.LBB2_51:
0x25c: {  	v2 =	vimm.s32 $0x0  }
.LBB2_55:
0x25d: {  	(xrf0) =	vadd.scan.msk.s32 $0xffff, v2;
	_ =	sdelay $0x5  }
0x25e: {  	v2, _, _ =	vpop (xrf0)  }
0x25f: {  	(v2sf) =	vpush v2, $0xF;
	_ =	sdelay $0xa  }
0x260: {  	s24 =	sadd.s32 $0x1, s24  }
0x261: {  	p2 =	sne.s32 s24, $0x20  }
.Ltmp33:
0x262: {  	_ = 	snop;
	(pc) =	sbr.rel @!p2 .LBB2_56-.Ltmp33, $4  }
0x263: {  	_ = 	snop  }
0x264: {  	s26 =	spop (v2sf)  }
0x265: {  	p1 =	sgt.s32 s26, $0x3F  }
0x266: {  	s23 =	smov.u32 @p1 s25  }
.LBB2_50:
.Ltmp34:
0x267: {  	(pc) =	sbr.rel @p0 .LBB2_51-.Ltmp34, $3  }
0x268: {  	_ =	sdelay $0x1  }
0x269: {  	s25 =	sshrl.u32 s16, s24  }
0x26a: {  	s25 =	sor.u32 s25, s23  }
0x26b: {  	s28 =	simm.s32 $0x10020  }
0x26c: {  	p1 =	sne.s32 s22, $0x1;
	v7 =	vld [tilespmem:s28+$0xFFFFFFE0]  }
.Ltmp35:
0x26d: {  	v3 =	vld [tilespmem:s28+$0xFFFFFFF0];
	(pc) =	sbr.rel @!p1 .LBB2_54-.Ltmp35, $4  }
0x26e: {  	v4 =	vld [tilespmem:s28+$0x0]  }
0x26f: {  	s26 =	sxor.u32 $0x80000000, s25;
	v5 =	vld [tilespmem:s28+$0x10]  }
0x270: {  	v2 =	vmov s26  }
0x271: {  	v6 =	vimm.s32 $0x0;
	s26 =	sadd.s32 $0xFFFFFFFF, s22;
	s28 =	simm.s32 $0x10060;
	vm0 =	vge.s32 v7, v2  }
.LBB2_53:
0x272: {  	v7 =	vld [tilespmem:s28+$0xFFFFFFE0];
	p1 =	sne.s32 s26, $0x1;
	s26 =	sadd.s32 $0xFFFFFFFF, s26;
	v8 =	vsel vm0, $0x1, v0;
	vm0 =	vge.s32 v3, v2  }
.Ltmp36:
0x273: {  	v3 =	vld [tilespmem:s28+$0xFFFFFFF0];
	v6 =	vadd.s32 v8, v6;
	v8 =	vsel vm0, $0x1, v0;
	vm0 =	vge.s32 v4, v2;
	(pc) =	sbr.rel @p1 .LBB2_53-.Ltmp36, $4  }
0x274: {  	v4 =	vld [tilespmem:s28+$0x0];
	v6 =	vadd.s32 v8, v6;
	v8 =	vsel vm0, $0x1, v0;
	vm0 =	vge.s32 v5, v2  }
0x275: {  	v5 =	vld [tilespmem:s28+$0x10];
	v6 =	vadd.s32 v8, v6;
	v8 =	vsel vm0, $0x1, v0  }
0x276: {  	v6 =	vadd.s32 v8, v6  }
0x277: {  	s28 =	sadd.s32 $0x40, s28;
	vm0 =	vge.s32 v7, v2  }
.LBB2_54:
.Ltmp37:
0x278: {  	v7 =	vsel vm0, $0x1, v0;
	vm13 =	vge.s32 v3, v2;
	(pc) =	sbr.rel .LBB2_55-.Ltmp37, $4  }
0x279: {  	v3 =	vadd.s32 v7, v6;
	v63 =	vsel vm13, $0x1, v0;
	vm14 =	vge.s32 v4, v2  }
0x27a: {  	v3 =	vadd.s32 v63, v3;
	v4 =	vsel vm14, $0x1, v0;
	vm15 =	vge.s32 v5, v2  }
0x27b: {  	v2 =	vadd.s32 v4, v3;
	v3 =	vsel vm15, $0x1, v0  }
0x27c: {  	v2 =	vadd.s32 v3, v2  }
.LBB2_56:
0x27d: {  	s22 =	simm.s32 $0x0  }
0x27e: {  	v7 =	vld [tilespmem:s22+$0x0]  }
0x27f: {  	s23 =	sxor.u32 $0x80000000, s23;
	v8 =	vld [tilespmem:s22+$0x10]  }
0x280: {  	v2 =	vmov s23;
	v5 =	vld [tilespmem:s22+$0x20]  }
0x281: {  	v6 =	vld [tilespmem:s22+$0x30];
	v3 =	vxor.u32 $0x7FFFFFFF, v2;
	vm0 =	vlt.s32 v2, $0x0  }
0x282: {  	v2 =	vnsel vm0, s23, v3;
	v3 =	vld [tilespmem:s22+$0x40]  }
0x283: {  	v4 =	vld [tilespmem:s22+$0x50];
	vm0 =	vge.f32 v7, v2  }
0x284: {  	s23 =	simm.s32 $0x200;
	v9 =	vnsel vm0, $0x0, v7;
	vm0 =	vge.f32 v8, v2;
	v7 =	vld [tilespmem:s22+$0x60]  }
.LBB2_57:
0x285: {  	s24 =	sshra.s32 s23, $0x2;
	p0 =	sne.s32 s23, $0x1FE00;
	[tilespmem:s22+$0x0] =	vst v9;
	v8 =	vnsel vm0, $0x0, v8;
	vm0 =	vge.f32 v5, v2;
	v9 =	vld [tilespmem:s22+$0x70]  }
0x286: {  	v10 =	vld [tilespmem:s24+$0x0];
	[tilespmem:s22+$0x10] =	vst v8;
	v5 =	vnsel vm0, $0x0, v5;
	vm0 =	vge.f32 v6, v2  }
0x287: {  	v8 =	vld [tilespmem:s24+$0x10];
	[tilespmem:s22+$0x20] =	vst v5;
	v6 =	vnsel vm0, $0x0, v6;
	vm0 =	vge.f32 v3, v2  }
.Ltmp38:
0x288: {  	v5 =	vld [tilespmem:s24+$0x20];
	[tilespmem:s22+$0x30] =	vst v6;
	v3 =	vnsel vm0, $0x0, v3;
	vm0 =	vge.f32 v4, v2;
	(pc) =	sbr.rel @p0 .LBB2_57-.Ltmp38, $4  }
0x289: {  	v6 =	vld [tilespmem:s24+$0x30];
	[tilespmem:s22+$0x40] =	vst v3;
	v4 =	vnsel vm0, $0x0, v4;
	vm0 =	vge.f32 v7, v2  }
0x28a: {  	v3 =	vld [tilespmem:s24+$0x40];
	[tilespmem:s22+$0x50] =	vst v4;
	v7 =	vnsel vm0, $0x0, v7;
	vm0 =	vge.f32 v9, v2  }
0x28b: {  	vm1 =	vge.f32 v10, v2;
	v4 =	vld [tilespmem:s24+$0x50];
	[tilespmem:s22+$0x60] =	vst v7;
	v11 =	vnsel vm0, $0x0, v9  }
0x28c: {  	s23 =	sadd.s32 $0x200, s23;
	v9 =	vnsel vm1, $0x0, v10;
	vm0 =	vge.f32 v8, v2;
	v7 =	vld [tilespmem:s24+$0x60];
	[tilespmem:s22+$0x70] =	vst v11;
	s22 =	smov.u32 s24  }
0x28d: {  	[tilespmem:s22+$0x0] =	vst v9;
	v8 =	vnsel vm0, $0x0, v8;
	vm10 =	vge.f32 v5, v2;
	v9 =	vld [tilespmem:s22+$0x70]  }
0x28e: {  	[tilespmem:s22+$0x10] =	vst v8;
	v5 =	vnsel vm10, $0x0, v5;
	vm11 =	vge.f32 v6, v2  }
0x28f: {  	[tilespmem:s22+$0x20] =	vst v5;
	v5 =	vnsel vm11, $0x0, v6;
	vm12 =	vge.f32 v3, v2  }
0x290: {  	[tilespmem:s22+$0x30] =	vst v5;
	v3 =	vnsel vm12, $0x0, v3;
	vm13 =	vge.f32 v4, v2  }
0x291: {  	[tilespmem:s22+$0x40] =	vst v3;
	v3 =	vnsel vm13, $0x0, v4;
	vm14 =	vge.f32 v7, v2  }
0x292: {  	[tilespmem:s22+$0x50] =	vst v3;
	v3 =	vnsel vm14, $0x0, v7;
	vm15 =	vge.f32 v9, v2  }
0x293: {  	[tilespmem:s22+$0x60] =	vst v3;
	v2 =	vnsel vm15, $0x0, v9  }
0x294: {  	s31 =	simm.s32 $0x0;
	[tilespmem:s22+$0x70] =	vst v2  }
0x295: {  	[hbm4b:s9+s12] =	stream.strided.scatter [tilespmem:s31], [sflag:$0x3], $0x8000, s13, s12, $0x38;
	[tilespmem:$0x18080] =	vst v63  }
0x296: {  	_ =	swait.ge [sflag:s19], $0x8000  }
0x297: {  	[sflag:s19] =	ssyncset.done $0x0  }
0x298: {  	s22 =	simm.s32 $0x0;
	[sflag:s19] =	ssyncadd.s32 $0xFFFF8000  }
0x299: {  	v6 =	vld [tilespmem:s22+$0x8080]  }
0x29a: {  	v7 =	vld [tilespmem:s22+$0x8090]  }
0x29b: {  	v3 =	vld [tilespmem:s22+$0x80A0]  }
0x29c: {  	v5 =	vld [tilespmem:s22+$0x80B0]  }
0x29d: {  	v8 =	vld [tilespmem:s22+$0x80C0]  }
0x29e: {  	v4 =	vld [tilespmem:s22+$0x80D0]  }
0x29f: {  	v2 =	vld [tilespmem:s22+$0x80E0]  }
0x2a0: {  	v22 =	vld [tilespmem:s22+$0x8000]  }
0x2a1: {  	v23 =	vld [tilespmem:s22+$0x8010]  }
0x2a2: {  	v19 =	vld [tilespmem:s22+$0x8020]  }
0x2a3: {  	v20 =	vld [tilespmem:s22+$0x8030]  }
0x2a4: {  	v15 =	vimm.f32 $-Inf;
	v16 =	vimm.f32 $-Inf;
	v21 =	vld [tilespmem:s22+$0x8040]  }
0x2a5: {  	v13 =	vimm.f32 $-Inf;
	v14 =	vimm.f32 $-Inf;
	v10 =	vimm.f32 $-Inf;
	v17 =	vld [tilespmem:s22+$0x8050]  }
0x2a6: {  	s23 =	simm.s32 $0x400;
	v11 =	vimm.f32 $-Inf;
	v12 =	vimm.f32 $-Inf;
	v9 =	vimm.f32 $-Inf;
	v18 =	vld [tilespmem:s22+$0x8060]  }
.LBB2_59:
0x2a7: {  	p0 =	sne.s32 s23, $0x1FC00;
	v24 =	vld [tilespmem:s22+$0x8070]  }
0x2a8: {  	v15 =	vmax.f32 v15, v22;
	v16 =	vmax.f32 v16, v23;
	v22 =	vld [tilespmem:s22+$0x80F0];
	s22 =	sshra.s32 s23, $0x2  }
0x2a9: {  	v15 =	vmax.f32 v15, v6;
	v16 =	vmax.f32 v16, v7;
	v6 =	vld [tilespmem:s22+$0x8080]  }
0x2aa: {  	v9 =	vmax.f32 v9, v19;
	v13 =	vmax.f32 v13, v20;
	v14 =	vmax.f32 v14, v21;
	v7 =	vld [tilespmem:s22+$0x8090]  }
0x2ab: {  	v9 =	vmax.f32 v9, v3;
	v13 =	vmax.f32 v13, v5;
	v14 =	vmax.f32 v14, v8;
	v3 =	vld [tilespmem:s22+$0x80A0]  }
0x2ac: {  	v10 =	vmax.f32 v10, v17;
	v11 =	vmax.f32 v11, v18;
	v5 =	vld [tilespmem:s22+$0x80B0];
	v12 =	vmax.f32 v12, v24  }
0x2ad: {  	v10 =	vmax.f32 v10, v4;
	v11 =	vmax.f32 v11, v2;
	v8 =	vld [tilespmem:s22+$0x80C0];
	v12 =	vmax.f32 v12, v22  }
0x2ae: {  	v4 =	vld [tilespmem:s22+$0x80D0]  }
0x2af: {  	v2 =	vld [tilespmem:s22+$0x80E0]  }
0x2b0: {  	v22 =	vld [tilespmem:s22+$0x8000]  }
0x2b1: {  	v23 =	vld [tilespmem:s22+$0x8010]  }
.Ltmp39:
0x2b2: {  	v19 =	vld [tilespmem:s22+$0x8020];
	(pc) =	sbr.rel @p0 .LBB2_59-.Ltmp39, $4  }
0x2b3: {  	v20 =	vld [tilespmem:s22+$0x8030]  }
0x2b4: {  	v21 =	vld [tilespmem:s22+$0x8040]  }
0x2b5: {  	v17 =	vld [tilespmem:s22+$0x8050]  }
0x2b6: {  	s23 =	sadd.s32 $0x400, s23;
	v18 =	vld [tilespmem:s22+$0x8060]  }
0x2b7: {  	v24 =	vld [tilespmem:s22+$0x8070];
	v15 =	vmax.f32 v15, v22  }
0x2b8: {  	v16 =	vmax.f32 v16, v23;
	v9 =	vmax.f32 v9, v19;
	v6 =	vmax.f32 v15, v6  }
0x2b9: {  	v60 =	vld [tilespmem:s22+$0x80F0];
	v7 =	vmax.f32 v16, v7;
	v13 =	vmax.f32 v13, v20;
	v9 =	vmax.f32 v9, v3  }
0x2ba: {  	v14 =	vmax.f32 v14, v21;
	v5 =	vmax.f32 v13, v5;
	v3 =	vmax.f32 v10, v17  }
0x2bb: {  	v61 =	vmax.f32 v14, v8;
	v8 =	vmax.f32 v11, v18;
	v11 =	vmax.f32 v3, v4  }
0x2bc: {  	v3 =	vshra.s32 v6, $0x1F;
	v4 =	vshra.s32 v7, $0x1F;
	v10 =	vmax.f32 v12, v24  }
0x2bd: {  	v62 =	vmax.f32 v8, v2;
	v2 =	vand.u32 $0x7FFFFFFF, v3;
	v3 =	vand.u32 $0x7FFFFFFF, v4  }
0x2be: {  	v4 =	vshra.s32 v9, $0x1F;
	v10 =	vmax.f32 v10, v60;
	v2 =	vxor.u32 v6, v2  }
0x2bf: {  	v3 =	vxor.u32 v7, v3;
	v6 =	vshra.s32 v5, $0x1F;
	v7 =	vshra.s32 v61, $0x1F  }
0x2c0: {  	v4 =	vand.u32 $0x7FFFFFFF, v4;
	v6 =	vand.u32 $0x7FFFFFFF, v6;
	v7 =	vand.u32 $0x7FFFFFFF, v7  }
0x2c1: {  	v8 =	vxor.u32 v9, v4;
	v9 =	vshra.s32 v10, $0x1F;
	v6 =	vxor.u32 v5, v6  }
0x2c2: {  	v4 =	vxor.u32 v61, v7;
	v5 =	vshra.s32 v11, $0x1F;
	v7 =	vshra.s32 v62, $0x1F  }
0x2c3: {  	v63 =	vand.u32 $0x7FFFFFFF, v9;
	v5 =	vand.u32 $0x7FFFFFFF, v5;
	v7 =	vand.u32 $0x7FFFFFFF, v7  }
0x2c4: {  	s22 =	simm.s32 $0x0;
	s25 =	simm.s32 $0x80000000;
	s23 =	simm.s32 $0x1;
	v9 =	vxor.u32 v11, v5;
	v7 =	vxor.u32 v62, v7;
	v5 =	vxor.u32 v10, v63  }
.LBB2_61:
0x2c5: {  	p0 =	sne.s32 s23, $0x1F;
	s24 =	sor.u32 s25, s22  }
0x2c6: {  	s25 =	sxor.u32 $0x80000000, s24  }
0x2c7: {  	vm0 =	vge.s32 v2, s25;
	vm1 =	vge.s32 v3, s25  }
0x2c8: {  	v10 =	vsel vm0, $0x1, v0;
	v11 =	vsel vm1, $0x1, v0;
	vm0 =	vge.s32 v8, s25  }
0x2c9: {  	v10 =	vadd.s32 v11, v10;
	v11 =	vsel vm0, $0x1, v0;
	vm0 =	vge.s32 v6, s25  }
0x2ca: {  	v10 =	vadd.s32 v11, v10;
	v11 =	vsel vm0, $0x1, v0;
	vm0 =	vge.s32 v4, s25  }
0x2cb: {  	v10 =	vadd.s32 v11, v10;
	v11 =	vsel vm0, $0x1, v0;
	vm0 =	vge.s32 v9, s25  }
0x2cc: {  	v10 =	vadd.s32 v11, v10;
	v11 =	vsel vm0, $0x1, v0;
	vm0 =	vge.s32 v7, s25  }
0x2cd: {  	v10 =	vadd.s32 v11, v10;
	v11 =	vsel vm0, $0x1, v0;
	vm0 =	vge.s32 v5, s25  }
0x2ce: {  	v10 =	vadd.s32 v11, v10;
	v11 =	vsel vm0, $0x1, v0  }
0x2cf: {  	v10 =	vadd.s32 v11, v10  }
0x2d0: {  	(xrf0) =	vadd.scan.msk.s32 $0xffff, v10;
	_ =	sdelay $0x5  }
0x2d1: {  	v10, _, _ =	vpop (xrf0)  }
0x2d2: {  	(v2sf) =	vpush v10, $0xF;
	_ =	sdelay $0xc  }
.Ltmp40:
0x2d3: {  	(pc) =	sbr.rel @p0 .LBB2_61-.Ltmp40, $4  }
0x2d4: {  	_ = 	snop  }
0x2d5: {  	s25 =	spop (v2sf)  }
0x2d6: {  	p1 =	sgt.s32 s25, $0x3F  }
0x2d7: {  	s25 =	sshrl.u32 s16, s23;
	s23 =	sadd.s32 $0x1, s23;
	s22 =	smov.u32 @p1 s24  }
0x2d8: {  	s23 =	sor.u32 s25, s22  }
0x2d9: {  	s24 =	sxor.u32 $0x80000000, s23  }
0x2da: {  	vm0 =	vge.s32 v2, s24;
	vm1 =	vge.s32 v3, s24  }
0x2db: {  	vm9 =	vge.s32 v8, s24;
	v2 =	vsel vm0, $0x1, v0;
	v3 =	vsel vm1, $0x1, v0  }
0x2dc: {  	vm10 =	vge.s32 v6, s24;
	v2 =	vadd.s32 v3, v2;
	v3 =	vsel vm9, $0x1, v0  }
0x2dd: {  	vm11 =	vge.s32 v4, s24;
	v2 =	vadd.s32 v3, v2;
	v3 =	vsel vm10, $0x1, v0  }
0x2de: {  	vm12 =	vge.s32 v9, s24;
	v2 =	vadd.s32 v3, v2;
	v3 =	vsel vm11, $0x1, v0  }
0x2df: {  	vm13 =	vge.s32 v7, s24;
	v2 =	vadd.s32 v3, v2;
	v3 =	vsel vm12, $0x1, v0  }
0x2e0: {  	vm14 =	vge.s32 v5, s24;
	v2 =	vadd.s32 v3, v2;
	v3 =	vsel vm13, $0x1, v0  }
0x2e1: {  	v2 =	vadd.s32 v3, v2;
	v3 =	vsel vm14, $0x1, v0  }
0x2e2: {  	v2 =	vadd.s32 v3, v2  }
0x2e3: {  	(xrf0) =	vadd.scan.msk.s32 $0xffff, v2;
	_ =	sdelay $0x5  }
0x2e4: {  	v2, _, _ =	vpop (xrf0)  }
0x2e5: {  	(v2sf) =	vpush v2, $0xF;
	_ =	sdelay $0xe  }
0x2e6: {  	s31 =	spop (v2sf)  }
0x2e7: {  	p0 =	sgt.s32 s31, $0x3F  }
0x2e8: {  	s22 =	smov.u32 @p0 s23  }
0x2e9: {  	s22 =	sxor.u32 $0x80000000, s22  }
0x2ea: {  	v2 =	vmov s22  }
0x2eb: {  	v3 =	vxor.u32 $0x7FFFFFFF, v2;
	vm15 =	vlt.s32 v2, $0x0  }
0x2ec: {  	v2 =	vnsel vm15, s22, v3;
	v3 =	vlaneseq.u32;
	s22 =	simm.s32 $0x0  }
.LBB2_63:
0x2ed: {  	s23 =	sshra.s32 s22, $0x2  }
0x2ee: {  	v4 =	vld [tilespmem:s23+$0x8000];
	_ =	sdelay $0x4  }
0x2ef: {  	vm0 =	vge.f32 v4, v2;
	_ =	sdelay $0x5  }
0x2f0: {  	[tilespmem:v3+s17+$0x0] =	vst.idx.msk vm0, v4  }
0x2f1: {  	v4 =	vld [tilespmem:s23+$0x8010];
	_ =	sdelay $0x4  }
0x2f2: {  	v5 =	vsel vm0, $0x10, v0;
	vm9 =	vge.f32 v4, v2  }
0x2f3: {  	v3 =	vadd.s32 v3, v5;
	_ =	sdelay $0x4  }
0x2f4: {  	[tilespmem:v3+s17+$0x0] =	vst.idx.msk vm9, v4  }
0x2f5: {  	v4 =	vld [tilespmem:s23+$0x8020];
	_ =	sdelay $0x4  }
0x2f6: {  	v5 =	vsel vm9, $0x10, v0;
	vm10 =	vge.f32 v4, v2  }
0x2f7: {  	v3 =	vadd.s32 v3, v5;
	_ =	sdelay $0x4  }
0x2f8: {  	[tilespmem:v3+s17+$0x0] =	vst.idx.msk vm10, v4  }
0x2f9: {  	v4 =	vld [tilespmem:s23+$0x8030];
	_ =	sdelay $0x4  }
0x2fa: {  	v5 =	vsel vm10, $0x10, v0;
	vm11 =	vge.f32 v4, v2  }
0x2fb: {  	v3 =	vadd.s32 v3, v5;
	_ =	sdelay $0x4  }
0x2fc: {  	[tilespmem:v3+s17+$0x0] =	vst.idx.msk vm11, v4  }
0x2fd: {  	v4 =	vld [tilespmem:s23+$0x8040];
	_ =	sdelay $0x4  }
0x2fe: {  	v5 =	vsel vm11, $0x10, v0;
	vm12 =	vge.f32 v4, v2  }
0x2ff: {  	v3 =	vadd.s32 v3, v5;
	_ =	sdelay $0x4  }
0x300: {  	[tilespmem:v3+s17+$0x0] =	vst.idx.msk vm12, v4  }
0x301: {  	v4 =	vld [tilespmem:s23+$0x8050];
	_ =	sdelay $0x4  }
0x302: {  	v5 =	vsel vm12, $0x10, v0;
	vm13 =	vge.f32 v4, v2  }
0x303: {  	v3 =	vadd.s32 v3, v5;
	_ =	sdelay $0x4  }
0x304: {  	[tilespmem:v3+s17+$0x0] =	vst.idx.msk vm13, v4  }
0x305: {  	v4 =	vld [tilespmem:s23+$0x8060];
	_ =	sdelay $0x4  }
0x306: {  	v5 =	vsel vm13, $0x10, v0;
	vm14 =	vge.f32 v4, v2  }
0x307: {  	v3 =	vadd.s32 v3, v5;
	_ =	sdelay $0x4  }
0x308: {  	[tilespmem:v3+s17+$0x0] =	vst.idx.msk vm14, v4  }
0x309: {  	v4 =	vld [tilespmem:s23+$0x8070];
	_ =	sdelay $0x4  }
0x30a: {  	v5 =	vsel vm14, $0x10, v0;
	vm15 =	vge.f32 v4, v2  }
0x30b: {  	p0 =	sne.s32 s22, $0x1FE00;
	v3 =	vadd.s32 v3, v5  }
.Ltmp41:
0x30c: {  	_ = 	snop;
	(pc) =	sbr.rel @p0 .LBB2_63-.Ltmp41, $3  }
0x30d: {  	_ =	sdelay $0x1  }
0x30e: {  	v5 =	vsel vm15, $0x10, v0  }
0x30f: {  	s22 =	sadd.s32 $0x200, s22;
	[tilespmem:v3+s17+$0x0] =	vst.idx.msk vm15, v4;
	v3 =	vadd.s32 v3, v5  }
0x310: {  	v2 =	vadd.s32 v1, v3  }
0x311: {  	v2 =	vshrl.u32 v2, $0x4  }
0x312: {  	v3 =	vor.u32 $0x80000000, v2  }
0x313: {  	(xrf0) =	vmax.scan.msk.u32 $0xffff, v3;
	_ =	sdelay $0x5  }
0x314: {  	v3, _, _ =	vpop (xrf0)  }
0x315: {  	(v2sf) =	vpush v3, $0xF;
	_ =	sdelay $0xe  }
0x316: {  	s22 =	spop (v2sf)  }
0x317: {  	s22 =	sadd.s32 $0x80000003, s22  }
0x318: {  	p0 =	sgt.s32 s22, $0x3  }
.Ltmp42:
0x319: {  	_ = 	snop;
	(pc) =	sbr.rel @!p0 .LBB2_68-.Ltmp42, $1  }
0x31a: {  	_ =	sdelay $0x3  }
0x31b: {  	s24 =	simm.s32 $0x10000  }
0x31c: {  	v3 =	vld [tilespmem:s24+$0x0];
	_ =	sdelay $0x1  }
0x31d: {  	s23 =	sand.u32 $0xFFFFFFFC, s22  }
0x31e: {  	p0 =	seq.s32 s23, $0x1  }
.Ltmp43:
0x31f: {  	_ = 	snop;
	(pc) =	sbr.rel @p0 .LBB2_67-.Ltmp43, $4  }
0x320: {  	s25 =	simm.s32 $0x0;
	v4 =	vshra.s32 v3, $0x1F  }
0x321: {  	v5 =	vmov s25;
	v4 =	vand.u32 $0x7FFFFFFF, v4  }
0x322: {  	vm0 =	vlt.u32 v5, v2;
	v3 =	vxor.u32 v3, v4  }
0x323: {  	s25 =	simm.s32 $0x1;
	v3 =	vnsel vm0, $0x807FFFFF, v3  }
.LBB2_66:
0x324: {  	[tilespmem:s24+$0x0] =	vst v3;
	s24 =	sadd.s32 $0x10, s24;
	s26 =	smov.u32 s25;
	s25 =	sadd.s32 $0x1, s25  }
0x325: {  	v3 =	vld [tilespmem:s24+$0x0];
	p0 =	seq.s32 s23, s25;
	_ =	sdelay $0x3  }
.Ltmp44:
0x326: {  	(pc) =	sbr.rel @!p0 .LBB2_66-.Ltmp44, $4  }
0x327: {  	v4 =	vshra.s32 v3, $0x1F  }
0x328: {  	v5 =	vmov s26;
	v4 =	vand.u32 $0x7FFFFFFF, v4  }
0x329: {  	vm0 =	vlt.u32 v5, v2;
	v3 =	vxor.u32 v3, v4  }
0x32a: {  	v3 =	vnsel vm0, $0x807FFFFF, v3  }
.LBB2_67:
0x32b: {  	[tilespmem:s24+$0x0] =	vst v3  }
.LBB2_68:
.Ltmp45:
0x32c: {  	(pc) =	sbr.rel .LBB2_69-.Ltmp45, $3  }
0x32d: {  	_ =	sdelay $0x1  }
0x32e: {  	s22 =	sshra.s32 s22, $0x2  }
0x32f: {  	s23 =	simm.s32 $0x0;
	s24 =	simm.s32 $0x0;
	p0 =	slt.s32 s22, $0x1  }
.LBB2_70:
0x330: {  	v2 =	vimm.s32 $0x0  }
.LBB2_74:
0x331: {  	(xrf0) =	vadd.scan.msk.s32 $0xffff, v2;
	_ =	sdelay $0x5  }
0x332: {  	v2, _, _ =	vpop (xrf0)  }
0x333: {  	(v2sf) =	vpush v2, $0xF;
	_ =	sdelay $0xa  }
0x334: {  	s24 =	sadd.s32 $0x1, s24  }
0x335: {  	p2 =	sne.s32 s24, $0x20  }
.Ltmp46:
0x336: {  	_ = 	snop;
	(pc) =	sbr.rel @!p2 .LBB2_75-.Ltmp46, $4  }
0x337: {  	_ = 	snop  }
0x338: {  	s26 =	spop (v2sf)  }
0x339: {  	p1 =	sgt.s32 s26, $0x3F  }
0x33a: {  	s23 =	smov.u32 @p1 s25  }
.LBB2_69:
.Ltmp47:
0x33b: {  	(pc) =	sbr.rel @p0 .LBB2_70-.Ltmp47, $3  }
0x33c: {  	_ =	sdelay $0x1  }
0x33d: {  	s25 =	sshrl.u32 s16, s24  }
0x33e: {  	s25 =	sor.u32 s25, s23  }
0x33f: {  	s28 =	simm.s32 $0x10020  }
0x340: {  	p1 =	sne.s32 s22, $0x1;
	v7 =	vld [tilespmem:s28+$0xFFFFFFE0]  }
.Ltmp48:
0x341: {  	v3 =	vld [tilespmem:s28+$0xFFFFFFF0];
	(pc) =	sbr.rel @!p1 .LBB2_73-.Ltmp48, $4  }
0x342: {  	v4 =	vld [tilespmem:s28+$0x0]  }
0x343: {  	s26 =	sxor.u32 $0x80000000, s25;
	v5 =	vld [tilespmem:s28+$0x10]  }
0x344: {  	v2 =	vmov s26  }
0x345: {  	v6 =	vimm.s32 $0x0;
	s26 =	sadd.s32 $0xFFFFFFFF, s22;
	s28 =	simm.s32 $0x10060;
	vm0 =	vge.s32 v7, v2  }
.LBB2_72:
0x346: {  	v7 =	vld [tilespmem:s28+$0xFFFFFFE0];
	p1 =	sne.s32 s26, $0x1;
	s26 =	sadd.s32 $0xFFFFFFFF, s26;
	v8 =	vsel vm0, $0x1, v0;
	vm0 =	vge.s32 v3, v2  }
.Ltmp49:
0x347: {  	v3 =	vld [tilespmem:s28+$0xFFFFFFF0];
	v6 =	vadd.s32 v8, v6;
	v8 =	vsel vm0, $0x1, v0;
	vm0 =	vge.s32 v4, v2;
	(pc) =	sbr.rel @p1 .LBB2_72-.Ltmp49, $4  }
0x348: {  	v4 =	vld [tilespmem:s28+$0x0];
	v6 =	vadd.s32 v8, v6;
	v8 =	vsel vm0, $0x1, v0;
	vm0 =	vge.s32 v5, v2  }
0x349: {  	v5 =	vld [tilespmem:s28+$0x10];
	v6 =	vadd.s32 v8, v6;
	v8 =	vsel vm0, $0x1, v0  }
0x34a: {  	v6 =	vadd.s32 v8, v6  }
0x34b: {  	s28 =	sadd.s32 $0x40, s28;
	vm0 =	vge.s32 v7, v2  }
.LBB2_73:
.Ltmp50:
0x34c: {  	v7 =	vsel vm0, $0x1, v0;
	vm13 =	vge.s32 v3, v2;
	(pc) =	sbr.rel .LBB2_74-.Ltmp50, $4  }
0x34d: {  	v3 =	vadd.s32 v7, v6;
	v63 =	vsel vm13, $0x1, v0;
	vm14 =	vge.s32 v4, v2  }
0x34e: {  	v3 =	vadd.s32 v63, v3;
	v4 =	vsel vm14, $0x1, v0;
	vm15 =	vge.s32 v5, v2  }
0x34f: {  	v2 =	vadd.s32 v4, v3;
	v3 =	vsel vm15, $0x1, v0  }
0x350: {  	v2 =	vadd.s32 v3, v2  }
.LBB2_75:
0x351: {  	s22 =	simm.s32 $0x0  }
0x352: {  	v7 =	vld [tilespmem:s22+$0x8000]  }
0x353: {  	s23 =	sxor.u32 $0x80000000, s23;
	v8 =	vld [tilespmem:s22+$0x8010]  }
0x354: {  	v2 =	vmov s23;
	v5 =	vld [tilespmem:s22+$0x8020]  }
0x355: {  	v6 =	vld [tilespmem:s22+$0x8030];
	v3 =	vxor.u32 $0x7FFFFFFF, v2;
	vm0 =	vlt.s32 v2, $0x0  }
0x356: {  	v2 =	vnsel vm0, s23, v3;
	v3 =	vld [tilespmem:s22+$0x8040]  }
0x357: {  	v4 =	vld [tilespmem:s22+$0x8050];
	vm0 =	vge.f32 v7, v2  }
0x358: {  	s23 =	simm.s32 $0x200;
	v9 =	vnsel vm0, $0x0, v7;
	vm0 =	vge.f32 v8, v2;
	v7 =	vld [tilespmem:s22+$0x8060]  }
.LBB2_76:
0x359: {  	s24 =	sshra.s32 s23, $0x2;
	p0 =	sne.s32 s23, $0x1FE00;
	[tilespmem:s22+$0x8000] =	vst v9;
	v8 =	vnsel vm0, $0x0, v8;
	vm0 =	vge.f32 v5, v2;
	v9 =	vld [tilespmem:s22+$0x8070]  }
0x35a: {  	v10 =	vld [tilespmem:s24+$0x8000];
	[tilespmem:s22+$0x8010] =	vst v8;
	v5 =	vnsel vm0, $0x0, v5;
	vm0 =	vge.f32 v6, v2  }
0x35b: {  	v8 =	vld [tilespmem:s24+$0x8010];
	[tilespmem:s22+$0x8020] =	vst v5;
	v6 =	vnsel vm0, $0x0, v6;
	vm0 =	vge.f32 v3, v2  }
.Ltmp51:
0x35c: {  	v5 =	vld [tilespmem:s24+$0x8020];
	[tilespmem:s22+$0x8030] =	vst v6;
	v3 =	vnsel vm0, $0x0, v3;
	vm0 =	vge.f32 v4, v2;
	(pc) =	sbr.rel @p0 .LBB2_76-.Ltmp51, $4  }
0x35d: {  	v6 =	vld [tilespmem:s24+$0x8030];
	[tilespmem:s22+$0x8040] =	vst v3;
	v4 =	vnsel vm0, $0x0, v4;
	vm0 =	vge.f32 v7, v2  }
0x35e: {  	v3 =	vld [tilespmem:s24+$0x8040];
	[tilespmem:s22+$0x8050] =	vst v4;
	v7 =	vnsel vm0, $0x0, v7;
	vm0 =	vge.f32 v9, v2  }
0x35f: {  	vm1 =	vge.f32 v10, v2;
	v4 =	vld [tilespmem:s24+$0x8050];
	[tilespmem:s22+$0x8060] =	vst v7;
	v11 =	vnsel vm0, $0x0, v9  }
0x360: {  	s23 =	sadd.s32 $0x200, s23;
	v9 =	vnsel vm1, $0x0, v10;
	vm0 =	vge.f32 v8, v2;
	v7 =	vld [tilespmem:s24+$0x8060];
	[tilespmem:s22+$0x8070] =	vst v11;
	s22 =	smov.u32 s24  }
0x361: {  	[tilespmem:s22+$0x8000] =	vst v9;
	v8 =	vnsel vm0, $0x0, v8;
	vm10 =	vge.f32 v5, v2;
	v62 =	vld [tilespmem:s22+$0x8070]  }
0x362: {  	[tilespmem:s22+$0x8010] =	vst v8;
	v5 =	vnsel vm10, $0x0, v5;
	vm11 =	vge.f32 v6, v2  }
0x363: {  	[tilespmem:s22+$0x8020] =	vst v5;
	v63 =	vnsel vm11, $0x0, v6;
	vm12 =	vge.f32 v3, v2  }
0x364: {  	[tilespmem:s22+$0x8030] =	vst v63;
	v3 =	vnsel vm12, $0x0, v3;
	vm13 =	vge.f32 v4, v2  }
0x365: {  	[tilespmem:s22+$0x8040] =	vst v3;
	v3 =	vnsel vm13, $0x0, v4;
	vm14 =	vge.f32 v7, v2  }
0x366: {  	[tilespmem:s22+$0x8050] =	vst v3;
	v3 =	vnsel vm14, $0x0, v7;
	vm15 =	vge.f32 v62, v2  }
0x367: {  	[tilespmem:s22+$0x8060] =	vst v3;
	v2 =	vnsel vm15, $0x0, v62  }
0x368: {  	s21 =	sadd.s32 $0x1, s21;
	[tilespmem:s22+$0x8070] =	vst v2  }
0x369: {  	[hbm4b:s10+s12] =	stream.strided.scatter [tilespmem:s14], [sflag:$0x4], $0x8000, s13, s12, $0x38;
	[tilespmem:$0x18080] =	vst v63  }
0x36a: {  	p0 =	sne.s32 s21, s11;
	_ =	swait.ge [sflag:s18], $0x8000  }
.Ltmp52:
0x36b: {  	[sflag:s18] =	ssyncset.done $0x0;
	(pc) =	sbr.rel @p0 .LBB2_1-.Ltmp52, $4  }
0x36c: {  	[sflag:s18] =	ssyncadd.s32 $0xFFFF8000  }
0x36d: {  	_ =	swait.ge [sflag:s20], $0x8000  }
0x36e: {  	[sflag:s20] =	ssyncset.done $0x0  }
0x36f: {  	[sflag:s20] =	ssyncadd.s32 $0xFFFF8000  }
0x370: {  	_ =	sfence.sel $0x180000  }
0x371: {  	[bflag:$0x0] =	sbarrier.arrive $0xFFFF  }
0x372: {  	p0 =	sne.s32 s1, $0x0;
	_ =	strace $0x90000047  }
0x373: {  	s0 =	sadd.s32 @!p0 $0x100000, s0;
	[bflag:$0x2] =	sbarrier.arrive $0xFFFF  }
0x374: {  	[sflag:s0] =	ssyncadd.tile.s32 @!p0 $0x1;
	_ =	shalt  }
.Lfunc_end2:
_tile_overlayer_lowered:
.L_overlay_start_2:
0x375: {  	(tag) =	ssettag $0x2  }
0x376: {  	s0 =	rddreg [dreg:$0x0];
	s2 =	stileid.u32  }
0x377: {  	s1 =	rddreg [dreg:$0x1];
	p0 =	sne.s32 s2, $0x0  }
0x378: {  	s3 =	rddreg [dreg:$0x2];
	[bflag:$0x3] =	sbarrier.arrive $0xFFFF;
	s2 =	simm.s32 @!p0 $0x1C05  }
0x379: {  	[timem:s3], [sflag:s2] =	dma.local @!p0 [hbm:s0], s1  }
0x37a: {  	s0 =	simm.s32 @!p0 $0x5  }
0x37b: {  	_ =	swait.ge @!p0 [sflag:s0], s1  }
0x37c: {  	s1 =	ssub.s32 @!p0 $0x0, s1;
	[sflag:s0] =	ssyncset.done @!p0 $0x0  }
0x37d: {  	[sflag:s0] =	ssyncadd.s32 @!p0 s1  }
0x37e: {  	[bflag:$0x3] =	sbarrier.arrive $0xFFFF  }
0x37f: {  	_ =	shalt  }

</sc_bundles>
